<compile_context>
chip_gen: v7x
topology: tpu7x:2x2x1
jax: 0.10.2.dev20260603
libtpu: 0.0.44.dev20260713+nightly
codegen_flags: <defaults>
</compile_context>

<pallas_src>
import functools

import jax
import jax.numpy as jnp
from jax import lax
from jax.experimental import pallas as pl
from jax.experimental.pallas import tpu as pltpu
from jax.experimental.pallas import tpu_sc as plsc

N = 10000
D = 256
HF = 128
E = 160000
NC = 2
NS = 16
CH = 128
EPT = 10240
E_PAD = EPT * NS
NCH_G = EPT // CH
EPT_DEG = E_PAD // (NC * NS)
NCH_DEG = EPT_DEG // CH
N_ACC = 10240
ROWS_PT = N_ACC // NS
ROWS_LAST = N - (NS - 1) * ROWS_PT
NBUF = 2
NSTG = 2
CHPS = NCH_G // NSTG
MB = 512
GRID_M = N_ACC // MB

_MESH = dict(core_axis_name="c", subcore_axis_name="s",
             num_cores=NC, num_subcores=NS)


@functools.partial(
    pl.kernel,
    out_type=jax.ShapeDtypeStruct((NC, N_ACC), jnp.float32),
    mesh=plsc.VectorSubcoreMesh(**_MESH),
    scratch_types=[
        pltpu.VMEM((NCH_DEG, CH), jnp.int32),
        pltpu.VMEM((CH,), jnp.float32),
        pltpu.VMEM((ROWS_PT,), jnp.float32),
        pltpu.VMEM_SHARED((N_ACC,), jnp.float32),
    ],
)
def _deg_kernel(dst_hbm, out_hbm, idx_v, ones_v, zero_v, acc):
    c = lax.axis_index("c")
    s = lax.axis_index("s")
    w = c * NS + s
    for i in range(CH // 16):
        ones_v[pl.ds(i * 16, 16)] = jnp.ones((16,), jnp.float32)
    for i in range(ROWS_PT // 16):
        zero_v[pl.ds(i * 16, 16)] = jnp.zeros((16,), jnp.float32)
    pltpu.sync_copy(dst_hbm.at[pl.ds(w * NCH_DEG, NCH_DEG)], idx_v)
    pltpu.sync_copy(zero_v, acc.at[pl.ds(s * ROWS_PT, ROWS_PT)])
    plsc.subcore_barrier()

    def body(j):
        pltpu.sync_copy(ones_v, acc.at[idx_v.at[j]], add=True)

    pl.loop(0, NCH_DEG)(body)
    plsc.subcore_barrier()
    pltpu.sync_copy(acc.at[pl.ds(s * ROWS_PT, ROWS_PT)],
                    out_hbm.at[c, pl.ds(s * ROWS_PT, ROWS_PT)])


@functools.partial(
    pl.kernel,
    out_type=(jax.ShapeDtypeStruct((N, HF), jnp.float32),
              jax.ShapeDtypeStruct((N, HF), jnp.float32)),
    mesh=plsc.VectorSubcoreMesh(**_MESH),
    scratch_types=[
        pltpu.VMEM((CHPS, CH), jnp.int32),
        pltpu.VMEM((CHPS, CH), jnp.int32),
        pltpu.VMEM_SHARED((N_ACC, HF), jnp.float32),
    ] + [pltpu.VMEM((CH, HF), jnp.float32) for _ in range(NBUF)]
      + [pltpu.SemaphoreType.DMA for _ in range(NBUF)],
)
def _agg_kernel(h0, h1, src_hbm, dst_hbm, o0, o1,
                idx_s, idx_d, acc, r0, r1, m0, m1):
    c = lax.axis_index("c")
    s = lax.axis_index("s")
    rows = (r0, r1)
    sems = (m0, m1)
    base_r = s * ROWS_PT

    def half(h_ref, o_ref):
        @pl.when(s < NS - 1)
        def _():
            pltpu.sync_copy(h_ref.at[pl.ds(base_r, ROWS_PT)],
                            acc.at[pl.ds(base_r, ROWS_PT)])

        @pl.when(s == NS - 1)
        def _():
            pltpu.sync_copy(h_ref.at[pl.ds(base_r, ROWS_LAST)],
                            acc.at[pl.ds(base_r, ROWS_LAST)])

        plsc.subcore_barrier()

        for g in range(NSTG):
            ebase = s * NCH_G + g * CHPS
            pltpu.sync_copy(src_hbm.at[pl.ds(ebase, CHPS)], idx_s)
            pltpu.sync_copy(dst_hbm.at[pl.ds(ebase, CHPS)], idx_d)

            for b in range(NBUF):
                pltpu.async_copy(h_ref.at[idx_s.at[b]], rows[b], sems[b])

            def body(j):
                for b in range(NBUF):
                    jj = j + b
                    pltpu.make_async_copy(h_ref.at[idx_s.at[jj]], rows[b],
                                          sems[b]).wait()
                    pltpu.sync_copy(rows[b], acc.at[idx_d.at[jj]], add=True)

                    @pl.when(jj + NBUF < CHPS)
                    def _():
                        pltpu.async_copy(h_ref.at[idx_s.at[jj + NBUF]],
                                         rows[b], sems[b])

            pl.loop(0, CHPS, step=NBUF)(body)
        plsc.subcore_barrier()

        @pl.when(s < NS - 1)
        def _():
            pltpu.sync_copy(acc.at[pl.ds(base_r, ROWS_PT)],
                            o_ref.at[pl.ds(base_r, ROWS_PT)])

        @pl.when(s == NS - 1)
        def _():
            pltpu.sync_copy(acc.at[pl.ds(base_r, ROWS_LAST)],
                            o_ref.at[pl.ds(base_r, ROWS_LAST)])

    @pl.when(c == 0)
    def _():
        half(h0, o0)

    @pl.when(c == 1)
    def _():
        half(h1, o1)


def _m1_body(x_ref, w_ref, d0_ref, d1_ref, h0_ref, h1_ref, dinv_ref):
    deg = d0_ref[...] + d1_ref[...] + 1.0
    dinv = lax.rsqrt(deg)
    h = jnp.dot(x_ref[...], w_ref[...],
                preferred_element_type=jnp.float32) * dinv
    h0_ref[...] = h[:, :HF]
    h1_ref[...] = h[:, HF:]
    dinv_ref[...] = dinv


def _m1(x, W1, d0, d1):
    return pl.pallas_call(
        _m1_body,
        grid=(GRID_M,),
        in_specs=[
            pl.BlockSpec((MB, D), lambda i: (i, 0)),
            pl.BlockSpec((D, D), lambda i: (0, 0)),
            pl.BlockSpec((MB, 1), lambda i: (i, 0)),
            pl.BlockSpec((MB, 1), lambda i: (i, 0)),
        ],
        out_specs=[
            pl.BlockSpec((MB, HF), lambda i: (i, 0)),
            pl.BlockSpec((MB, HF), lambda i: (i, 0)),
            pl.BlockSpec((MB, 1), lambda i: (i, 0)),
        ],
        out_shape=[
            jax.ShapeDtypeStruct((N, HF), jnp.float32),
            jax.ShapeDtypeStruct((N, HF), jnp.float32),
            jax.ShapeDtypeStruct((N_ACC, 1), jnp.float32),
        ],
    )(x, W1, d0, d1)


def _m2_body(o0_ref, o1_ref, dinv_ref, b1_ref, w2_ref, g0_ref, g1_ref):
    dinv = dinv_ref[...]
    t = jnp.concatenate([o0_ref[...], o1_ref[...]], axis=1) * dinv + b1_ref[...]
    t = jnp.maximum(t, 0.0)
    g = jnp.dot(t, w2_ref[...], preferred_element_type=jnp.float32) * dinv
    g0_ref[...] = g[:, :HF]
    g1_ref[...] = g[:, HF:]


def _m2(o0, o1, dinv, b1r, W2):
    return pl.pallas_call(
        _m2_body,
        grid=(GRID_M,),
        in_specs=[
            pl.BlockSpec((MB, HF), lambda i: (i, 0)),
            pl.BlockSpec((MB, HF), lambda i: (i, 0)),
            pl.BlockSpec((MB, 1), lambda i: (i, 0)),
            pl.BlockSpec((1, D), lambda i: (0, 0)),
            pl.BlockSpec((D, D), lambda i: (0, 0)),
        ],
        out_specs=[
            pl.BlockSpec((MB, HF), lambda i: (i, 0)),
            pl.BlockSpec((MB, HF), lambda i: (i, 0)),
        ],
        out_shape=[
            jax.ShapeDtypeStruct((N, HF), jnp.float32),
            jax.ShapeDtypeStruct((N, HF), jnp.float32),
        ],
    )(o0, o1, dinv, b1r, W2)


def _m3_body(p0_ref, p1_ref, dinv_ref, b2_ref, out_ref):
    out_ref[...] = (jnp.concatenate([p0_ref[...], p1_ref[...]], axis=1)
                    * dinv_ref[...] + b2_ref[...])


def _m3(p0, p1, dinv, b2r):
    return pl.pallas_call(
        _m3_body,
        grid=(GRID_M,),
        in_specs=[
            pl.BlockSpec((MB, HF), lambda i: (i, 0)),
            pl.BlockSpec((MB, HF), lambda i: (i, 0)),
            pl.BlockSpec((MB, 1), lambda i: (i, 0)),
            pl.BlockSpec((1, D), lambda i: (0, 0)),
        ],
        out_specs=pl.BlockSpec((MB, D), lambda i: (i, 0)),
        out_shape=jax.ShapeDtypeStruct((N, D), jnp.float32),
    )(p0, p1, dinv, b2r)


def kernel(x, edge_index, W1, b1, W2, b2):
    src = edge_index[0]
    dst = edge_index[1]
    pad = E_PAD - E
    src_r = jnp.concatenate(
        [src, jnp.zeros((pad,), src.dtype)]).reshape(E_PAD // CH, CH)
    dst_r = jnp.concatenate(
        [dst, jnp.full((pad,), N, dst.dtype)]).reshape(E_PAD // CH, CH)

    degp = _deg_kernel(dst_r)
    d0 = degp[0].reshape(N_ACC, 1)
    d1 = degp[1].reshape(N_ACC, 1)

    h0, h1, dinv = _m1(x, W1, d0, d1)
    o0, o1 = _agg_kernel(h0, h1, src_r, dst_r)
    g0, g1 = _m2(o0, o1, dinv, b1.reshape(1, D), W2)
    p0, p1 = _agg_kernel(g0, g1, src_r, dst_r)
    return _m3(p0, p1, dinv, b2.reshape(1, D))

# --- scband reference (transcript-rebuilt; emitter-appended) ---
"""Pipeline reference for scband-gcn-8083128451269 (READ-ONLY COPY).

The authoritative reference and input builder live on the scoring server;
editing this copy changes nothing except your own understanding.
"""

import jax, jax.numpy as jnp
import numpy as np

N = 10000
E = 160000
D_IN = 256
D_H = 256
D_OUT = 256


def gcn_conv(x, edge_index, W, b):
    n = x.shape[0]
    loops = jnp.arange(n, dtype=edge_index.dtype)
    src = jnp.concatenate([edge_index[0], loops])
    dst = jnp.concatenate([edge_index[1], loops])
    ones = jnp.ones(src.shape[0], dtype=jnp.float32)
    deg = jax.ops.segment_sum(ones, dst, num_segments=n)
    dinv = jnp.where(deg > 0, 1.0 / jnp.sqrt(deg), 0.0)
    norm = dinv[src] * dinv[dst]
    h = x @ W
    msg = h[src] * norm[:, None]
    out = jax.ops.segment_sum(msg, dst, num_segments=n)
    return out + b


def setup_inputs(seed: int = 0) -> dict:
    key = jax.random.key(seed)
    k1, k2, k3, k4 = jax.random.split(key, 4)
    x = jax.random.normal(k1, (N, D_IN), dtype=jnp.float32)
    edge_index = jax.random.randint(k2, (2, E), 0, N, dtype=jnp.int32)
    W1 = jax.random.normal(k3, (D_IN, D_H), dtype=jnp.float32) * (1.0 / np.sqrt(D_IN))
    b1 = jnp.zeros((D_H,), dtype=jnp.float32)
    W2 = jax.random.normal(k4, (D_H, D_OUT), dtype=jnp.float32) * (1.0 / np.sqrt(D_H))
    b2 = jnp.zeros((D_OUT,), dtype=jnp.float32)
    return {"x": x, "edge_index": edge_index, "W1": W1, "b1": b1, "W2": W2, "b2": b2}


def reference(x, edge_index, W1, b1, W2, b2):
    x1 = gcn_conv(x, edge_index, W1, b1)
    h = jax.nn.relu(x1)
    x2 = gcn_conv(h, edge_index, W2, b2)
    return x2

if __name__ == "__main__":
    import jax
    _d = setup_inputs()
    print(jax.jit(kernel)(*tuple(_d.values())))

</pallas_src>

<mosaic_0001>
#map = affine_map<(d0, d1) -> (0, 0)>
module attributes {stable_mosaic.version = 14 : i64} {
  func.func @_deg_kernel(%arg0: i32, %arg1: i32, %arg2: memref<1280x128xi32, #tpu.memory_space<hbm>>, %arg3: memref<2x10240xf32, #tpu.memory_space<hbm>>, %arg4: memref<40x128xi32, #tpu.memory_space<vmem>>, %arg5: memref<128xf32, #tpu.memory_space<vmem>>, %arg6: memref<640xf32, #tpu.memory_space<vmem>>, %arg7: memref<10240xf32, #tpu.memory_space<vmem_shared>>) attributes {dimension_semantics = [#tpu.dimension_semantics<core_parallel>, #tpu.dimension_semantics<subcore_parallel>], iteration_bounds = array<i64: 2, 16>, scalar_prefetch = 0 : i64, scratch_operands = 4 : i64, tpu.core_type = #tpu.core_type<sc_vector_subcore>, window_params = [{transform_indices = #map}, {transform_indices = #map}]} {
    %mul3A = arith.constant 16 : i32
    %mul3A_0 = arith.muli %arg0, %mul3A : i32
    %add3A = arith.addi %mul3A_0, %arg1 : i32
    %broadcast_in_dim3A = arith.constant 1.000000e+00 : f32
    %broadcast_in_dim3A_1 = vector.broadcast %broadcast_in_dim3A : f32 to vector<16xf32>
    %swap3A = arith.constant 0 : index
    %swap3A_2 = tpu.vector_load %arg5[%swap3A] {strides = array<i32>} : memref<128xf32, #tpu.memory_space<vmem>>, vector<16xf32>,
    %swap3A_3 = vector.shape_cast %swap3A_2 : vector<16xf32> to vector<16xf32>
    %swap3A_4 = vector.shape_cast %broadcast_in_dim3A_1 : vector<16xf32> to vector<16xf32>
    tpu.vector_store %arg5[%swap3A], %swap3A_4 {strides = array<i32>} : memref<128xf32, #tpu.memory_space<vmem>>, vector<16xf32>,
    %broadcast_in_dim3A_5 = arith.constant 1.000000e+00 : f32
    %broadcast_in_dim3A_6 = vector.broadcast %broadcast_in_dim3A_5 : f32 to vector<16xf32>
    %swap3A_7 = arith.constant 16 : index
    %swap3A_8 = tpu.vector_load %arg5[%swap3A_7] {strides = array<i32>} : memref<128xf32, #tpu.memory_space<vmem>>, vector<16xf32>,
    %swap3A_9 = vector.shape_cast %swap3A_8 : vector<16xf32> to vector<16xf32>
    %swap3A_10 = vector.shape_cast %broadcast_in_dim3A_6 : vector<16xf32> to vector<16xf32>
    tpu.vector_store %arg5[%swap3A_7], %swap3A_10 {strides = array<i32>} : memref<128xf32, #tpu.memory_space<vmem>>, vector<16xf32>,
    %broadcast_in_dim3A_11 = arith.constant 1.000000e+00 : f32
    %broadcast_in_dim3A_12 = vector.broadcast %broadcast_in_dim3A_11 : f32 to vector<16xf32>
    %swap3A_13 = arith.constant 32 : index
    %swap3A_14 = tpu.vector_load %arg5[%swap3A_13] {strides = array<i32>} : memref<128xf32, #tpu.memory_space<vmem>>, vector<16xf32>,
    %swap3A_15 = vector.shape_cast %swap3A_14 : vector<16xf32> to vector<16xf32>
    %swap3A_16 = vector.shape_cast %broadcast_in_dim3A_12 : vector<16xf32> to vector<16xf32>
    tpu.vector_store %arg5[%swap3A_13], %swap3A_16 {strides = array<i32>} : memref<128xf32, #tpu.memory_space<vmem>>, vector<16xf32>,
    %broadcast_in_dim3A_17 = arith.constant 1.000000e+00 : f32
    %broadcast_in_dim3A_18 = vector.broadcast %broadcast_in_dim3A_17 : f32 to vector<16xf32>
    %swap3A_19 = arith.constant 48 : index
    %swap3A_20 = tpu.vector_load %arg5[%swap3A_19] {strides = array<i32>} : memref<128xf32, #tpu.memory_space<vmem>>, vector<16xf32>,
    %swap3A_21 = vector.shape_cast %swap3A_20 : vector<16xf32> to vector<16xf32>
    %swap3A_22 = vector.shape_cast %broadcast_in_dim3A_18 : vector<16xf32> to vector<16xf32>
    tpu.vector_store %arg5[%swap3A_19], %swap3A_22 {strides = array<i32>} : memref<128xf32, #tpu.memory_space<vmem>>, vector<16xf32>,
    %broadcast_in_dim3A_23 = arith.constant 1.000000e+00 : f32
    %broadcast_in_dim3A_24 = vector.broadcast %broadcast_in_dim3A_23 : f32 to vector<16xf32>
    %swap3A_25 = arith.constant 64 : index
    %swap3A_26 = tpu.vector_load %arg5[%swap3A_25] {strides = array<i32>} : memref<128xf32, #tpu.memory_space<vmem>>, vector<16xf32>,
    %swap3A_27 = vector.shape_cast %swap3A_26 : vector<16xf32> to vector<16xf32>
    %swap3A_28 = vector.shape_cast %broadcast_in_dim3A_24 : vector<16xf32> to vector<16xf32>
    tpu.vector_store %arg5[%swap3A_25], %swap3A_28 {strides = array<i32>} : memref<128xf32, #tpu.memory_space<vmem>>, vector<16xf32>,
    %broadcast_in_dim3A_29 = arith.constant 1.000000e+00 : f32
    %broadcast_in_dim3A_30 = vector.broadcast %broadcast_in_dim3A_29 : f32 to vector<16xf32>
    %swap3A_31 = arith.constant 80 : index
    %swap3A_32 = tpu.vector_load %arg5[%swap3A_31] {strides = array<i32>} : memref<128xf32, #tpu.memory_space<vmem>>, vector<16xf32>,
    %swap3A_33 = vector.shape_cast %swap3A_32 : vector<16xf32> to vector<16xf32>
    %swap3A_34 = vector.shape_cast %broadcast_in_dim3A_30 : vector<16xf32> to vector<16xf32>
    tpu.vector_store %arg5[%swap3A_31], %swap3A_34 {strides = array<i32>} : memref<128xf32, #tpu.memory_space<vmem>>, vector<16xf32>,
    %broadcast_in_dim3A_35 = arith.constant 1.000000e+00 : f32
    %broadcast_in_dim3A_36 = vector.broadcast %broadcast_in_dim3A_35 : f32 to vector<16xf32>
    %swap3A_37 = arith.constant 96 : index
    %swap3A_38 = tpu.vector_load %arg5[%swap3A_37] {strides = array<i32>} : memref<128xf32, #tpu.memory_space<vmem>>, vector<16xf32>,
    %swap3A_39 = vector.shape_cast %swap3A_38 : vector<16xf32> to vector<16xf32>
    %swap3A_40 = vector.shape_cast %broadcast_in_dim3A_36 : vector<16xf32> to vector<16xf32>
    tpu.vector_store %arg5[%swap3A_37], %swap3A_40 {strides = array<i32>} : memref<128xf32, #tpu.memory_space<vmem>>, vector<16xf32>,
    %broadcast_in_dim3A_41 = arith.constant 1.000000e+00 : f32
    %broadcast_in_dim3A_42 = vector.broadcast %broadcast_in_dim3A_41 : f32 to vector<16xf32>
    %swap3A_43 = arith.constant 112 : index
    %swap3A_44 = tpu.vector_load %arg5[%swap3A_43] {strides = array<i32>} : memref<128xf32, #tpu.memory_space<vmem>>, vector<16xf32>,
    %swap3A_45 = vector.shape_cast %swap3A_44 : vector<16xf32> to vector<16xf32>
    %swap3A_46 = vector.shape_cast %broadcast_in_dim3A_42 : vector<16xf32> to vector<16xf32>
    tpu.vector_store %arg5[%swap3A_43], %swap3A_46 {strides = array<i32>} : memref<128xf32, #tpu.memory_space<vmem>>, vector<16xf32>,
    %broadcast_in_dim3A_47 = arith.constant 0.000000e+00 : f32
    %broadcast_in_dim3A_48 = vector.broadcast %broadcast_in_dim3A_47 : f32 to vector<16xf32>
    %swap3A_49 = arith.constant 0 : index
    %swap3A_50 = tpu.vector_load %arg6[%swap3A_49] {strides = array<i32>} : memref<640xf32, #tpu.memory_space<vmem>>, vector<16xf32>,
    %swap3A_51 = vector.shape_cast %swap3A_50 : vector<16xf32> to vector<16xf32>
    %swap3A_52 = vector.shape_cast %broadcast_in_dim3A_48 : vector<16xf32> to vector<16xf32>
    tpu.vector_store %arg6[%swap3A_49], %swap3A_52 {strides = array<i32>} : memref<640xf32, #tpu.memory_space<vmem>>, vector<16xf32>,
    %broadcast_in_dim3A_53 = arith.constant 0.000000e+00 : f32
    %broadcast_in_dim3A_54 = vector.broadcast %broadcast_in_dim3A_53 : f32 to vector<16xf32>
    %swap3A_55 = arith.constant 16 : index
    %swap3A_56 = tpu.vector_load %arg6[%swap3A_55] {strides = array<i32>} : memref<640xf32, #tpu.memory_space<vmem>>, vector<16xf32>,
    %swap3A_57 = vector.shape_cast %swap3A_56 : vector<16xf32> to vector<16xf32>
    %swap3A_58 = vector.shape_cast %broadcast_in_dim3A_54 : vector<16xf32> to vector<16xf32>
    tpu.vector_store %arg6[%swap3A_55], %swap3A_58 {strides = array<i32>} : memref<640xf32, #tpu.memory_space<vmem>>, vector<16xf32>,
    %broadcast_in_dim3A_59 = arith.constant 0.000000e+00 : f32
    %broadcast_in_dim3A_60 = vector.broadcast %broadcast_in_dim3A_59 : f32 to vector<16xf32>
    %swap3A_61 = arith.constant 32 : index
    %swap3A_62 = tpu.vector_load %arg6[%swap3A_61] {strides = array<i32>} : memref<640xf32, #tpu.memory_space<vmem>>, vector<16xf32>,
    %swap3A_63 = vector.shape_cast %swap3A_62 : vector<16xf32> to vector<16xf32>
    %swap3A_64 = vector.shape_cast %broadcast_in_dim3A_60 : vector<16xf32> to vector<16xf32>
    tpu.vector_store %arg6[%swap3A_61], %swap3A_64 {strides = array<i32>} : memref<640xf32, #tpu.memory_space<vmem>>, vector<16xf32>,
    %broadcast_in_dim3A_65 = arith.constant 0.000000e+00 : f32
    %broadcast_in_dim3A_66 = vector.broadcast %broadcast_in_dim3A_65 : f32 to vector<16xf32>
    %swap3A_67 = arith.constant 48 : index
    %swap3A_68 = tpu.vector_load %arg6[%swap3A_67] {strides = array<i32>} : memref<640xf32, #tpu.memory_space<vmem>>, vector<16xf32>,
    %swap3A_69 = vector.shape_cast %swap3A_68 : vector<16xf32> to vector<16xf32>
    %swap3A_70 = vector.shape_cast %broadcast_in_dim3A_66 : vector<16xf32> to vector<16xf32>
    tpu.vector_store %arg6[%swap3A_67], %swap3A_70 {strides = array<i32>} : memref<640xf32, #tpu.memory_space<vmem>>, vector<16xf32>,
    %broadcast_in_dim3A_71 = arith.constant 0.000000e+00 : f32
    %broadcast_in_dim3A_72 = vector.broadcast %broadcast_in_dim3A_71 : f32 to vector<16xf32>
    %swap3A_73 = arith.constant 64 : index
    %swap3A_74 = tpu.vector_load %arg6[%swap3A_73] {strides = array<i32>} : memref<640xf32, #tpu.memory_space<vmem>>, vector<16xf32>,
    %swap3A_75 = vector.shape_cast %swap3A_74 : vector<16xf32> to vector<16xf32>
    %swap3A_76 = vector.shape_cast %broadcast_in_dim3A_72 : vector<16xf32> to vector<16xf32>
    tpu.vector_store %arg6[%swap3A_73], %swap3A_76 {strides = array<i32>} : memref<640xf32, #tpu.memory_space<vmem>>, vector<16xf32>,
    %broadcast_in_dim3A_77 = arith.constant 0.000000e+00 : f32
    %broadcast_in_dim3A_78 = vector.broadcast %broadcast_in_dim3A_77 : f32 to vector<16xf32>
    %swap3A_79 = arith.constant 80 : index
    %swap3A_80 = tpu.vector_load %arg6[%swap3A_79] {strides = array<i32>} : memref<640xf32, #tpu.memory_space<vmem>>, vector<16xf32>,
    %swap3A_81 = vector.shape_cast %swap3A_80 : vector<16xf32> to vector<16xf32>
    %swap3A_82 = vector.shape_cast %broadcast_in_dim3A_78 : vector<16xf32> to vector<16xf32>
    tpu.vector_store %arg6[%swap3A_79], %swap3A_82 {strides = array<i32>} : memref<640xf32, #tpu.memory_space<vmem>>, vector<16xf32>,
    %broadcast_in_dim3A_83 = arith.constant 0.000000e+00 : f32
    %broadcast_in_dim3A_84 = vector.broadcast %broadcast_in_dim3A_83 : f32 to vector<16xf32>
    %swap3A_85 = arith.constant 96 : index
    %swap3A_86 = tpu.vector_load %arg6[%swap3A_85] {strides = array<i32>} : memref<640xf32, #tpu.memory_space<vmem>>, vector<16xf32>,
    %swap3A_87 = vector.shape_cast %swap3A_86 : vector<16xf32> to vector<16xf32>
    %swap3A_88 = vector.shape_cast %broadcast_in_dim3A_84 : vector<16xf32> to vector<16xf32>
    tpu.vector_store %arg6[%swap3A_85], %swap3A_88 {strides = array<i32>} : memref<640xf32, #tpu.memory_space<vmem>>, vector<16xf32>,
    %broadcast_in_dim3A_89 = arith.constant 0.000000e+00 : f32
    %broadcast_in_dim3A_90 = vector.broadcast %broadcast_in_dim3A_89 : f32 to vector<16xf32>
    %swap3A_91 = arith.constant 112 : index
    %swap3A_92 = tpu.vector_load %arg6[%swap3A_91] {strides = array<i32>} : memref<640xf32, #tpu.memory_space<vmem>>, vector<16xf32>,
    %swap3A_93 = vector.shape_cast %swap3A_92 : vector<16xf32> to vector<16xf32>
    %swap3A_94 = vector.shape_cast %broadcast_in_dim3A_90 : vector<16xf32> to vector<16xf32>
    tpu.vector_store %arg6[%swap3A_91], %swap3A_94 {strides = array<i32>} : memref<640xf32, #tpu.memory_space<vmem>>, vector<16xf32>,
    %broadcast_in_dim3A_95 = arith.constant 0.000000e+00 : f32
    %broadcast_in_dim3A_96 = vector.broadcast %broadcast_in_dim3A_95 : f32 to vector<16xf32>
    %swap3A_97 = arith.constant 128 : index
    %swap3A_98 = tpu.vector_load %arg6[%swap3A_97] {strides = array<i32>} : memref<640xf32, #tpu.memory_space<vmem>>, vector<16xf32>,
    %swap3A_99 = vector.shape_cast %swap3A_98 : vector<16xf32> to vector<16xf32>
    %swap3A_100 = vector.shape_cast %broadcast_in_dim3A_96 : vector<16xf32> to vector<16xf32>
    tpu.vector_store %arg6[%swap3A_97], %swap3A_100 {strides = array<i32>} : memref<640xf32, #tpu.memory_space<vmem>>, vector<16xf32>,
    %broadcast_in_dim3A_101 = arith.constant 0.000000e+00 : f32
    %broadcast_in_dim3A_102 = vector.broadcast %broadcast_in_dim3A_101 : f32 to vector<16xf32>
    %swap3A_103 = arith.constant 144 : index
    %swap3A_104 = tpu.vector_load %arg6[%swap3A_103] {strides = array<i32>} : memref<640xf32, #tpu.memory_space<vmem>>, vector<16xf32>,
    %swap3A_105 = vector.shape_cast %swap3A_104 : vector<16xf32> to vector<16xf32>
    %swap3A_106 = vector.shape_cast %broadcast_in_dim3A_102 : vector<16xf32> to vector<16xf32>
    tpu.vector_store %arg6[%swap3A_103], %swap3A_106 {strides = array<i32>} : memref<640xf32, #tpu.memory_space<vmem>>, vector<16xf32>,
    %broadcast_in_dim3A_107 = arith.constant 0.000000e+00 : f32
    %broadcast_in_dim3A_108 = vector.broadcast %broadcast_in_dim3A_107 : f32 to vector<16xf32>
    %swap3A_109 = arith.constant 160 : index
    %swap3A_110 = tpu.vector_load %arg6[%swap3A_109] {strides = array<i32>} : memref<640xf32, #tpu.memory_space<vmem>>, vector<16xf32>,
    %swap3A_111 = vector.shape_cast %swap3A_110 : vector<16xf32> to vector<16xf32>
    %swap3A_112 = vector.shape_cast %broadcast_in_dim3A_108 : vector<16xf32> to vector<16xf32>
    tpu.vector_store %arg6[%swap3A_109], %swap3A_112 {strides = array<i32>} : memref<640xf32, #tpu.memory_space<vmem>>, vector<16xf32>,
    %broadcast_in_dim3A_113 = arith.constant 0.000000e+00 : f32
    %broadcast_in_dim3A_114 = vector.broadcast %broadcast_in_dim3A_113 : f32 to vector<16xf32>
    %swap3A_115 = arith.constant 176 : index
    %swap3A_116 = tpu.vector_load %arg6[%swap3A_115] {strides = array<i32>} : memref<640xf32, #tpu.memory_space<vmem>>, vector<16xf32>,
    %swap3A_117 = vector.shape_cast %swap3A_116 : vector<16xf32> to vector<16xf32>
    %swap3A_118 = vector.shape_cast %broadcast_in_dim3A_114 : vector<16xf32> to vector<16xf32>
    tpu.vector_store %arg6[%swap3A_115], %swap3A_118 {strides = array<i32>} : memref<640xf32, #tpu.memory_space<vmem>>, vector<16xf32>,
    %broadcast_in_dim3A_119 = arith.constant 0.000000e+00 : f32
    %broadcast_in_dim3A_120 = vector.broadcast %broadcast_in_dim3A_119 : f32 to vector<16xf32>
    %swap3A_121 = arith.constant 192 : index
    %swap3A_122 = tpu.vector_load %arg6[%swap3A_121] {strides = array<i32>} : memref<640xf32, #tpu.memory_space<vmem>>, vector<16xf32>,
    %swap3A_123 = vector.shape_cast %swap3A_122 : vector<16xf32> to vector<16xf32>
    %swap3A_124 = vector.shape_cast %broadcast_in_dim3A_120 : vector<16xf32> to vector<16xf32>
    tpu.vector_store %arg6[%swap3A_121], %swap3A_124 {strides = array<i32>} : memref<640xf32, #tpu.memory_space<vmem>>, vector<16xf32>,
    %broadcast_in_dim3A_125 = arith.constant 0.000000e+00 : f32
    %broadcast_in_dim3A_126 = vector.broadcast %broadcast_in_dim3A_125 : f32 to vector<16xf32>
    %swap3A_127 = arith.constant 208 : index
    %swap3A_128 = tpu.vector_load %arg6[%swap3A_127] {strides = array<i32>} : memref<640xf32, #tpu.memory_space<vmem>>, vector<16xf32>,
    %swap3A_129 = vector.shape_cast %swap3A_128 : vector<16xf32> to vector<16xf32>
    %swap3A_130 = vector.shape_cast %broadcast_in_dim3A_126 : vector<16xf32> to vector<16xf32>
    tpu.vector_store %arg6[%swap3A_127], %swap3A_130 {strides = array<i32>} : memref<640xf32, #tpu.memory_space<vmem>>, vector<16xf32>,
    %broadcast_in_dim3A_131 = arith.constant 0.000000e+00 : f32
    %broadcast_in_dim3A_132 = vector.broadcast %broadcast_in_dim3A_131 : f32 to vector<16xf32>
    %swap3A_133 = arith.constant 224 : index
    %swap3A_134 = tpu.vector_load %arg6[%swap3A_133] {strides = array<i32>} : memref<640xf32, #tpu.memory_space<vmem>>, vector<16xf32>,
    %swap3A_135 = vector.shape_cast %swap3A_134 : vector<16xf32> to vector<16xf32>
    %swap3A_136 = vector.shape_cast %broadcast_in_dim3A_132 : vector<16xf32> to vector<16xf32>
    tpu.vector_store %arg6[%swap3A_133], %swap3A_136 {strides = array<i32>} : memref<640xf32, #tpu.memory_space<vmem>>, vector<16xf32>,
    %broadcast_in_dim3A_137 = arith.constant 0.000000e+00 : f32
    %broadcast_in_dim3A_138 = vector.broadcast %broadcast_in_dim3A_137 : f32 to vector<16xf32>
    %swap3A_139 = arith.constant 240 : index
    %swap3A_140 = tpu.vector_load %arg6[%swap3A_139] {strides = array<i32>} : memref<640xf32, #tpu.memory_space<vmem>>, vector<16xf32>,
    %swap3A_141 = vector.shape_cast %swap3A_140 : vector<16xf32> to vector<16xf32>
    %swap3A_142 = vector.shape_cast %broadcast_in_dim3A_138 : vector<16xf32> to vector<16xf32>
    tpu.vector_store %arg6[%swap3A_139], %swap3A_142 {strides = array<i32>} : memref<640xf32, #tpu.memory_space<vmem>>, vector<16xf32>,
    %broadcast_in_dim3A_143 = arith.constant 0.000000e+00 : f32
    %broadcast_in_dim3A_144 = vector.broadcast %broadcast_in_dim3A_143 : f32 to vector<16xf32>
    %swap3A_145 = arith.constant 256 : index
    %swap3A_146 = tpu.vector_load %arg6[%swap3A_145] {strides = array<i32>} : memref<640xf32, #tpu.memory_space<vmem>>, vector<16xf32>,
    %swap3A_147 = vector.shape_cast %swap3A_146 : vector<16xf32> to vector<16xf32>
    %swap3A_148 = vector.shape_cast %broadcast_in_dim3A_144 : vector<16xf32> to vector<16xf32>
    tpu.vector_store %arg6[%swap3A_145], %swap3A_148 {strides = array<i32>} : memref<640xf32, #tpu.memory_space<vmem>>, vector<16xf32>,
    %broadcast_in_dim3A_149 = arith.constant 0.000000e+00 : f32
    %broadcast_in_dim3A_150 = vector.broadcast %broadcast_in_dim3A_149 : f32 to vector<16xf32>
    %swap3A_151 = arith.constant 272 : index
    %swap3A_152 = tpu.vector_load %arg6[%swap3A_151] {strides = array<i32>} : memref<640xf32, #tpu.memory_space<vmem>>, vector<16xf32>,
    %swap3A_153 = vector.shape_cast %swap3A_152 : vector<16xf32> to vector<16xf32>
    %swap3A_154 = vector.shape_cast %broadcast_in_dim3A_150 : vector<16xf32> to vector<16xf32>
    tpu.vector_store %arg6[%swap3A_151], %swap3A_154 {strides = array<i32>} : memref<640xf32, #tpu.memory_space<vmem>>, vector<16xf32>,
    %broadcast_in_dim3A_155 = arith.constant 0.000000e+00 : f32
    %broadcast_in_dim3A_156 = vector.broadcast %broadcast_in_dim3A_155 : f32 to vector<16xf32>
    %swap3A_157 = arith.constant 288 : index
    %swap3A_158 = tpu.vector_load %arg6[%swap3A_157] {strides = array<i32>} : memref<640xf32, #tpu.memory_space<vmem>>, vector<16xf32>,
    %swap3A_159 = vector.shape_cast %swap3A_158 : vector<16xf32> to vector<16xf32>
    %swap3A_160 = vector.shape_cast %broadcast_in_dim3A_156 : vector<16xf32> to vector<16xf32>
    tpu.vector_store %arg6[%swap3A_157], %swap3A_160 {strides = array<i32>} : memref<640xf32, #tpu.memory_space<vmem>>, vector<16xf32>,
    %broadcast_in_dim3A_161 = arith.constant 0.000000e+00 : f32
    %broadcast_in_dim3A_162 = vector.broadcast %broadcast_in_dim3A_161 : f32 to vector<16xf32>
    %swap3A_163 = arith.constant 304 : index
    %swap3A_164 = tpu.vector_load %arg6[%swap3A_163] {strides = array<i32>} : memref<640xf32, #tpu.memory_space<vmem>>, vector<16xf32>,
    %swap3A_165 = vector.shape_cast %swap3A_164 : vector<16xf32> to vector<16xf32>
    %swap3A_166 = vector.shape_cast %broadcast_in_dim3A_162 : vector<16xf32> to vector<16xf32>
    tpu.vector_store %arg6[%swap3A_163], %swap3A_166 {strides = array<i32>} : memref<640xf32, #tpu.memory_space<vmem>>, vector<16xf32>,
    %broadcast_in_dim3A_167 = arith.constant 0.000000e+00 : f32
    %broadcast_in_dim3A_168 = vector.broadcast %broadcast_in_dim3A_167 : f32 to vector<16xf32>
    %swap3A_169 = arith.constant 320 : index
    %swap3A_170 = tpu.vector_load %arg6[%swap3A_169] {strides = array<i32>} : memref<640xf32, #tpu.memory_space<vmem>>, vector<16xf32>,
    %swap3A_171 = vector.shape_cast %swap3A_170 : vector<16xf32> to vector<16xf32>
    %swap3A_172 = vector.shape_cast %broadcast_in_dim3A_168 : vector<16xf32> to vector<16xf32>
    tpu.vector_store %arg6[%swap3A_169], %swap3A_172 {strides = array<i32>} : memref<640xf32, #tpu.memory_space<vmem>>, vector<16xf32>,
    %broadcast_in_dim3A_173 = arith.constant 0.000000e+00 : f32
    %broadcast_in_dim3A_174 = vector.broadcast %broadcast_in_dim3A_173 : f32 to vector<16xf32>
    %swap3A_175 = arith.constant 336 : index
    %swap3A_176 = tpu.vector_load %arg6[%swap3A_175] {strides = array<i32>} : memref<640xf32, #tpu.memory_space<vmem>>, vector<16xf32>,
    %swap3A_177 = vector.shape_cast %swap3A_176 : vector<16xf32> to vector<16xf32>
    %swap3A_178 = vector.shape_cast %broadcast_in_dim3A_174 : vector<16xf32> to vector<16xf32>
    tpu.vector_store %arg6[%swap3A_175], %swap3A_178 {strides = array<i32>} : memref<640xf32, #tpu.memory_space<vmem>>, vector<16xf32>,
    %broadcast_in_dim3A_179 = arith.constant 0.000000e+00 : f32
    %broadcast_in_dim3A_180 = vector.broadcast %broadcast_in_dim3A_179 : f32 to vector<16xf32>
    %swap3A_181 = arith.constant 352 : index
    %swap3A_182 = tpu.vector_load %arg6[%swap3A_181] {strides = array<i32>} : memref<640xf32, #tpu.memory_space<vmem>>, vector<16xf32>,
    %swap3A_183 = vector.shape_cast %swap3A_182 : vector<16xf32> to vector<16xf32>
    %swap3A_184 = vector.shape_cast %broadcast_in_dim3A_180 : vector<16xf32> to vector<16xf32>
    tpu.vector_store %arg6[%swap3A_181], %swap3A_184 {strides = array<i32>} : memref<640xf32, #tpu.memory_space<vmem>>, vector<16xf32>,
    %broadcast_in_dim3A_185 = arith.constant 0.000000e+00 : f32
    %broadcast_in_dim3A_186 = vector.broadcast %broadcast_in_dim3A_185 : f32 to vector<16xf32>
    %swap3A_187 = arith.constant 368 : index
    %swap3A_188 = tpu.vector_load %arg6[%swap3A_187] {strides = array<i32>} : memref<640xf32, #tpu.memory_space<vmem>>, vector<16xf32>,
    %swap3A_189 = vector.shape_cast %swap3A_188 : vector<16xf32> to vector<16xf32>
    %swap3A_190 = vector.shape_cast %broadcast_in_dim3A_186 : vector<16xf32> to vector<16xf32>
    tpu.vector_store %arg6[%swap3A_187], %swap3A_190 {strides = array<i32>} : memref<640xf32, #tpu.memory_space<vmem>>, vector<16xf32>,
    %broadcast_in_dim3A_191 = arith.constant 0.000000e+00 : f32
    %broadcast_in_dim3A_192 = vector.broadcast %broadcast_in_dim3A_191 : f32 to vector<16xf32>
    %swap3A_193 = arith.constant 384 : index
    %swap3A_194 = tpu.vector_load %arg6[%swap3A_193] {strides = array<i32>} : memref<640xf32, #tpu.memory_space<vmem>>, vector<16xf32>,
    %swap3A_195 = vector.shape_cast %swap3A_194 : vector<16xf32> to vector<16xf32>
    %swap3A_196 = vector.shape_cast %broadcast_in_dim3A_192 : vector<16xf32> to vector<16xf32>
    tpu.vector_store %arg6[%swap3A_193], %swap3A_196 {strides = array<i32>} : memref<640xf32, #tpu.memory_space<vmem>>, vector<16xf32>,
    %broadcast_in_dim3A_197 = arith.constant 0.000000e+00 : f32
    %broadcast_in_dim3A_198 = vector.broadcast %broadcast_in_dim3A_197 : f32 to vector<16xf32>
    %swap3A_199 = arith.constant 400 : index
    %swap3A_200 = tpu.vector_load %arg6[%swap3A_199] {strides = array<i32>} : memref<640xf32, #tpu.memory_space<vmem>>, vector<16xf32>,
    %swap3A_201 = vector.shape_cast %swap3A_200 : vector<16xf32> to vector<16xf32>
    %swap3A_202 = vector.shape_cast %broadcast_in_dim3A_198 : vector<16xf32> to vector<16xf32>
    tpu.vector_store %arg6[%swap3A_199], %swap3A_202 {strides = array<i32>} : memref<640xf32, #tpu.memory_space<vmem>>, vector<16xf32>,
    %broadcast_in_dim3A_203 = arith.constant 0.000000e+00 : f32
    %broadcast_in_dim3A_204 = vector.broadcast %broadcast_in_dim3A_203 : f32 to vector<16xf32>
    %swap3A_205 = arith.constant 416 : index
    %swap3A_206 = tpu.vector_load %arg6[%swap3A_205] {strides = array<i32>} : memref<640xf32, #tpu.memory_space<vmem>>, vector<16xf32>,
    %swap3A_207 = vector.shape_cast %swap3A_206 : vector<16xf32> to vector<16xf32>
    %swap3A_208 = vector.shape_cast %broadcast_in_dim3A_204 : vector<16xf32> to vector<16xf32>
    tpu.vector_store %arg6[%swap3A_205], %swap3A_208 {strides = array<i32>} : memref<640xf32, #tpu.memory_space<vmem>>, vector<16xf32>,
    %broadcast_in_dim3A_209 = arith.constant 0.000000e+00 : f32
    %broadcast_in_dim3A_210 = vector.broadcast %broadcast_in_dim3A_209 : f32 to vector<16xf32>
    %swap3A_211 = arith.constant 432 : index
    %swap3A_212 = tpu.vector_load %arg6[%swap3A_211] {strides = array<i32>} : memref<640xf32, #tpu.memory_space<vmem>>, vector<16xf32>,
    %swap3A_213 = vector.shape_cast %swap3A_212 : vector<16xf32> to vector<16xf32>
    %swap3A_214 = vector.shape_cast %broadcast_in_dim3A_210 : vector<16xf32> to vector<16xf32>
    tpu.vector_store %arg6[%swap3A_211], %swap3A_214 {strides = array<i32>} : memref<640xf32, #tpu.memory_space<vmem>>, vector<16xf32>,
    %broadcast_in_dim3A_215 = arith.constant 0.000000e+00 : f32
    %broadcast_in_dim3A_216 = vector.broadcast %broadcast_in_dim3A_215 : f32 to vector<16xf32>
    %swap3A_217 = arith.constant 448 : index
    %swap3A_218 = tpu.vector_load %arg6[%swap3A_217] {strides = array<i32>} : memref<640xf32, #tpu.memory_space<vmem>>, vector<16xf32>,
    %swap3A_219 = vector.shape_cast %swap3A_218 : vector<16xf32> to vector<16xf32>
    %swap3A_220 = vector.shape_cast %broadcast_in_dim3A_216 : vector<16xf32> to vector<16xf32>
    tpu.vector_store %arg6[%swap3A_217], %swap3A_220 {strides = array<i32>} : memref<640xf32, #tpu.memory_space<vmem>>, vector<16xf32>,
    %broadcast_in_dim3A_221 = arith.constant 0.000000e+00 : f32
    %broadcast_in_dim3A_222 = vector.broadcast %broadcast_in_dim3A_221 : f32 to vector<16xf32>
    %swap3A_223 = arith.constant 464 : index
    %swap3A_224 = tpu.vector_load %arg6[%swap3A_223] {strides = array<i32>} : memref<640xf32, #tpu.memory_space<vmem>>, vector<16xf32>,
    %swap3A_225 = vector.shape_cast %swap3A_224 : vector<16xf32> to vector<16xf32>
    %swap3A_226 = vector.shape_cast %broadcast_in_dim3A_222 : vector<16xf32> to vector<16xf32>
    tpu.vector_store %arg6[%swap3A_223], %swap3A_226 {strides = array<i32>} : memref<640xf32, #tpu.memory_space<vmem>>, vector<16xf32>,
    %broadcast_in_dim3A_227 = arith.constant 0.000000e+00 : f32
    %broadcast_in_dim3A_228 = vector.broadcast %broadcast_in_dim3A_227 : f32 to vector<16xf32>
    %swap3A_229 = arith.constant 480 : index
    %swap3A_230 = tpu.vector_load %arg6[%swap3A_229] {strides = array<i32>} : memref<640xf32, #tpu.memory_space<vmem>>, vector<16xf32>,
    %swap3A_231 = vector.shape_cast %swap3A_230 : vector<16xf32> to vector<16xf32>
    %swap3A_232 = vector.shape_cast %broadcast_in_dim3A_228 : vector<16xf32> to vector<16xf32>
    tpu.vector_store %arg6[%swap3A_229], %swap3A_232 {strides = array<i32>} : memref<640xf32, #tpu.memory_space<vmem>>, vector<16xf32>,
    %broadcast_in_dim3A_233 = arith.constant 0.000000e+00 : f32
    %broadcast_in_dim3A_234 = vector.broadcast %broadcast_in_dim3A_233 : f32 to vector<16xf32>
    %swap3A_235 = arith.constant 496 : index
    %swap3A_236 = tpu.vector_load %arg6[%swap3A_235] {strides = array<i32>} : memref<640xf32, #tpu.memory_space<vmem>>, vector<16xf32>,
    %swap3A_237 = vector.shape_cast %swap3A_236 : vector<16xf32> to vector<16xf32>
    %swap3A_238 = vector.shape_cast %broadcast_in_dim3A_234 : vector<16xf32> to vector<16xf32>
    tpu.vector_store %arg6[%swap3A_235], %swap3A_238 {strides = array<i32>} : memref<640xf32, #tpu.memory_space<vmem>>, vector<16xf32>,
    %broadcast_in_dim3A_239 = arith.constant 0.000000e+00 : f32
    %broadcast_in_dim3A_240 = vector.broadcast %broadcast_in_dim3A_239 : f32 to vector<16xf32>
    %swap3A_241 = arith.constant 512 : index
    %swap3A_242 = tpu.vector_load %arg6[%swap3A_241] {strides = array<i32>} : memref<640xf32, #tpu.memory_space<vmem>>, vector<16xf32>,
    %swap3A_243 = vector.shape_cast %swap3A_242 : vector<16xf32> to vector<16xf32>
    %swap3A_244 = vector.shape_cast %broadcast_in_dim3A_240 : vector<16xf32> to vector<16xf32>
    tpu.vector_store %arg6[%swap3A_241], %swap3A_244 {strides = array<i32>} : memref<640xf32, #tpu.memory_space<vmem>>, vector<16xf32>,
    %broadcast_in_dim3A_245 = arith.constant 0.000000e+00 : f32
    %broadcast_in_dim3A_246 = vector.broadcast %broadcast_in_dim3A_245 : f32 to vector<16xf32>
    %swap3A_247 = arith.constant 528 : index
    %swap3A_248 = tpu.vector_load %arg6[%swap3A_247] {strides = array<i32>} : memref<640xf32, #tpu.memory_space<vmem>>, vector<16xf32>,
    %swap3A_249 = vector.shape_cast %swap3A_248 : vector<16xf32> to vector<16xf32>
    %swap3A_250 = vector.shape_cast %broadcast_in_dim3A_246 : vector<16xf32> to vector<16xf32>
    tpu.vector_store %arg6[%swap3A_247], %swap3A_250 {strides = array<i32>} : memref<640xf32, #tpu.memory_space<vmem>>, vector<16xf32>,
    %broadcast_in_dim3A_251 = arith.constant 0.000000e+00 : f32
    %broadcast_in_dim3A_252 = vector.broadcast %broadcast_in_dim3A_251 : f32 to vector<16xf32>
    %swap3A_253 = arith.constant 544 : index
    %swap3A_254 = tpu.vector_load %arg6[%swap3A_253] {strides = array<i32>} : memref<640xf32, #tpu.memory_space<vmem>>, vector<16xf32>,
    %swap3A_255 = vector.shape_cast %swap3A_254 : vector<16xf32> to vector<16xf32>
    %swap3A_256 = vector.shape_cast %broadcast_in_dim3A_252 : vector<16xf32> to vector<16xf32>
    tpu.vector_store %arg6[%swap3A_253], %swap3A_256 {strides = array<i32>} : memref<640xf32, #tpu.memory_space<vmem>>, vector<16xf32>,
    %broadcast_in_dim3A_257 = arith.constant 0.000000e+00 : f32
    %broadcast_in_dim3A_258 = vector.broadcast %broadcast_in_dim3A_257 : f32 to vector<16xf32>
    %swap3A_259 = arith.constant 560 : index
    %swap3A_260 = tpu.vector_load %arg6[%swap3A_259] {strides = array<i32>} : memref<640xf32, #tpu.memory_space<vmem>>, vector<16xf32>,
    %swap3A_261 = vector.shape_cast %swap3A_260 : vector<16xf32> to vector<16xf32>
    %swap3A_262 = vector.shape_cast %broadcast_in_dim3A_258 : vector<16xf32> to vector<16xf32>
    tpu.vector_store %arg6[%swap3A_259], %swap3A_262 {strides = array<i32>} : memref<640xf32, #tpu.memory_space<vmem>>, vector<16xf32>,
    %broadcast_in_dim3A_263 = arith.constant 0.000000e+00 : f32
    %broadcast_in_dim3A_264 = vector.broadcast %broadcast_in_dim3A_263 : f32 to vector<16xf32>
    %swap3A_265 = arith.constant 576 : index
    %swap3A_266 = tpu.vector_load %arg6[%swap3A_265] {strides = array<i32>} : memref<640xf32, #tpu.memory_space<vmem>>, vector<16xf32>,
    %swap3A_267 = vector.shape_cast %swap3A_266 : vector<16xf32> to vector<16xf32>
    %swap3A_268 = vector.shape_cast %broadcast_in_dim3A_264 : vector<16xf32> to vector<16xf32>
    tpu.vector_store %arg6[%swap3A_265], %swap3A_268 {strides = array<i32>} : memref<640xf32, #tpu.memory_space<vmem>>, vector<16xf32>,
    %broadcast_in_dim3A_269 = arith.constant 0.000000e+00 : f32
    %broadcast_in_dim3A_270 = vector.broadcast %broadcast_in_dim3A_269 : f32 to vector<16xf32>
    %swap3A_271 = arith.constant 592 : index
    %swap3A_272 = tpu.vector_load %arg6[%swap3A_271] {strides = array<i32>} : memref<640xf32, #tpu.memory_space<vmem>>, vector<16xf32>,
    %swap3A_273 = vector.shape_cast %swap3A_272 : vector<16xf32> to vector<16xf32>
    %swap3A_274 = vector.shape_cast %broadcast_in_dim3A_270 : vector<16xf32> to vector<16xf32>
    tpu.vector_store %arg6[%swap3A_271], %swap3A_274 {strides = array<i32>} : memref<640xf32, #tpu.memory_space<vmem>>, vector<16xf32>,
    %broadcast_in_dim3A_275 = arith.constant 0.000000e+00 : f32
    %broadcast_in_dim3A_276 = vector.broadcast %broadcast_in_dim3A_275 : f32 to vector<16xf32>
    %swap3A_277 = arith.constant 608 : index
    %swap3A_278 = tpu.vector_load %arg6[%swap3A_277] {strides = array<i32>} : memref<640xf32, #tpu.memory_space<vmem>>, vector<16xf32>,
    %swap3A_279 = vector.shape_cast %swap3A_278 : vector<16xf32> to vector<16xf32>
    %swap3A_280 = vector.shape_cast %broadcast_in_dim3A_276 : vector<16xf32> to vector<16xf32>
    tpu.vector_store %arg6[%swap3A_277], %swap3A_280 {strides = array<i32>} : memref<640xf32, #tpu.memory_space<vmem>>, vector<16xf32>,
    %broadcast_in_dim3A_281 = arith.constant 0.000000e+00 : f32
    %broadcast_in_dim3A_282 = vector.broadcast %broadcast_in_dim3A_281 : f32 to vector<16xf32>
    %swap3A_283 = arith.constant 624 : index
    %swap3A_284 = tpu.vector_load %arg6[%swap3A_283] {strides = array<i32>} : memref<640xf32, #tpu.memory_space<vmem>>, vector<16xf32>,
    %swap3A_285 = vector.shape_cast %swap3A_284 : vector<16xf32> to vector<16xf32>
    %swap3A_286 = vector.shape_cast %broadcast_in_dim3A_282 : vector<16xf32> to vector<16xf32>
    tpu.vector_store %arg6[%swap3A_283], %swap3A_286 {strides = array<i32>} : memref<640xf32, #tpu.memory_space<vmem>>, vector<16xf32>,
    %mul3A_287 = arith.constant 40 : i32
    %mul3A_288 = arith.muli %add3A, %mul3A_287 : i32
    "tpu.region"() ({
      %run_scoped3A = tpu.sem_alloc : memref<!tpu.dma_semaphore, #tpu.memory_space<semaphore_mem>>
      %dma_start3A = arith.constant 0 : i32
      %dma_start3A_300 = tpu.memref_slice %arg2[%mul3A_288, %dma_start3A] : memref<1280x128xi32, #tpu.memory_space<hbm>> -> memref<40x128xi32, #tpu.memory_space<hbm>>
      %dma_start3A_301 = arith.constant 0 : i32
      %dma_start3A_302 = tpu.memref_slice %arg2[%mul3A_288, %dma_start3A_301] : memref<1280x128xi32, #tpu.memory_space<hbm>> -> memref<40x128xi32, #tpu.memory_space<hbm>>
      tpu.enqueue_dma source(%dma_start3A_302 : memref<40x128xi32, #tpu.memory_space<hbm>>) target(%arg4 : memref<40x128xi32, #tpu.memory_space<vmem>>) target_semaphore(%run_scoped3A : memref<!tpu.dma_semaphore, #tpu.memory_space<semaphore_mem>>)
      %dma_wait3A = arith.constant 0 : i32
      %dma_wait3A_303 = tpu.memref_slice %arg2[%mul3A_288, %dma_wait3A] : memref<1280x128xi32, #tpu.memory_space<hbm>> -> memref<40x128xi32, #tpu.memory_space<hbm>>
      %dma_wait3A_304 = arith.constant 0 : i32
      %dma_wait3A_305 = tpu.memref_slice %arg2[%mul3A_288, %dma_wait3A_304] : memref<1280x128xi32, #tpu.memory_space<hbm>> -> memref<40x128xi32, #tpu.memory_space<hbm>>
      tpu.wait_dma2 semaphore(%run_scoped3A : memref<!tpu.dma_semaphore, #tpu.memory_space<semaphore_mem>>) src(%dma_wait3A_305 : memref<40x128xi32, #tpu.memory_space<hbm>>) dst(%arg4 : memref<40x128xi32, #tpu.memory_space<vmem>>)
      tpu.yield
    }) : () -> ()
    %mul3A_289 = arith.constant 640 : i32
    %mul3A_290 = arith.muli %arg1, %mul3A_289 : i32
    "tpu.region"() ({
      %run_scoped3A = tpu.sem_alloc : memref<!tpu.dma_semaphore, #tpu.memory_space<semaphore_mem>>
      %dma_start3A = tpu.memref_slice %arg7[%mul3A_290] : memref<10240xf32, #tpu.memory_space<vmem_shared>> -> memref<640xf32, #tpu.memory_space<vmem_shared>>
      %dma_start3A_300 = tpu.memref_slice %arg7[%mul3A_290] : memref<10240xf32, #tpu.memory_space<vmem_shared>> -> memref<640xf32, #tpu.memory_space<vmem_shared>>
      tpu.enqueue_dma source(%arg6 : memref<640xf32, #tpu.memory_space<vmem>>) target(%dma_start3A_300 : memref<640xf32, #tpu.memory_space<vmem_shared>>) target_semaphore(%run_scoped3A : memref<!tpu.dma_semaphore, #tpu.memory_space<semaphore_mem>>)
      %dma_wait3A = tpu.memref_slice %arg7[%mul3A_290] : memref<10240xf32, #tpu.memory_space<vmem_shared>> -> memref<640xf32, #tpu.memory_space<vmem_shared>>
      %dma_wait3A_301 = tpu.memref_slice %arg7[%mul3A_290] : memref<10240xf32, #tpu.memory_space<vmem_shared>> -> memref<640xf32, #tpu.memory_space<vmem_shared>>
      tpu.wait_dma2 semaphore(%run_scoped3A : memref<!tpu.dma_semaphore, #tpu.memory_space<semaphore_mem>>) src(%arg6 : memref<640xf32, #tpu.memory_space<vmem>>) dst(%dma_wait3A_301 : memref<640xf32, #tpu.memory_space<vmem_shared>>)
      tpu.yield
    }) : () -> ()
    %barrier3A = arith.constant 0 : index
    tpu.barrier barrier_id(%barrier3A)
    %scan3A = arith.constant 0 : i32
    %scan3A_291 = arith.constant 40 : i32
    %scan3A_292 = arith.addi %scan3A, %scan3A_291 : i32
    %scan3A_293 = arith.constant 1 : i32
    scf.for %scan3A_300 = %scan3A to %scan3A_292 step %scan3A_293  : i32 {
      %mul3A_301 = arith.constant 1 : i32
      %mul3A_302 = arith.muli %scan3A_300, %mul3A_301 : i32
      %add3A_303 = arith.constant 0 : i32
      %add3A_304 = arith.addi %add3A_303, %mul3A_302 : i32
      "tpu.region"() ({
        %run_scoped3A = tpu.sem_alloc : memref<!tpu.dma_semaphore, #tpu.memory_space<semaphore_mem>>
        %dma_start3A = arith.constant 0 : i32
        %dma_start3A_305 = tpu.memref_slice %arg4[%add3A_304, %dma_start3A] : memref<40x128xi32, #tpu.memory_space<vmem>> -> memref<1x128xi32, #tpu.memory_space<vmem>>
        %dma_start3A_306 = tpu.memref_squeeze %dma_start3A_305 : memref<1x128xi32, #tpu.memory_space<vmem>> -> memref<128xi32, #tpu.memory_space<vmem>>
        %dma_start3A_307 = arith.constant 0 : i32
        %dma_start3A_308 = tpu.memref_slice %arg7[%dma_start3A_307] : memref<10240xf32, #tpu.memory_space<vmem_shared>> -> memref<10240xf32, #tpu.memory_space<vmem_shared>>
        tpu.enqueue_indirect_dma source(%arg5 : memref<128xf32, #tpu.memory_space<vmem>>) target(%dma_start3A_308 : memref<10240xf32, #tpu.memory_space<vmem_shared>>) offsets(%dma_start3A_306 : memref<128xi32, #tpu.memory_space<vmem>>) semaphore(%run_scoped3A : memref<!tpu.dma_semaphore, #tpu.memory_space<semaphore_mem>>) {add = true}
        %dma_wait3A = arith.constant 0 : i32
        %dma_wait3A_309 = tpu.memref_slice %arg4[%add3A_304, %dma_wait3A] : memref<40x128xi32, #tpu.memory_space<vmem>> -> memref<1x128xi32, #tpu.memory_space<vmem>>
        %dma_wait3A_310 = tpu.memref_squeeze %dma_wait3A_309 : memref<1x128xi32, #tpu.memory_space<vmem>> -> memref<128xi32, #tpu.memory_space<vmem>>
        %dma_wait3A_311 = arith.constant 0 : i32
        %dma_wait3A_312 = tpu.memref_slice %arg7[%dma_wait3A_311] : memref<10240xf32, #tpu.memory_space<vmem_shared>> -> memref<10240xf32, #tpu.memory_space<vmem_shared>>
        tpu.wait_indirect_dma semaphore(%run_scoped3A : memref<!tpu.dma_semaphore, #tpu.memory_space<semaphore_mem>>) src(%arg5 : memref<128xf32, #tpu.memory_space<vmem>>) dst(%dma_wait3A_312 : memref<10240xf32, #tpu.memory_space<vmem_shared>>)
        tpu.yield
      }) : () -> ()
    }
    %scan3A_294 = arith.constant 40 : i32
    %barrier3A_295 = arith.constant 0 : index
    tpu.barrier barrier_id(%barrier3A_295)
    %mul3A_296 = arith.constant 640 : i32
    %mul3A_297 = arith.muli %arg1, %mul3A_296 : i32
    %mul3A_298 = arith.constant 640 : i32
    %mul3A_299 = arith.muli %arg1, %mul3A_298 : i32
    "tpu.region"() ({
      %run_scoped3A = tpu.sem_alloc : memref<!tpu.dma_semaphore, #tpu.memory_space<semaphore_mem>>
      %dma_start3A = tpu.memref_slice %arg3[%arg0, %mul3A_299] : memref<2x10240xf32, #tpu.memory_space<hbm>> -> memref<1x640xf32, #tpu.memory_space<hbm>>
      %dma_start3A_300 = tpu.memref_squeeze %dma_start3A : memref<1x640xf32, #tpu.memory_space<hbm>> -> memref<640xf32, #tpu.memory_space<hbm>>
      %dma_start3A_301 = tpu.memref_slice %arg7[%mul3A_297] : memref<10240xf32, #tpu.memory_space<vmem_shared>> -> memref<640xf32, #tpu.memory_space<vmem_shared>>
      tpu.enqueue_dma source(%dma_start3A_301 : memref<640xf32, #tpu.memory_space<vmem_shared>>) target(%dma_start3A_300 : memref<640xf32, #tpu.memory_space<hbm>>) target_semaphore(%run_scoped3A : memref<!tpu.dma_semaphore, #tpu.memory_space<semaphore_mem>>)
      %dma_wait3A = tpu.memref_slice %arg3[%arg0, %mul3A_299] : memref<2x10240xf32, #tpu.memory_space<hbm>> -> memref<1x640xf32, #tpu.memory_space<hbm>>
      %dma_wait3A_302 = tpu.memref_squeeze %dma_wait3A : memref<1x640xf32, #tpu.memory_space<hbm>> -> memref<640xf32, #tpu.memory_space<hbm>>
      %dma_wait3A_303 = tpu.memref_slice %arg7[%mul3A_297] : memref<10240xf32, #tpu.memory_space<vmem_shared>> -> memref<640xf32, #tpu.memory_space<vmem_shared>>
      tpu.wait_dma2 semaphore(%run_scoped3A : memref<!tpu.dma_semaphore, #tpu.memory_space<semaphore_mem>>) src(%dma_wait3A_303 : memref<640xf32, #tpu.memory_space<vmem_shared>>) dst(%dma_wait3A_302 : memref<640xf32, #tpu.memory_space<hbm>>)
      tpu.yield
    }) : () -> ()
    return
  }
}

#map = affine_map<(d0, d1) -> (0, 0)>
module attributes {stable_mosaic.version = 14 : i64} {
  func.func @_agg_kernel(%arg0: i32, %arg1: i32, %arg2: memref<10000x128xf32, #tpu.memory_space<hbm>>, %arg3: memref<10000x128xf32, #tpu.memory_space<hbm>>, %arg4: memref<1280x128xi32, #tpu.memory_space<hbm>>, %arg5: memref<1280x128xi32, #tpu.memory_space<hbm>>, %arg6: memref<10000x128xf32, #tpu.memory_space<hbm>>, %arg7: memref<10000x128xf32, #tpu.memory_space<hbm>>, %arg8: memref<40x128xi32, #tpu.memory_space<vmem>>, %arg9: memref<40x128xi32, #tpu.memory_space<vmem>>, %arg10: memref<10240x128xf32, #tpu.memory_space<vmem_shared>>, %arg11: memref<128x128xf32, #tpu.memory_space<vmem>>, %arg12: memref<128x128xf32, #tpu.memory_space<vmem>>, %arg13: memref<!tpu.dma_semaphore, #tpu.memory_space<semaphore_mem>>, %arg14: memref<!tpu.dma_semaphore, #tpu.memory_space<semaphore_mem>>) attributes {dimension_semantics = [#tpu.dimension_semantics<core_parallel>, #tpu.dimension_semantics<subcore_parallel>], iteration_bounds = array<i64: 2, 16>, scalar_prefetch = 0 : i64, scratch_operands = 7 : i64, tpu.core_type = #tpu.core_type<sc_vector_subcore>, window_params = [{transform_indices = #map}, {transform_indices = #map}, {transform_indices = #map}, {transform_indices = #map}, {transform_indices = #map}, {transform_indices = #map}]} {
    %mul3A = arith.constant 640 : i32
    %mul3A_0 = arith.muli %arg1, %mul3A : i32
    %eq3A = arith.constant 0 : i32
    %eq3A_1 = arith.cmpi eq, %arg0, %eq3A : i32
    %convert_element_type3A = arith.extui %eq3A_1 : i1 to i32
    %cond3A = arith.constant 0 : i32
    %cond3A_2 = arith.cmpi ne, %convert_element_type3A, %cond3A : i32
    scf.if %cond3A_2 {
      %lt3A = arith.constant 15 : i32
      %lt3A_8 = arith.cmpi slt, %arg1, %lt3A : i32
      %convert_element_type3A_9 = arith.extui %lt3A_8 : i1 to i32
      %cond3A_10 = arith.constant 0 : i32
      %cond3A_11 = arith.cmpi ne, %convert_element_type3A_9, %cond3A_10 : i32
      scf.if %cond3A_11 {
        "tpu.region"() ({
          %run_scoped3A = tpu.sem_alloc : memref<!tpu.dma_semaphore, #tpu.memory_space<semaphore_mem>>
          %dma_start3A_71 = arith.constant 0 : i32
          %dma_start3A_72 = tpu.memref_slice %arg10[%mul3A_0, %dma_start3A_71] : memref<10240x128xf32, #tpu.memory_space<vmem_shared>> -> memref<640x128xf32, #tpu.memory_space<vmem_shared>>
          %dma_start3A_73 = arith.constant 0 : i32
          %dma_start3A_74 = tpu.memref_slice %arg2[%mul3A_0, %dma_start3A_73] : memref<10000x128xf32, #tpu.memory_space<hbm>> -> memref<640x128xf32, #tpu.memory_space<hbm>>
          tpu.enqueue_dma source(%dma_start3A_74 : memref<640x128xf32, #tpu.memory_space<hbm>>) target(%dma_start3A_72 : memref<640x128xf32, #tpu.memory_space<vmem_shared>>) target_semaphore(%run_scoped3A : memref<!tpu.dma_semaphore, #tpu.memory_space<semaphore_mem>>)
          %dma_wait3A = arith.constant 0 : i32
          %dma_wait3A_75 = tpu.memref_slice %arg10[%mul3A_0, %dma_wait3A] : memref<10240x128xf32, #tpu.memory_space<vmem_shared>> -> memref<640x128xf32, #tpu.memory_space<vmem_shared>>
          %dma_wait3A_76 = arith.constant 0 : i32
          %dma_wait3A_77 = tpu.memref_slice %arg2[%mul3A_0, %dma_wait3A_76] : memref<10000x128xf32, #tpu.memory_space<hbm>> -> memref<640x128xf32, #tpu.memory_space<hbm>>
          tpu.wait_dma2 semaphore(%run_scoped3A : memref<!tpu.dma_semaphore, #tpu.memory_space<semaphore_mem>>) src(%dma_wait3A_77 : memref<640x128xf32, #tpu.memory_space<hbm>>) dst(%dma_wait3A_75 : memref<640x128xf32, #tpu.memory_space<vmem_shared>>)
          tpu.yield
        }) : () -> ()
      } else {
      }
      %eq3A_12 = arith.constant 15 : i32
      %eq3A_13 = arith.cmpi eq, %arg1, %eq3A_12 : i32
      %convert_element_type3A_14 = arith.extui %eq3A_13 : i1 to i32
      %cond3A_15 = arith.constant 0 : i32
      %cond3A_16 = arith.cmpi ne, %convert_element_type3A_14, %cond3A_15 : i32
      scf.if %cond3A_16 {
        "tpu.region"() ({
          %run_scoped3A = tpu.sem_alloc : memref<!tpu.dma_semaphore, #tpu.memory_space<semaphore_mem>>
          %dma_start3A_71 = arith.constant 0 : i32
          %dma_start3A_72 = tpu.memref_slice %arg10[%mul3A_0, %dma_start3A_71] : memref<10240x128xf32, #tpu.memory_space<vmem_shared>> -> memref<400x128xf32, #tpu.memory_space<vmem_shared>>
          %dma_start3A_73 = arith.constant 0 : i32
          %dma_start3A_74 = tpu.memref_slice %arg2[%mul3A_0, %dma_start3A_73] : memref<10000x128xf32, #tpu.memory_space<hbm>> -> memref<400x128xf32, #tpu.memory_space<hbm>>
          tpu.enqueue_dma source(%dma_start3A_74 : memref<400x128xf32, #tpu.memory_space<hbm>>) target(%dma_start3A_72 : memref<400x128xf32, #tpu.memory_space<vmem_shared>>) target_semaphore(%run_scoped3A : memref<!tpu.dma_semaphore, #tpu.memory_space<semaphore_mem>>)
          %dma_wait3A = arith.constant 0 : i32
          %dma_wait3A_75 = tpu.memref_slice %arg10[%mul3A_0, %dma_wait3A] : memref<10240x128xf32, #tpu.memory_space<vmem_shared>> -> memref<400x128xf32, #tpu.memory_space<vmem_shared>>
          %dma_wait3A_76 = arith.constant 0 : i32
          %dma_wait3A_77 = tpu.memref_slice %arg2[%mul3A_0, %dma_wait3A_76] : memref<10000x128xf32, #tpu.memory_space<hbm>> -> memref<400x128xf32, #tpu.memory_space<hbm>>
          tpu.wait_dma2 semaphore(%run_scoped3A : memref<!tpu.dma_semaphore, #tpu.memory_space<semaphore_mem>>) src(%dma_wait3A_77 : memref<400x128xf32, #tpu.memory_space<hbm>>) dst(%dma_wait3A_75 : memref<400x128xf32, #tpu.memory_space<vmem_shared>>)
          tpu.yield
        }) : () -> ()
      } else {
      }
      %barrier3A = arith.constant 0 : index
      tpu.barrier barrier_id(%barrier3A)
      %mul3A_17 = arith.constant 80 : i32
      %mul3A_18 = arith.muli %arg1, %mul3A_17 : i32
      %add3A = arith.constant 0 : i32
      %add3A_19 = arith.addi %mul3A_18, %add3A : i32
      "tpu.region"() ({
        %run_scoped3A = tpu.sem_alloc : memref<!tpu.dma_semaphore, #tpu.memory_space<semaphore_mem>>
        %dma_start3A_71 = arith.constant 0 : i32
        %dma_start3A_72 = tpu.memref_slice %arg4[%add3A_19, %dma_start3A_71] : memref<1280x128xi32, #tpu.memory_space<hbm>> -> memref<40x128xi32, #tpu.memory_space<hbm>>
        %dma_start3A_73 = arith.constant 0 : i32
        %dma_start3A_74 = tpu.memref_slice %arg4[%add3A_19, %dma_start3A_73] : memref<1280x128xi32, #tpu.memory_space<hbm>> -> memref<40x128xi32, #tpu.memory_space<hbm>>
        tpu.enqueue_dma source(%dma_start3A_74 : memref<40x128xi32, #tpu.memory_space<hbm>>) target(%arg8 : memref<40x128xi32, #tpu.memory_space<vmem>>) target_semaphore(%run_scoped3A : memref<!tpu.dma_semaphore, #tpu.memory_space<semaphore_mem>>)
        %dma_wait3A = arith.constant 0 : i32
        %dma_wait3A_75 = tpu.memref_slice %arg4[%add3A_19, %dma_wait3A] : memref<1280x128xi32, #tpu.memory_space<hbm>> -> memref<40x128xi32, #tpu.memory_space<hbm>>
        %dma_wait3A_76 = arith.constant 0 : i32
        %dma_wait3A_77 = tpu.memref_slice %arg4[%add3A_19, %dma_wait3A_76] : memref<1280x128xi32, #tpu.memory_space<hbm>> -> memref<40x128xi32, #tpu.memory_space<hbm>>
        tpu.wait_dma2 semaphore(%run_scoped3A : memref<!tpu.dma_semaphore, #tpu.memory_space<semaphore_mem>>) src(%dma_wait3A_77 : memref<40x128xi32, #tpu.memory_space<hbm>>) dst(%arg8 : memref<40x128xi32, #tpu.memory_space<vmem>>)
        tpu.yield
      }) : () -> ()
      "tpu.region"() ({
        %run_scoped3A = tpu.sem_alloc : memref<!tpu.dma_semaphore, #tpu.memory_space<semaphore_mem>>
        %dma_start3A_71 = arith.constant 0 : i32
        %dma_start3A_72 = tpu.memref_slice %arg5[%add3A_19, %dma_start3A_71] : memref<1280x128xi32, #tpu.memory_space<hbm>> -> memref<40x128xi32, #tpu.memory_space<hbm>>
        %dma_start3A_73 = arith.constant 0 : i32
        %dma_start3A_74 = tpu.memref_slice %arg5[%add3A_19, %dma_start3A_73] : memref<1280x128xi32, #tpu.memory_space<hbm>> -> memref<40x128xi32, #tpu.memory_space<hbm>>
        tpu.enqueue_dma source(%dma_start3A_74 : memref<40x128xi32, #tpu.memory_space<hbm>>) target(%arg9 : memref<40x128xi32, #tpu.memory_space<vmem>>) target_semaphore(%run_scoped3A : memref<!tpu.dma_semaphore, #tpu.memory_space<semaphore_mem>>)
        %dma_wait3A = arith.constant 0 : i32
        %dma_wait3A_75 = tpu.memref_slice %arg5[%add3A_19, %dma_wait3A] : memref<1280x128xi32, #tpu.memory_space<hbm>> -> memref<40x128xi32, #tpu.memory_space<hbm>>
        %dma_wait3A_76 = arith.constant 0 : i32
        %dma_wait3A_77 = tpu.memref_slice %arg5[%add3A_19, %dma_wait3A_76] : memref<1280x128xi32, #tpu.memory_space<hbm>> -> memref<40x128xi32, #tpu.memory_space<hbm>>
        tpu.wait_dma2 semaphore(%run_scoped3A : memref<!tpu.dma_semaphore, #tpu.memory_space<semaphore_mem>>) src(%dma_wait3A_77 : memref<40x128xi32, #tpu.memory_space<hbm>>) dst(%arg9 : memref<40x128xi32, #tpu.memory_space<vmem>>)
        tpu.yield
      }) : () -> ()
      %dma_start3A = arith.constant 0 : i32
      %dma_start3A_20 = arith.constant 0 : i32
      %dma_start3A_21 = tpu.memref_slice %arg8[%dma_start3A, %dma_start3A_20] : memref<40x128xi32, #tpu.memory_space<vmem>> -> memref<1x128xi32, #tpu.memory_space<vmem>>
      %dma_start3A_22 = tpu.memref_squeeze %dma_start3A_21 : memref<1x128xi32, #tpu.memory_space<vmem>> -> memref<128xi32, #tpu.memory_space<vmem>>
      %dma_start3A_23 = arith.constant 0 : i32
      %dma_start3A_24 = arith.constant 0 : i32
      %dma_start3A_25 = tpu.memref_slice %arg2[%dma_start3A_23, %dma_start3A_24] : memref<10000x128xf32, #tpu.memory_space<hbm>> -> memref<10000x128xf32, #tpu.memory_space<hbm>>
      tpu.enqueue_indirect_dma source(%dma_start3A_25 : memref<10000x128xf32, #tpu.memory_space<hbm>>) target(%arg11 : memref<128x128xf32, #tpu.memory_space<vmem>>) offsets(%dma_start3A_22 : memref<128xi32, #tpu.memory_space<vmem>>) semaphore(%arg13 : memref<!tpu.dma_semaphore, #tpu.memory_space<semaphore_mem>>)
      %dma_start3A_26 = arith.constant 1 : i32
      %dma_start3A_27 = arith.constant 0 : i32
      %dma_start3A_28 = tpu.memref_slice %arg8[%dma_start3A_26, %dma_start3A_27] : memref<40x128xi32, #tpu.memory_space<vmem>> -> memref<1x128xi32, #tpu.memory_space<vmem>>
      %dma_start3A_29 = tpu.memref_squeeze %dma_start3A_28 : memref<1x128xi32, #tpu.memory_space<vmem>> -> memref<128xi32, #tpu.memory_space<vmem>>
      %dma_start3A_30 = arith.constant 0 : i32
      %dma_start3A_31 = arith.constant 0 : i32
      %dma_start3A_32 = tpu.memref_slice %arg2[%dma_start3A_30, %dma_start3A_31] : memref<10000x128xf32, #tpu.memory_space<hbm>> -> memref<10000x128xf32, #tpu.memory_space<hbm>>
      tpu.enqueue_indirect_dma source(%dma_start3A_32 : memref<10000x128xf32, #tpu.memory_space<hbm>>) target(%arg12 : memref<128x128xf32, #tpu.memory_space<vmem>>) offsets(%dma_start3A_29 : memref<128xi32, #tpu.memory_space<vmem>>) semaphore(%arg14 : memref<!tpu.dma_semaphore, #tpu.memory_space<semaphore_mem>>)
      %scan3A = arith.constant 0 : i32
      %scan3A_33 = arith.constant 20 : i32
      %scan3A_34 = arith.addi %scan3A, %scan3A_33 : i32
      %scan3A_35 = arith.constant 1 : i32
      scf.for %scan3A_71 = %scan3A to %scan3A_34 step %scan3A_35  : i32 {
        %mul3A_72 = arith.constant 2 : i32
        %mul3A_73 = arith.muli %scan3A_71, %mul3A_72 : i32
        %add3A_74 = arith.constant 0 : i32
        %add3A_75 = arith.addi %add3A_74, %mul3A_73 : i32
        %add3A_76 = arith.constant 0 : i32
        %add3A_77 = arith.addi %add3A_75, %add3A_76 : i32
        %dma_wait3A = arith.constant 0 : i32
        %dma_wait3A_78 = tpu.memref_slice %arg8[%add3A_77, %dma_wait3A] : memref<40x128xi32, #tpu.memory_space<vmem>> -> memref<1x128xi32, #tpu.memory_space<vmem>>
        %dma_wait3A_79 = tpu.memref_squeeze %dma_wait3A_78 : memref<1x128xi32, #tpu.memory_space<vmem>> -> memref<128xi32, #tpu.memory_space<vmem>>
        %dma_wait3A_80 = arith.constant 0 : i32
        %dma_wait3A_81 = arith.constant 0 : i32
        %dma_wait3A_82 = tpu.memref_slice %arg2[%dma_wait3A_80, %dma_wait3A_81] : memref<10000x128xf32, #tpu.memory_space<hbm>> -> memref<10000x128xf32, #tpu.memory_space<hbm>>
        tpu.wait_indirect_dma semaphore(%arg13 : memref<!tpu.dma_semaphore, #tpu.memory_space<semaphore_mem>>) src(%dma_wait3A_82 : memref<10000x128xf32, #tpu.memory_space<hbm>>) dst(%arg11 : memref<128x128xf32, #tpu.memory_space<vmem>>)
        "tpu.region"() ({
          %run_scoped3A = tpu.sem_alloc : memref<!tpu.dma_semaphore, #tpu.memory_space<semaphore_mem>>
          %dma_start3A_105 = arith.constant 0 : i32
          %dma_start3A_106 = tpu.memref_slice %arg9[%add3A_77, %dma_start3A_105] : memref<40x128xi32, #tpu.memory_space<vmem>> -> memref<1x128xi32, #tpu.memory_space<vmem>>
          %dma_start3A_107 = tpu.memref_squeeze %dma_start3A_106 : memref<1x128xi32, #tpu.memory_space<vmem>> -> memref<128xi32, #tpu.memory_space<vmem>>
          %dma_start3A_108 = arith.constant 0 : i32
          %dma_start3A_109 = arith.constant 0 : i32
          %dma_start3A_110 = tpu.memref_slice %arg10[%dma_start3A_108, %dma_start3A_109] : memref<10240x128xf32, #tpu.memory_space<vmem_shared>> -> memref<10240x128xf32, #tpu.memory_space<vmem_shared>>
          tpu.enqueue_indirect_dma source(%arg11 : memref<128x128xf32, #tpu.memory_space<vmem>>) target(%dma_start3A_110 : memref<10240x128xf32, #tpu.memory_space<vmem_shared>>) offsets(%dma_start3A_107 : memref<128xi32, #tpu.memory_space<vmem>>) semaphore(%run_scoped3A : memref<!tpu.dma_semaphore, #tpu.memory_space<semaphore_mem>>) {add = true}
          %dma_wait3A_111 = arith.constant 0 : i32
          %dma_wait3A_112 = tpu.memref_slice %arg9[%add3A_77, %dma_wait3A_111] : memref<40x128xi32, #tpu.memory_space<vmem>> -> memref<1x128xi32, #tpu.memory_space<vmem>>
          %dma_wait3A_113 = tpu.memref_squeeze %dma_wait3A_112 : memref<1x128xi32, #tpu.memory_space<vmem>> -> memref<128xi32, #tpu.memory_space<vmem>>
          %dma_wait3A_114 = arith.constant 0 : i32
          %dma_wait3A_115 = arith.constant 0 : i32
          %dma_wait3A_116 = tpu.memref_slice %arg10[%dma_wait3A_114, %dma_wait3A_115] : memref<10240x128xf32, #tpu.memory_space<vmem_shared>> -> memref<10240x128xf32, #tpu.memory_space<vmem_shared>>
          tpu.wait_indirect_dma semaphore(%run_scoped3A : memref<!tpu.dma_semaphore, #tpu.memory_space<semaphore_mem>>) src(%arg11 : memref<128x128xf32, #tpu.memory_space<vmem>>) dst(%dma_wait3A_116 : memref<10240x128xf32, #tpu.memory_space<vmem_shared>>)
          tpu.yield
        }) : () -> ()
        %add3A_83 = arith.constant 2 : i32
        %add3A_84 = arith.addi %add3A_77, %add3A_83 : i32
        %lt3A_85 = arith.constant 40 : i32
        %lt3A_86 = arith.cmpi slt, %add3A_84, %lt3A_85 : i32
        %convert_element_type3A_87 = arith.extui %lt3A_86 : i1 to i32
        %cond3A_88 = arith.constant 0 : i32
        %cond3A_89 = arith.cmpi ne, %convert_element_type3A_87, %cond3A_88 : i32
        scf.if %cond3A_89 {
          %add3A_105 = arith.constant 2 : i32
          %add3A_106 = arith.addi %add3A_77, %add3A_105 : i32
          %dma_start3A_107 = arith.constant 0 : i32
          %dma_start3A_108 = tpu.memref_slice %arg8[%add3A_106, %dma_start3A_107] : memref<40x128xi32, #tpu.memory_space<vmem>> -> memref<1x128xi32, #tpu.memory_space<vmem>>
          %dma_start3A_109 = tpu.memref_squeeze %dma_start3A_108 : memref<1x128xi32, #tpu.memory_space<vmem>> -> memref<128xi32, #tpu.memory_space<vmem>>
          %dma_start3A_110 = arith.constant 0 : i32
          %dma_start3A_111 = arith.constant 0 : i32
          %dma_start3A_112 = tpu.memref_slice %arg2[%dma_start3A_110, %dma_start3A_111] : memref<10000x128xf32, #tpu.memory_space<hbm>> -> memref<10000x128xf32, #tpu.memory_space<hbm>>
          tpu.enqueue_indirect_dma source(%dma_start3A_112 : memref<10000x128xf32, #tpu.memory_space<hbm>>) target(%arg11 : memref<128x128xf32, #tpu.memory_space<vmem>>) offsets(%dma_start3A_109 : memref<128xi32, #tpu.memory_space<vmem>>) semaphore(%arg13 : memref<!tpu.dma_semaphore, #tpu.memory_space<semaphore_mem>>)
        } else {
        }
        %add3A_90 = arith.constant 1 : i32
        %add3A_91 = arith.addi %add3A_75, %add3A_90 : i32
        %dma_wait3A_92 = arith.constant 0 : i32
        %dma_wait3A_93 = tpu.memref_slice %arg8[%add3A_91, %dma_wait3A_92] : memref<40x128xi32, #tpu.memory_space<vmem>> -> memref<1x128xi32, #tpu.memory_space<vmem>>
        %dma_wait3A_94 = tpu.memref_squeeze %dma_wait3A_93 : memref<1x128xi32, #tpu.memory_space<vmem>> -> memref<128xi32, #tpu.memory_space<vmem>>
        %dma_wait3A_95 = arith.constant 0 : i32
        %dma_wait3A_96 = arith.constant 0 : i32
        %dma_wait3A_97 = tpu.memref_slice %arg2[%dma_wait3A_95, %dma_wait3A_96] : memref<10000x128xf32, #tpu.memory_space<hbm>> -> memref<10000x128xf32, #tpu.memory_space<hbm>>
        tpu.wait_indirect_dma semaphore(%arg14 : memref<!tpu.dma_semaphore, #tpu.memory_space<semaphore_mem>>) src(%dma_wait3A_97 : memref<10000x128xf32, #tpu.memory_space<hbm>>) dst(%arg12 : memref<128x128xf32, #tpu.memory_space<vmem>>)
        "tpu.region"() ({
          %run_scoped3A = tpu.sem_alloc : memref<!tpu.dma_semaphore, #tpu.memory_space<semaphore_mem>>
          %dma_start3A_105 = arith.constant 0 : i32
          %dma_start3A_106 = tpu.memref_slice %arg9[%add3A_91, %dma_start3A_105] : memref<40x128xi32, #tpu.memory_space<vmem>> -> memref<1x128xi32, #tpu.memory_space<vmem>>
          %dma_start3A_107 = tpu.memref_squeeze %dma_start3A_106 : memref<1x128xi32, #tpu.memory_space<vmem>> -> memref<128xi32, #tpu.memory_space<vmem>>
          %dma_start3A_108 = arith.constant 0 : i32
          %dma_start3A_109 = arith.constant 0 : i32
          %dma_start3A_110 = tpu.memref_slice %arg10[%dma_start3A_108, %dma_start3A_109] : memref<10240x128xf32, #tpu.memory_space<vmem_shared>> -> memref<10240x128xf32, #tpu.memory_space<vmem_shared>>
          tpu.enqueue_indirect_dma source(%arg12 : memref<128x128xf32, #tpu.memory_space<vmem>>) target(%dma_start3A_110 : memref<10240x128xf32, #tpu.memory_space<vmem_shared>>) offsets(%dma_start3A_107 : memref<128xi32, #tpu.memory_space<vmem>>) semaphore(%run_scoped3A : memref<!tpu.dma_semaphore, #tpu.memory_space<semaphore_mem>>) {add = true}
          %dma_wait3A_111 = arith.constant 0 : i32
          %dma_wait3A_112 = tpu.memref_slice %arg9[%add3A_91, %dma_wait3A_111] : memref<40x128xi32, #tpu.memory_space<vmem>> -> memref<1x128xi32, #tpu.memory_space<vmem>>
          %dma_wait3A_113 = tpu.memref_squeeze %dma_wait3A_112 : memref<1x128xi32, #tpu.memory_space<vmem>> -> memref<128xi32, #tpu.memory_space<vmem>>
          %dma_wait3A_114 = arith.constant 0 : i32
          %dma_wait3A_115 = arith.constant 0 : i32
          %dma_wait3A_116 = tpu.memref_slice %arg10[%dma_wait3A_114, %dma_wait3A_115] : memref<10240x128xf32, #tpu.memory_space<vmem_shared>> -> memref<10240x128xf32, #tpu.memory_space<vmem_shared>>
          tpu.wait_indirect_dma semaphore(%run_scoped3A : memref<!tpu.dma_semaphore, #tpu.memory_space<semaphore_mem>>) src(%arg12 : memref<128x128xf32, #tpu.memory_space<vmem>>) dst(%dma_wait3A_116 : memref<10240x128xf32, #tpu.memory_space<vmem_shared>>)
          tpu.yield
        }) : () -> ()
        %add3A_98 = arith.constant 2 : i32
        %add3A_99 = arith.addi %add3A_91, %add3A_98 : i32
        %lt3A_100 = arith.constant 40 : i32
        %lt3A_101 = arith.cmpi slt, %add3A_99, %lt3A_100 : i32
        %convert_element_type3A_102 = arith.extui %lt3A_101 : i1 to i32
        %cond3A_103 = arith.constant 0 : i32
        %cond3A_104 = arith.cmpi ne, %convert_element_type3A_102, %cond3A_103 : i32
        scf.if %cond3A_104 {
          %add3A_105 = arith.constant 2 : i32
          %add3A_106 = arith.addi %add3A_91, %add3A_105 : i32
          %dma_start3A_107 = arith.constant 0 : i32
          %dma_start3A_108 = tpu.memref_slice %arg8[%add3A_106, %dma_start3A_107] : memref<40x128xi32, #tpu.memory_space<vmem>> -> memref<1x128xi32, #tpu.memory_space<vmem>>
          %dma_start3A_109 = tpu.memref_squeeze %dma_start3A_108 : memref<1x128xi32, #tpu.memory_space<vmem>> -> memref<128xi32, #tpu.memory_space<vmem>>
          %dma_start3A_110 = arith.constant 0 : i32
          %dma_start3A_111 = arith.constant 0 : i32
          %dma_start3A_112 = tpu.memref_slice %arg2[%dma_start3A_110, %dma_start3A_111] : memref<10000x128xf32, #tpu.memory_space<hbm>> -> memref<10000x128xf32, #tpu.memory_space<hbm>>
          tpu.enqueue_indirect_dma source(%dma_start3A_112 : memref<10000x128xf32, #tpu.memory_space<hbm>>) target(%arg12 : memref<128x128xf32, #tpu.memory_space<vmem>>) offsets(%dma_start3A_109 : memref<128xi32, #tpu.memory_space<vmem>>) semaphore(%arg14 : memref<!tpu.dma_semaphore, #tpu.memory_space<semaphore_mem>>)
        } else {
        }
      }
      %scan3A_36 = arith.constant 20 : i32
      %mul3A_37 = arith.constant 80 : i32
      %mul3A_38 = arith.muli %arg1, %mul3A_37 : i32
      %add3A_39 = arith.constant 40 : i32
      %add3A_40 = arith.addi %mul3A_38, %add3A_39 : i32
      "tpu.region"() ({
        %run_scoped3A = tpu.sem_alloc : memref<!tpu.dma_semaphore, #tpu.memory_space<semaphore_mem>>
        %dma_start3A_71 = arith.constant 0 : i32
        %dma_start3A_72 = tpu.memref_slice %arg4[%add3A_40, %dma_start3A_71] : memref<1280x128xi32, #tpu.memory_space<hbm>> -> memref<40x128xi32, #tpu.memory_space<hbm>>
        %dma_start3A_73 = arith.constant 0 : i32
        %dma_start3A_74 = tpu.memref_slice %arg4[%add3A_40, %dma_start3A_73] : memref<1280x128xi32, #tpu.memory_space<hbm>> -> memref<40x128xi32, #tpu.memory_space<hbm>>
        tpu.enqueue_dma source(%dma_start3A_74 : memref<40x128xi32, #tpu.memory_space<hbm>>) target(%arg8 : memref<40x128xi32, #tpu.memory_space<vmem>>) target_semaphore(%run_scoped3A : memref<!tpu.dma_semaphore, #tpu.memory_space<semaphore_mem>>)
        %dma_wait3A = arith.constant 0 : i32
        %dma_wait3A_75 = tpu.memref_slice %arg4[%add3A_40, %dma_wait3A] : memref<1280x128xi32, #tpu.memory_space<hbm>> -> memref<40x128xi32, #tpu.memory_space<hbm>>
        %dma_wait3A_76 = arith.constant 0 : i32
        %dma_wait3A_77 = tpu.memref_slice %arg4[%add3A_40, %dma_wait3A_76] : memref<1280x128xi32, #tpu.memory_space<hbm>> -> memref<40x128xi32, #tpu.memory_space<hbm>>
        tpu.wait_dma2 semaphore(%run_scoped3A : memref<!tpu.dma_semaphore, #tpu.memory_space<semaphore_mem>>) src(%dma_wait3A_77 : memref<40x128xi32, #tpu.memory_space<hbm>>) dst(%arg8 : memref<40x128xi32, #tpu.memory_space<vmem>>)
        tpu.yield
      }) : () -> ()
      "tpu.region"() ({
        %run_scoped3A = tpu.sem_alloc : memref<!tpu.dma_semaphore, #tpu.memory_space<semaphore_mem>>
        %dma_start3A_71 = arith.constant 0 : i32
        %dma_start3A_72 = tpu.memref_slice %arg5[%add3A_40, %dma_start3A_71] : memref<1280x128xi32, #tpu.memory_space<hbm>> -> memref<40x128xi32, #tpu.memory_space<hbm>>
        %dma_start3A_73 = arith.constant 0 : i32
        %dma_start3A_74 = tpu.memref_slice %arg5[%add3A_40, %dma_start3A_73] : memref<1280x128xi32, #tpu.memory_space<hbm>> -> memref<40x128xi32, #tpu.memory_space<hbm>>
        tpu.enqueue_dma source(%dma_start3A_74 : memref<40x128xi32, #tpu.memory_space<hbm>>) target(%arg9 : memref<40x128xi32, #tpu.memory_space<vmem>>) target_semaphore(%run_scoped3A : memref<!tpu.dma_semaphore, #tpu.memory_space<semaphore_mem>>)
        %dma_wait3A = arith.constant 0 : i32
        %dma_wait3A_75 = tpu.memref_slice %arg5[%add3A_40, %dma_wait3A] : memref<1280x128xi32, #tpu.memory_space<hbm>> -> memref<40x128xi32, #tpu.memory_space<hbm>>
        %dma_wait3A_76 = arith.constant 0 : i32
        %dma_wait3A_77 = tpu.memref_slice %arg5[%add3A_40, %dma_wait3A_76] : memref<1280x128xi32, #tpu.memory_space<hbm>> -> memref<40x128xi32, #tpu.memory_space<hbm>>
        tpu.wait_dma2 semaphore(%run_scoped3A : memref<!tpu.dma_semaphore, #tpu.memory_space<semaphore_mem>>) src(%dma_wait3A_77 : memref<40x128xi32, #tpu.memory_space<hbm>>) dst(%arg9 : memref<40x128xi32, #tpu.memory_space<vmem>>)
        tpu.yield
      }) : () -> ()
      %dma_start3A_41 = arith.constant 0 : i32
      %dma_start3A_42 = arith.constant 0 : i32
      %dma_start3A_43 = tpu.memref_slice %arg8[%dma_start3A_41, %dma_start3A_42] : memref<40x128xi32, #tpu.memory_space<vmem>> -> memref<1x128xi32, #tpu.memory_space<vmem>>
      %dma_start3A_44 = tpu.memref_squeeze %dma_start3A_43 : memref<1x128xi32, #tpu.memory_space<vmem>> -> memref<128xi32, #tpu.memory_space<vmem>>
      %dma_start3A_45 = arith.constant 0 : i32
      %dma_start3A_46 = arith.constant 0 : i32
      %dma_start3A_47 = tpu.memref_slice %arg2[%dma_start3A_45, %dma_start3A_46] : memref<10000x128xf32, #tpu.memory_space<hbm>> -> memref<10000x128xf32, #tpu.memory_space<hbm>>
      tpu.enqueue_indirect_dma source(%dma_start3A_47 : memref<10000x128xf32, #tpu.memory_space<hbm>>) target(%arg11 : memref<128x128xf32, #tpu.memory_space<vmem>>) offsets(%dma_start3A_44 : memref<128xi32, #tpu.memory_space<vmem>>) semaphore(%arg13 : memref<!tpu.dma_semaphore, #tpu.memory_space<semaphore_mem>>)
      %dma_start3A_48 = arith.constant 1 : i32
      %dma_start3A_49 = arith.constant 0 : i32
      %dma_start3A_50 = tpu.memref_slice %arg8[%dma_start3A_48, %dma_start3A_49] : memref<40x128xi32, #tpu.memory_space<vmem>> -> memref<1x128xi32, #tpu.memory_space<vmem>>
      %dma_start3A_51 = tpu.memref_squeeze %dma_start3A_50 : memref<1x128xi32, #tpu.memory_space<vmem>> -> memref<128xi32, #tpu.memory_space<vmem>>
      %dma_start3A_52 = arith.constant 0 : i32
      %dma_start3A_53 = arith.constant 0 : i32
      %dma_start3A_54 = tpu.memref_slice %arg2[%dma_start3A_52, %dma_start3A_53] : memref<10000x128xf32, #tpu.memory_space<hbm>> -> memref<10000x128xf32, #tpu.memory_space<hbm>>
      tpu.enqueue_indirect_dma source(%dma_start3A_54 : memref<10000x128xf32, #tpu.memory_space<hbm>>) target(%arg12 : memref<128x128xf32, #tpu.memory_space<vmem>>) offsets(%dma_start3A_51 : memref<128xi32, #tpu.memory_space<vmem>>) semaphore(%arg14 : memref<!tpu.dma_semaphore, #tpu.memory_space<semaphore_mem>>)
      %scan3A_55 = arith.constant 0 : i32
      %scan3A_56 = arith.constant 20 : i32
      %scan3A_57 = arith.addi %scan3A_55, %scan3A_56 : i32
      %scan3A_58 = arith.constant 1 : i32
      scf.for %scan3A_71 = %scan3A_55 to %scan3A_57 step %scan3A_58  : i32 {
        %mul3A_72 = arith.constant 2 : i32
        %mul3A_73 = arith.muli %scan3A_71, %mul3A_72 : i32
        %add3A_74 = arith.constant 0 : i32
        %add3A_75 = arith.addi %add3A_74, %mul3A_73 : i32
        %add3A_76 = arith.constant 0 : i32
        %add3A_77 = arith.addi %add3A_75, %add3A_76 : i32
        %dma_wait3A = arith.constant 0 : i32
        %dma_wait3A_78 = tpu.memref_slice %arg8[%add3A_77, %dma_wait3A] : memref<40x128xi32, #tpu.memory_space<vmem>> -> memref<1x128xi32, #tpu.memory_space<vmem>>
        %dma_wait3A_79 = tpu.memref_squeeze %dma_wait3A_78 : memref<1x128xi32, #tpu.memory_space<vmem>> -> memref<128xi32, #tpu.memory_space<vmem>>
        %dma_wait3A_80 = arith.constant 0 : i32
        %dma_wait3A_81 = arith.constant 0 : i32
        %dma_wait3A_82 = tpu.memref_slice %arg2[%dma_wait3A_80, %dma_wait3A_81] : memref<10000x128xf32, #tpu.memory_space<hbm>> -> memref<10000x128xf32, #tpu.memory_space<hbm>>
        tpu.wait_indirect_dma semaphore(%arg13 : memref<!tpu.dma_semaphore, #tpu.memory_space<semaphore_mem>>) src(%dma_wait3A_82 : memref<10000x128xf32, #tpu.memory_space<hbm>>) dst(%arg11 : memref<128x128xf32, #tpu.memory_space<vmem>>)
        "tpu.region"() ({
          %run_scoped3A = tpu.sem_alloc : memref<!tpu.dma_semaphore, #tpu.memory_space<semaphore_mem>>
          %dma_start3A_105 = arith.constant 0 : i32
          %dma_start3A_106 = tpu.memref_slice %arg9[%add3A_77, %dma_start3A_105] : memref<40x128xi32, #tpu.memory_space<vmem>> -> memref<1x128xi32, #tpu.memory_space<vmem>>
          %dma_start3A_107 = tpu.memref_squeeze %dma_start3A_106 : memref<1x128xi32, #tpu.memory_space<vmem>> -> memref<128xi32, #tpu.memory_space<vmem>>
          %dma_start3A_108 = arith.constant 0 : i32
          %dma_start3A_109 = arith.constant 0 : i32
          %dma_start3A_110 = tpu.memref_slice %arg10[%dma_start3A_108, %dma_start3A_109] : memref<10240x128xf32, #tpu.memory_space<vmem_shared>> -> memref<10240x128xf32, #tpu.memory_space<vmem_shared>>
          tpu.enqueue_indirect_dma source(%arg11 : memref<128x128xf32, #tpu.memory_space<vmem>>) target(%dma_start3A_110 : memref<10240x128xf32, #tpu.memory_space<vmem_shared>>) offsets(%dma_start3A_107 : memref<128xi32, #tpu.memory_space<vmem>>) semaphore(%run_scoped3A : memref<!tpu.dma_semaphore, #tpu.memory_space<semaphore_mem>>) {add = true}
          %dma_wait3A_111 = arith.constant 0 : i32
          %dma_wait3A_112 = tpu.memref_slice %arg9[%add3A_77, %dma_wait3A_111] : memref<40x128xi32, #tpu.memory_space<vmem>> -> memref<1x128xi32, #tpu.memory_space<vmem>>
          %dma_wait3A_113 = tpu.memref_squeeze %dma_wait3A_112 : memref<1x128xi32, #tpu.memory_space<vmem>> -> memref<128xi32, #tpu.memory_space<vmem>>
          %dma_wait3A_114 = arith.constant 0 : i32
          %dma_wait3A_115 = arith.constant 0 : i32
          %dma_wait3A_116 = tpu.memref_slice %arg10[%dma_wait3A_114, %dma_wait3A_115] : memref<10240x128xf32, #tpu.memory_space<vmem_shared>> -> memref<10240x128xf32, #tpu.memory_space<vmem_shared>>
          tpu.wait_indirect_dma semaphore(%run_scoped3A : memref<!tpu.dma_semaphore, #tpu.memory_space<semaphore_mem>>) src(%arg11 : memref<128x128xf32, #tpu.memory_space<vmem>>) dst(%dma_wait3A_116 : memref<10240x128xf32, #tpu.memory_space<vmem_shared>>)
          tpu.yield
        }) : () -> ()
        %add3A_83 = arith.constant 2 : i32
        %add3A_84 = arith.addi %add3A_77, %add3A_83 : i32
        %lt3A_85 = arith.constant 40 : i32
        %lt3A_86 = arith.cmpi slt, %add3A_84, %lt3A_85 : i32
        %convert_element_type3A_87 = arith.extui %lt3A_86 : i1 to i32
        %cond3A_88 = arith.constant 0 : i32
        %cond3A_89 = arith.cmpi ne, %convert_element_type3A_87, %cond3A_88 : i32
        scf.if %cond3A_89 {
          %add3A_105 = arith.constant 2 : i32
          %add3A_106 = arith.addi %add3A_77, %add3A_105 : i32
          %dma_start3A_107 = arith.constant 0 : i32
          %dma_start3A_108 = tpu.memref_slice %arg8[%add3A_106, %dma_start3A_107] : memref<40x128xi32, #tpu.memory_space<vmem>> -> memref<1x128xi32, #tpu.memory_space<vmem>>
          %dma_start3A_109 = tpu.memref_squeeze %dma_start3A_108 : memref<1x128xi32, #tpu.memory_space<vmem>> -> memref<128xi32, #tpu.memory_space<vmem>>
          %dma_start3A_110 = arith.constant 0 : i32
          %dma_start3A_111 = arith.constant 0 : i32
          %dma_start3A_112 = tpu.memref_slice %arg2[%dma_start3A_110, %dma_start3A_111] : memref<10000x128xf32, #tpu.memory_space<hbm>> -> memref<10000x128xf32, #tpu.memory_space<hbm>>
          tpu.enqueue_indirect_dma source(%dma_start3A_112 : memref<10000x128xf32, #tpu.memory_space<hbm>>) target(%arg11 : memref<128x128xf32, #tpu.memory_space<vmem>>) offsets(%dma_start3A_109 : memref<128xi32, #tpu.memory_space<vmem>>) semaphore(%arg13 : memref<!tpu.dma_semaphore, #tpu.memory_space<semaphore_mem>>)
        } else {
        }
        %add3A_90 = arith.constant 1 : i32
        %add3A_91 = arith.addi %add3A_75, %add3A_90 : i32
        %dma_wait3A_92 = arith.constant 0 : i32
        %dma_wait3A_93 = tpu.memref_slice %arg8[%add3A_91, %dma_wait3A_92] : memref<40x128xi32, #tpu.memory_space<vmem>> -> memref<1x128xi32, #tpu.memory_space<vmem>>
        %dma_wait3A_94 = tpu.memref_squeeze %dma_wait3A_93 : memref<1x128xi32, #tpu.memory_space<vmem>> -> memref<128xi32, #tpu.memory_space<vmem>>
        %dma_wait3A_95 = arith.constant 0 : i32
        %dma_wait3A_96 = arith.constant 0 : i32
        %dma_wait3A_97 = tpu.memref_slice %arg2[%dma_wait3A_95, %dma_wait3A_96] : memref<10000x128xf32, #tpu.memory_space<hbm>> -> memref<10000x128xf32, #tpu.memory_space<hbm>>
        tpu.wait_indirect_dma semaphore(%arg14 : memref<!tpu.dma_semaphore, #tpu.memory_space<semaphore_mem>>) src(%dma_wait3A_97 : memref<10000x128xf32, #tpu.memory_space<hbm>>) dst(%arg12 : memref<128x128xf32, #tpu.memory_space<vmem>>)
        "tpu.region"() ({
          %run_scoped3A = tpu.sem_alloc : memref<!tpu.dma_semaphore, #tpu.memory_space<semaphore_mem>>
          %dma_start3A_105 = arith.constant 0 : i32
          %dma_start3A_106 = tpu.memref_slice %arg9[%add3A_91, %dma_start3A_105] : memref<40x128xi32, #tpu.memory_space<vmem>> -> memref<1x128xi32, #tpu.memory_space<vmem>>
          %dma_start3A_107 = tpu.memref_squeeze %dma_start3A_106 : memref<1x128xi32, #tpu.memory_space<vmem>> -> memref<128xi32, #tpu.memory_space<vmem>>
          %dma_start3A_108 = arith.constant 0 : i32
          %dma_start3A_109 = arith.constant 0 : i32
          %dma_start3A_110 = tpu.memref_slice %arg10[%dma_start3A_108, %dma_start3A_109] : memref<10240x128xf32, #tpu.memory_space<vmem_shared>> -> memref<10240x128xf32, #tpu.memory_space<vmem_shared>>
          tpu.enqueue_indirect_dma source(%arg12 : memref<128x128xf32, #tpu.memory_space<vmem>>) target(%dma_start3A_110 : memref<10240x128xf32, #tpu.memory_space<vmem_shared>>) offsets(%dma_start3A_107 : memref<128xi32, #tpu.memory_space<vmem>>) semaphore(%run_scoped3A : memref<!tpu.dma_semaphore, #tpu.memory_space<semaphore_mem>>) {add = true}
          %dma_wait3A_111 = arith.constant 0 : i32
          %dma_wait3A_112 = tpu.memref_slice %arg9[%add3A_91, %dma_wait3A_111] : memref<40x128xi32, #tpu.memory_space<vmem>> -> memref<1x128xi32, #tpu.memory_space<vmem>>
          %dma_wait3A_113 = tpu.memref_squeeze %dma_wait3A_112 : memref<1x128xi32, #tpu.memory_space<vmem>> -> memref<128xi32, #tpu.memory_space<vmem>>
          %dma_wait3A_114 = arith.constant 0 : i32
          %dma_wait3A_115 = arith.constant 0 : i32
          %dma_wait3A_116 = tpu.memref_slice %arg10[%dma_wait3A_114, %dma_wait3A_115] : memref<10240x128xf32, #tpu.memory_space<vmem_shared>> -> memref<10240x128xf32, #tpu.memory_space<vmem_shared>>
          tpu.wait_indirect_dma semaphore(%run_scoped3A : memref<!tpu.dma_semaphore, #tpu.memory_space<semaphore_mem>>) src(%arg12 : memref<128x128xf32, #tpu.memory_space<vmem>>) dst(%dma_wait3A_116 : memref<10240x128xf32, #tpu.memory_space<vmem_shared>>)
          tpu.yield
        }) : () -> ()
        %add3A_98 = arith.constant 2 : i32
        %add3A_99 = arith.addi %add3A_91, %add3A_98 : i32
        %lt3A_100 = arith.constant 40 : i32
        %lt3A_101 = arith.cmpi slt, %add3A_99, %lt3A_100 : i32
        %convert_element_type3A_102 = arith.extui %lt3A_101 : i1 to i32
        %cond3A_103 = arith.constant 0 : i32
        %cond3A_104 = arith.cmpi ne, %convert_element_type3A_102, %cond3A_103 : i32
        scf.if %cond3A_104 {
          %add3A_105 = arith.constant 2 : i32
          %add3A_106 = arith.addi %add3A_91, %add3A_105 : i32
          %dma_start3A_107 = arith.constant 0 : i32
          %dma_start3A_108 = tpu.memref_slice %arg8[%add3A_106, %dma_start3A_107] : memref<40x128xi32, #tpu.memory_space<vmem>> -> memref<1x128xi32, #tpu.memory_space<vmem>>
          %dma_start3A_109 = tpu.memref_squeeze %dma_start3A_108 : memref<1x128xi32, #tpu.memory_space<vmem>> -> memref<128xi32, #tpu.memory_space<vmem>>
          %dma_start3A_110 = arith.constant 0 : i32
          %dma_start3A_111 = arith.constant 0 : i32
          %dma_start3A_112 = tpu.memref_slice %arg2[%dma_start3A_110, %dma_start3A_111] : memref<10000x128xf32, #tpu.memory_space<hbm>> -> memref<10000x128xf32, #tpu.memory_space<hbm>>
          tpu.enqueue_indirect_dma source(%dma_start3A_112 : memref<10000x128xf32, #tpu.memory_space<hbm>>) target(%arg12 : memref<128x128xf32, #tpu.memory_space<vmem>>) offsets(%dma_start3A_109 : memref<128xi32, #tpu.memory_space<vmem>>) semaphore(%arg14 : memref<!tpu.dma_semaphore, #tpu.memory_space<semaphore_mem>>)
        } else {
        }
      }
      %scan3A_59 = arith.constant 20 : i32
      %barrier3A_60 = arith.constant 0 : index
      tpu.barrier barrier_id(%barrier3A_60)
      %lt3A_61 = arith.constant 15 : i32
      %lt3A_62 = arith.cmpi slt, %arg1, %lt3A_61 : i32
      %convert_element_type3A_63 = arith.extui %lt3A_62 : i1 to i32
      %cond3A_64 = arith.constant 0 : i32
      %cond3A_65 = arith.cmpi ne, %convert_element_type3A_63, %cond3A_64 : i32
      scf.if %cond3A_65 {
        "tpu.region"() ({
          %run_scoped3A = tpu.sem_alloc : memref<!tpu.dma_semaphore, #tpu.memory_space<semaphore_mem>>
          %dma_start3A_71 = arith.constant 0 : i32
          %dma_start3A_72 = tpu.memref_slice %arg6[%mul3A_0, %dma_start3A_71] : memref<10000x128xf32, #tpu.memory_space<hbm>> -> memref<640x128xf32, #tpu.memory_space<hbm>>
          %dma_start3A_73 = arith.constant 0 : i32
          %dma_start3A_74 = tpu.memref_slice %arg10[%mul3A_0, %dma_start3A_73] : memref<10240x128xf32, #tpu.memory_space<vmem_shared>> -> memref<640x128xf32, #tpu.memory_space<vmem_shared>>
          tpu.enqueue_dma source(%dma_start3A_74 : memref<640x128xf32, #tpu.memory_space<vmem_shared>>) target(%dma_start3A_72 : memref<640x128xf32, #tpu.memory_space<hbm>>) target_semaphore(%run_scoped3A : memref<!tpu.dma_semaphore, #tpu.memory_space<semaphore_mem>>)
          %dma_wait3A = arith.constant 0 : i32
          %dma_wait3A_75 = tpu.memref_slice %arg6[%mul3A_0, %dma_wait3A] : memref<10000x128xf32, #tpu.memory_space<hbm>> -> memref<640x128xf32, #tpu.memory_space<hbm>>
          %dma_wait3A_76 = arith.constant 0 : i32
          %dma_wait3A_77 = tpu.memref_slice %arg10[%mul3A_0, %dma_wait3A_76] : memref<10240x128xf32, #tpu.memory_space<vmem_shared>> -> memref<640x128xf32, #tpu.memory_space<vmem_shared>>
          tpu.wait_dma2 semaphore(%run_scoped3A : memref<!tpu.dma_semaphore, #tpu.memory_space<semaphore_mem>>) src(%dma_wait3A_77 : memref<640x128xf32, #tpu.memory_space<vmem_shared>>) dst(%dma_wait3A_75 : memref<640x128xf32, #tpu.memory_space<hbm>>)
          tpu.yield
        }) : () -> ()
      } else {
      }
      %eq3A_66 = arith.constant 15 : i32
      %eq3A_67 = arith.cmpi eq, %arg1, %eq3A_66 : i32
      %convert_element_type3A_68 = arith.extui %eq3A_67 : i1 to i32
      %cond3A_69 = arith.constant 0 : i32
      %cond3A_70 = arith.cmpi ne, %convert_element_type3A_68, %cond3A_69 : i32
      scf.if %cond3A_70 {
        "tpu.region"() ({
          %run_scoped3A = tpu.sem_alloc : memref<!tpu.dma_semaphore, #tpu.memory_space<semaphore_mem>>
          %dma_start3A_71 = arith.constant 0 : i32
          %dma_start3A_72 = tpu.memref_slice %arg6[%mul3A_0, %dma_start3A_71] : memref<10000x128xf32, #tpu.memory_space<hbm>> -> memref<400x128xf32, #tpu.memory_space<hbm>>
          %dma_start3A_73 = arith.constant 0 : i32
          %dma_start3A_74 = tpu.memref_slice %arg10[%mul3A_0, %dma_start3A_73] : memref<10240x128xf32, #tpu.memory_space<vmem_shared>> -> memref<400x128xf32, #tpu.memory_space<vmem_shared>>
          tpu.enqueue_dma source(%dma_start3A_74 : memref<400x128xf32, #tpu.memory_space<vmem_shared>>) target(%dma_start3A_72 : memref<400x128xf32, #tpu.memory_space<hbm>>) target_semaphore(%run_scoped3A : memref<!tpu.dma_semaphore, #tpu.memory_space<semaphore_mem>>)
          %dma_wait3A = arith.constant 0 : i32
          %dma_wait3A_75 = tpu.memref_slice %arg6[%mul3A_0, %dma_wait3A] : memref<10000x128xf32, #tpu.memory_space<hbm>> -> memref<400x128xf32, #tpu.memory_space<hbm>>
          %dma_wait3A_76 = arith.constant 0 : i32
          %dma_wait3A_77 = tpu.memref_slice %arg10[%mul3A_0, %dma_wait3A_76] : memref<10240x128xf32, #tpu.memory_space<vmem_shared>> -> memref<400x128xf32, #tpu.memory_space<vmem_shared>>
          tpu.wait_dma2 semaphore(%run_scoped3A : memref<!tpu.dma_semaphore, #tpu.memory_space<semaphore_mem>>) src(%dma_wait3A_77 : memref<400x128xf32, #tpu.memory_space<vmem_shared>>) dst(%dma_wait3A_75 : memref<400x128xf32, #tpu.memory_space<hbm>>)
          tpu.yield
        }) : () -> ()
      } else {
      }
    } else {
    }
    %eq3A_3 = arith.constant 1 : i32
    %eq3A_4 = arith.cmpi eq, %arg0, %eq3A_3 : i32
    %convert_element_type3A_5 = arith.extui %eq3A_4 : i1 to i32
    %cond3A_6 = arith.constant 0 : i32
    %cond3A_7 = arith.cmpi ne, %convert_element_type3A_5, %cond3A_6 : i32
    scf.if %cond3A_7 {
      %lt3A = arith.constant 15 : i32
      %lt3A_8 = arith.cmpi slt, %arg1, %lt3A : i32
      %convert_element_type3A_9 = arith.extui %lt3A_8 : i1 to i32
      %cond3A_10 = arith.constant 0 : i32
      %cond3A_11 = arith.cmpi ne, %convert_element_type3A_9, %cond3A_10 : i32
      scf.if %cond3A_11 {
        "tpu.region"() ({
          %run_scoped3A = tpu.sem_alloc : memref<!tpu.dma_semaphore, #tpu.memory_space<semaphore_mem>>
          %dma_start3A_71 = arith.constant 0 : i32
          %dma_start3A_72 = tpu.memref_slice %arg10[%mul3A_0, %dma_start3A_71] : memref<10240x128xf32, #tpu.memory_space<vmem_shared>> -> memref<640x128xf32, #tpu.memory_space<vmem_shared>>
          %dma_start3A_73 = arith.constant 0 : i32
          %dma_start3A_74 = tpu.memref_slice %arg3[%mul3A_0, %dma_start3A_73] : memref<10000x128xf32, #tpu.memory_space<hbm>> -> memref<640x128xf32, #tpu.memory_space<hbm>>
          tpu.enqueue_dma source(%dma_start3A_74 : memref<640x128xf32, #tpu.memory_space<hbm>>) target(%dma_start3A_72 : memref<640x128xf32, #tpu.memory_space<vmem_shared>>) target_semaphore(%run_scoped3A : memref<!tpu.dma_semaphore, #tpu.memory_space<semaphore_mem>>)
          %dma_wait3A = arith.constant 0 : i32
          %dma_wait3A_75 = tpu.memref_slice %arg10[%mul3A_0, %dma_wait3A] : memref<10240x128xf32, #tpu.memory_space<vmem_shared>> -> memref<640x128xf32, #tpu.memory_space<vmem_shared>>
          %dma_wait3A_76 = arith.constant 0 : i32
          %dma_wait3A_77 = tpu.memref_slice %arg3[%mul3A_0, %dma_wait3A_76] : memref<10000x128xf32, #tpu.memory_space<hbm>> -> memref<640x128xf32, #tpu.memory_space<hbm>>
          tpu.wait_dma2 semaphore(%run_scoped3A : memref<!tpu.dma_semaphore, #tpu.memory_space<semaphore_mem>>) src(%dma_wait3A_77 : memref<640x128xf32, #tpu.memory_space<hbm>>) dst(%dma_wait3A_75 : memref<640x128xf32, #tpu.memory_space<vmem_shared>>)
          tpu.yield
        }) : () -> ()
      } else {
      }
      %eq3A_12 = arith.constant 15 : i32
      %eq3A_13 = arith.cmpi eq, %arg1, %eq3A_12 : i32
      %convert_element_type3A_14 = arith.extui %eq3A_13 : i1 to i32
      %cond3A_15 = arith.constant 0 : i32
      %cond3A_16 = arith.cmpi ne, %convert_element_type3A_14, %cond3A_15 : i32
      scf.if %cond3A_16 {
        "tpu.region"() ({
          %run_scoped3A = tpu.sem_alloc : memref<!tpu.dma_semaphore, #tpu.memory_space<semaphore_mem>>
          %dma_start3A_71 = arith.constant 0 : i32
          %dma_start3A_72 = tpu.memref_slice %arg10[%mul3A_0, %dma_start3A_71] : memref<10240x128xf32, #tpu.memory_space<vmem_shared>> -> memref<400x128xf32, #tpu.memory_space<vmem_shared>>
          %dma_start3A_73 = arith.constant 0 : i32
          %dma_start3A_74 = tpu.memref_slice %arg3[%mul3A_0, %dma_start3A_73] : memref<10000x128xf32, #tpu.memory_space<hbm>> -> memref<400x128xf32, #tpu.memory_space<hbm>>
          tpu.enqueue_dma source(%dma_start3A_74 : memref<400x128xf32, #tpu.memory_space<hbm>>) target(%dma_start3A_72 : memref<400x128xf32, #tpu.memory_space<vmem_shared>>) target_semaphore(%run_scoped3A : memref<!tpu.dma_semaphore, #tpu.memory_space<semaphore_mem>>)
          %dma_wait3A = arith.constant 0 : i32
          %dma_wait3A_75 = tpu.memref_slice %arg10[%mul3A_0, %dma_wait3A] : memref<10240x128xf32, #tpu.memory_space<vmem_shared>> -> memref<400x128xf32, #tpu.memory_space<vmem_shared>>
          %dma_wait3A_76 = arith.constant 0 : i32
          %dma_wait3A_77 = tpu.memref_slice %arg3[%mul3A_0, %dma_wait3A_76] : memref<10000x128xf32, #tpu.memory_space<hbm>> -> memref<400x128xf32, #tpu.memory_space<hbm>>
          tpu.wait_dma2 semaphore(%run_scoped3A : memref<!tpu.dma_semaphore, #tpu.memory_space<semaphore_mem>>) src(%dma_wait3A_77 : memref<400x128xf32, #tpu.memory_space<hbm>>) dst(%dma_wait3A_75 : memref<400x128xf32, #tpu.memory_space<vmem_shared>>)
          tpu.yield
        }) : () -> ()
      } else {
      }
      %barrier3A = arith.constant 0 : index
      tpu.barrier barrier_id(%barrier3A)
      %mul3A_17 = arith.constant 80 : i32
      %mul3A_18 = arith.muli %arg1, %mul3A_17 : i32
      %add3A = arith.constant 0 : i32
      %add3A_19 = arith.addi %mul3A_18, %add3A : i32
      "tpu.region"() ({
        %run_scoped3A = tpu.sem_alloc : memref<!tpu.dma_semaphore, #tpu.memory_space<semaphore_mem>>
        %dma_start3A_71 = arith.constant 0 : i32
        %dma_start3A_72 = tpu.memref_slice %arg4[%add3A_19, %dma_start3A_71] : memref<1280x128xi32, #tpu.memory_space<hbm>> -> memref<40x128xi32, #tpu.memory_space<hbm>>
        %dma_start3A_73 = arith.constant 0 : i32
        %dma_start3A_74 = tpu.memref_slice %arg4[%add3A_19, %dma_start3A_73] : memref<1280x128xi32, #tpu.memory_space<hbm>> -> memref<40x128xi32, #tpu.memory_space<hbm>>
        tpu.enqueue_dma source(%dma_start3A_74 : memref<40x128xi32, #tpu.memory_space<hbm>>) target(%arg8 : memref<40x128xi32, #tpu.memory_space<vmem>>) target_semaphore(%run_scoped3A : memref<!tpu.dma_semaphore, #tpu.memory_space<semaphore_mem>>)
        %dma_wait3A = arith.constant 0 : i32
        %dma_wait3A_75 = tpu.memref_slice %arg4[%add3A_19, %dma_wait3A] : memref<1280x128xi32, #tpu.memory_space<hbm>> -> memref<40x128xi32, #tpu.memory_space<hbm>>
        %dma_wait3A_76 = arith.constant 0 : i32
        %dma_wait3A_77 = tpu.memref_slice %arg4[%add3A_19, %dma_wait3A_76] : memref<1280x128xi32, #tpu.memory_space<hbm>> -> memref<40x128xi32, #tpu.memory_space<hbm>>
        tpu.wait_dma2 semaphore(%run_scoped3A : memref<!tpu.dma_semaphore, #tpu.memory_space<semaphore_mem>>) src(%dma_wait3A_77 : memref<40x128xi32, #tpu.memory_space<hbm>>) dst(%arg8 : memref<40x128xi32, #tpu.memory_space<vmem>>)
        tpu.yield
      }) : () -> ()
      "tpu.region"() ({
        %run_scoped3A = tpu.sem_alloc : memref<!tpu.dma_semaphore, #tpu.memory_space<semaphore_mem>>
        %dma_start3A_71 = arith.constant 0 : i32
        %dma_start3A_72 = tpu.memref_slice %arg5[%add3A_19, %dma_start3A_71] : memref<1280x128xi32, #tpu.memory_space<hbm>> -> memref<40x128xi32, #tpu.memory_space<hbm>>
        %dma_start3A_73 = arith.constant 0 : i32
        %dma_start3A_74 = tpu.memref_slice %arg5[%add3A_19, %dma_start3A_73] : memref<1280x128xi32, #tpu.memory_space<hbm>> -> memref<40x128xi32, #tpu.memory_space<hbm>>
        tpu.enqueue_dma source(%dma_start3A_74 : memref<40x128xi32, #tpu.memory_space<hbm>>) target(%arg9 : memref<40x128xi32, #tpu.memory_space<vmem>>) target_semaphore(%run_scoped3A : memref<!tpu.dma_semaphore, #tpu.memory_space<semaphore_mem>>)
        %dma_wait3A = arith.constant 0 : i32
        %dma_wait3A_75 = tpu.memref_slice %arg5[%add3A_19, %dma_wait3A] : memref<1280x128xi32, #tpu.memory_space<hbm>> -> memref<40x128xi32, #tpu.memory_space<hbm>>
        %dma_wait3A_76 = arith.constant 0 : i32
        %dma_wait3A_77 = tpu.memref_slice %arg5[%add3A_19, %dma_wait3A_76] : memref<1280x128xi32, #tpu.memory_space<hbm>> -> memref<40x128xi32, #tpu.memory_space<hbm>>
        tpu.wait_dma2 semaphore(%run_scoped3A : memref<!tpu.dma_semaphore, #tpu.memory_space<semaphore_mem>>) src(%dma_wait3A_77 : memref<40x128xi32, #tpu.memory_space<hbm>>) dst(%arg9 : memref<40x128xi32, #tpu.memory_space<vmem>>)
        tpu.yield
      }) : () -> ()
      %dma_start3A = arith.constant 0 : i32
      %dma_start3A_20 = arith.constant 0 : i32
      %dma_start3A_21 = tpu.memref_slice %arg8[%dma_start3A, %dma_start3A_20] : memref<40x128xi32, #tpu.memory_space<vmem>> -> memref<1x128xi32, #tpu.memory_space<vmem>>
      %dma_start3A_22 = tpu.memref_squeeze %dma_start3A_21 : memref<1x128xi32, #tpu.memory_space<vmem>> -> memref<128xi32, #tpu.memory_space<vmem>>
      %dma_start3A_23 = arith.constant 0 : i32
      %dma_start3A_24 = arith.constant 0 : i32
      %dma_start3A_25 = tpu.memref_slice %arg3[%dma_start3A_23, %dma_start3A_24] : memref<10000x128xf32, #tpu.memory_space<hbm>> -> memref<10000x128xf32, #tpu.memory_space<hbm>>
      tpu.enqueue_indirect_dma source(%dma_start3A_25 : memref<10000x128xf32, #tpu.memory_space<hbm>>) target(%arg11 : memref<128x128xf32, #tpu.memory_space<vmem>>) offsets(%dma_start3A_22 : memref<128xi32, #tpu.memory_space<vmem>>) semaphore(%arg13 : memref<!tpu.dma_semaphore, #tpu.memory_space<semaphore_mem>>)
      %dma_start3A_26 = arith.constant 1 : i32
      %dma_start3A_27 = arith.constant 0 : i32
      %dma_start3A_28 = tpu.memref_slice %arg8[%dma_start3A_26, %dma_start3A_27] : memref<40x128xi32, #tpu.memory_space<vmem>> -> memref<1x128xi32, #tpu.memory_space<vmem>>
      %dma_start3A_29 = tpu.memref_squeeze %dma_start3A_28 : memref<1x128xi32, #tpu.memory_space<vmem>> -> memref<128xi32, #tpu.memory_space<vmem>>
      %dma_start3A_30 = arith.constant 0 : i32
      %dma_start3A_31 = arith.constant 0 : i32
      %dma_start3A_32 = tpu.memref_slice %arg3[%dma_start3A_30, %dma_start3A_31] : memref<10000x128xf32, #tpu.memory_space<hbm>> -> memref<10000x128xf32, #tpu.memory_space<hbm>>
      tpu.enqueue_indirect_dma source(%dma_start3A_32 : memref<10000x128xf32, #tpu.memory_space<hbm>>) target(%arg12 : memref<128x128xf32, #tpu.memory_space<vmem>>) offsets(%dma_start3A_29 : memref<128xi32, #tpu.memory_space<vmem>>) semaphore(%arg14 : memref<!tpu.dma_semaphore, #tpu.memory_space<semaphore_mem>>)
      %scan3A = arith.constant 0 : i32
      %scan3A_33 = arith.constant 20 : i32
      %scan3A_34 = arith.addi %scan3A, %scan3A_33 : i32
      %scan3A_35 = arith.constant 1 : i32
      scf.for %scan3A_71 = %scan3A to %scan3A_34 step %scan3A_35  : i32 {
        %mul3A_72 = arith.constant 2 : i32
        %mul3A_73 = arith.muli %scan3A_71, %mul3A_72 : i32
        %add3A_74 = arith.constant 0 : i32
        %add3A_75 = arith.addi %add3A_74, %mul3A_73 : i32
        %add3A_76 = arith.constant 0 : i32
        %add3A_77 = arith.addi %add3A_75, %add3A_76 : i32
        %dma_wait3A = arith.constant 0 : i32
        %dma_wait3A_78 = tpu.memref_slice %arg8[%add3A_77, %dma_wait3A] : memref<40x128xi32, #tpu.memory_space<vmem>> -> memref<1x128xi32, #tpu.memory_space<vmem>>
        %dma_wait3A_79 = tpu.memref_squeeze %dma_wait3A_78 : memref<1x128xi32, #tpu.memory_space<vmem>> -> memref<128xi32, #tpu.memory_space<vmem>>
        %dma_wait3A_80 = arith.constant 0 : i32
        %dma_wait3A_81 = arith.constant 0 : i32
        %dma_wait3A_82 = tpu.memref_slice %arg3[%dma_wait3A_80, %dma_wait3A_81] : memref<10000x128xf32, #tpu.memory_space<hbm>> -> memref<10000x128xf32, #tpu.memory_space<hbm>>
        tpu.wait_indirect_dma semaphore(%arg13 : memref<!tpu.dma_semaphore, #tpu.memory_space<semaphore_mem>>) src(%dma_wait3A_82 : memref<10000x128xf32, #tpu.memory_space<hbm>>) dst(%arg11 : memref<128x128xf32, #tpu.memory_space<vmem>>)
        "tpu.region"() ({
          %run_scoped3A = tpu.sem_alloc : memref<!tpu.dma_semaphore, #tpu.memory_space<semaphore_mem>>
          %dma_start3A_105 = arith.constant 0 : i32
          %dma_start3A_106 = tpu.memref_slice %arg9[%add3A_77, %dma_start3A_105] : memref<40x128xi32, #tpu.memory_space<vmem>> -> memref<1x128xi32, #tpu.memory_space<vmem>>
          %dma_start3A_107 = tpu.memref_squeeze %dma_start3A_106 : memref<1x128xi32, #tpu.memory_space<vmem>> -> memref<128xi32, #tpu.memory_space<vmem>>
          %dma_start3A_108 = arith.constant 0 : i32
          %dma_start3A_109 = arith.constant 0 : i32
          %dma_start3A_110 = tpu.memref_slice %arg10[%dma_start3A_108, %dma_start3A_109] : memref<10240x128xf32, #tpu.memory_space<vmem_shared>> -> memref<10240x128xf32, #tpu.memory_space<vmem_shared>>
          tpu.enqueue_indirect_dma source(%arg11 : memref<128x128xf32, #tpu.memory_space<vmem>>) target(%dma_start3A_110 : memref<10240x128xf32, #tpu.memory_space<vmem_shared>>) offsets(%dma_start3A_107 : memref<128xi32, #tpu.memory_space<vmem>>) semaphore(%run_scoped3A : memref<!tpu.dma_semaphore, #tpu.memory_space<semaphore_mem>>) {add = true}
          %dma_wait3A_111 = arith.constant 0 : i32
          %dma_wait3A_112 = tpu.memref_slice %arg9[%add3A_77, %dma_wait3A_111] : memref<40x128xi32, #tpu.memory_space<vmem>> -> memref<1x128xi32, #tpu.memory_space<vmem>>
          %dma_wait3A_113 = tpu.memref_squeeze %dma_wait3A_112 : memref<1x128xi32, #tpu.memory_space<vmem>> -> memref<128xi32, #tpu.memory_space<vmem>>
          %dma_wait3A_114 = arith.constant 0 : i32
          %dma_wait3A_115 = arith.constant 0 : i32
          %dma_wait3A_116 = tpu.memref_slice %arg10[%dma_wait3A_114, %dma_wait3A_115] : memref<10240x128xf32, #tpu.memory_space<vmem_shared>> -> memref<10240x128xf32, #tpu.memory_space<vmem_shared>>
          tpu.wait_indirect_dma semaphore(%run_scoped3A : memref<!tpu.dma_semaphore, #tpu.memory_space<semaphore_mem>>) src(%arg11 : memref<128x128xf32, #tpu.memory_space<vmem>>) dst(%dma_wait3A_116 : memref<10240x128xf32, #tpu.memory_space<vmem_shared>>)
          tpu.yield
        }) : () -> ()
        %add3A_83 = arith.constant 2 : i32
        %add3A_84 = arith.addi %add3A_77, %add3A_83 : i32
        %lt3A_85 = arith.constant 40 : i32
        %lt3A_86 = arith.cmpi slt, %add3A_84, %lt3A_85 : i32
        %convert_element_type3A_87 = arith.extui %lt3A_86 : i1 to i32
        %cond3A_88 = arith.constant 0 : i32
        %cond3A_89 = arith.cmpi ne, %convert_element_type3A_87, %cond3A_88 : i32
        scf.if %cond3A_89 {
          %add3A_105 = arith.constant 2 : i32
          %add3A_106 = arith.addi %add3A_77, %add3A_105 : i32
          %dma_start3A_107 = arith.constant 0 : i32
          %dma_start3A_108 = tpu.memref_slice %arg8[%add3A_106, %dma_start3A_107] : memref<40x128xi32, #tpu.memory_space<vmem>> -> memref<1x128xi32, #tpu.memory_space<vmem>>
          %dma_start3A_109 = tpu.memref_squeeze %dma_start3A_108 : memref<1x128xi32, #tpu.memory_space<vmem>> -> memref<128xi32, #tpu.memory_space<vmem>>
          %dma_start3A_110 = arith.constant 0 : i32
          %dma_start3A_111 = arith.constant 0 : i32
          %dma_start3A_112 = tpu.memref_slice %arg3[%dma_start3A_110, %dma_start3A_111] : memref<10000x128xf32, #tpu.memory_space<hbm>> -> memref<10000x128xf32, #tpu.memory_space<hbm>>
          tpu.enqueue_indirect_dma source(%dma_start3A_112 : memref<10000x128xf32, #tpu.memory_space<hbm>>) target(%arg11 : memref<128x128xf32, #tpu.memory_space<vmem>>) offsets(%dma_start3A_109 : memref<128xi32, #tpu.memory_space<vmem>>) semaphore(%arg13 : memref<!tpu.dma_semaphore, #tpu.memory_space<semaphore_mem>>)
        } else {
        }
        %add3A_90 = arith.constant 1 : i32
        %add3A_91 = arith.addi %add3A_75, %add3A_90 : i32
        %dma_wait3A_92 = arith.constant 0 : i32
        %dma_wait3A_93 = tpu.memref_slice %arg8[%add3A_91, %dma_wait3A_92] : memref<40x128xi32, #tpu.memory_space<vmem>> -> memref<1x128xi32, #tpu.memory_space<vmem>>
        %dma_wait3A_94 = tpu.memref_squeeze %dma_wait3A_93 : memref<1x128xi32, #tpu.memory_space<vmem>> -> memref<128xi32, #tpu.memory_space<vmem>>
        %dma_wait3A_95 = arith.constant 0 : i32
        %dma_wait3A_96 = arith.constant 0 : i32
        %dma_wait3A_97 = tpu.memref_slice %arg3[%dma_wait3A_95, %dma_wait3A_96] : memref<10000x128xf32, #tpu.memory_space<hbm>> -> memref<10000x128xf32, #tpu.memory_space<hbm>>
        tpu.wait_indirect_dma semaphore(%arg14 : memref<!tpu.dma_semaphore, #tpu.memory_space<semaphore_mem>>) src(%dma_wait3A_97 : memref<10000x128xf32, #tpu.memory_space<hbm>>) dst(%arg12 : memref<128x128xf32, #tpu.memory_space<vmem>>)
        "tpu.region"() ({
          %run_scoped3A = tpu.sem_alloc : memref<!tpu.dma_semaphore, #tpu.memory_space<semaphore_mem>>
          %dma_start3A_105 = arith.constant 0 : i32
          %dma_start3A_106 = tpu.memref_slice %arg9[%add3A_91, %dma_start3A_105] : memref<40x128xi32, #tpu.memory_space<vmem>> -> memref<1x128xi32, #tpu.memory_space<vmem>>
          %dma_start3A_107 = tpu.memref_squeeze %dma_start3A_106 : memref<1x128xi32, #tpu.memory_space<vmem>> -> memref<128xi32, #tpu.memory_space<vmem>>
          %dma_start3A_108 = arith.constant 0 : i32
          %dma_start3A_109 = arith.constant 0 : i32
          %dma_start3A_110 = tpu.memref_slice %arg10[%dma_start3A_108, %dma_start3A_109] : memref<10240x128xf32, #tpu.memory_space<vmem_shared>> -> memref<10240x128xf32, #tpu.memory_space<vmem_shared>>
          tpu.enqueue_indirect_dma source(%arg12 : memref<128x128xf32, #tpu.memory_space<vmem>>) target(%dma_start3A_110 : memref<10240x128xf32, #tpu.memory_space<vmem_shared>>) offsets(%dma_start3A_107 : memref<128xi32, #tpu.memory_space<vmem>>) semaphore(%run_scoped3A : memref<!tpu.dma_semaphore, #tpu.memory_space<semaphore_mem>>) {add = true}
          %dma_wait3A_111 = arith.constant 0 : i32
          %dma_wait3A_112 = tpu.memref_slice %arg9[%add3A_91, %dma_wait3A_111] : memref<40x128xi32, #tpu.memory_space<vmem>> -> memref<1x128xi32, #tpu.memory_space<vmem>>
          %dma_wait3A_113 = tpu.memref_squeeze %dma_wait3A_112 : memref<1x128xi32, #tpu.memory_space<vmem>> -> memref<128xi32, #tpu.memory_space<vmem>>
          %dma_wait3A_114 = arith.constant 0 : i32
          %dma_wait3A_115 = arith.constant 0 : i32
          %dma_wait3A_116 = tpu.memref_slice %arg10[%dma_wait3A_114, %dma_wait3A_115] : memref<10240x128xf32, #tpu.memory_space<vmem_shared>> -> memref<10240x128xf32, #tpu.memory_space<vmem_shared>>
          tpu.wait_indirect_dma semaphore(%run_scoped3A : memref<!tpu.dma_semaphore, #tpu.memory_space<semaphore_mem>>) src(%arg12 : memref<128x128xf32, #tpu.memory_space<vmem>>) dst(%dma_wait3A_116 : memref<10240x128xf32, #tpu.memory_space<vmem_shared>>)
          tpu.yield
        }) : () -> ()
        %add3A_98 = arith.constant 2 : i32
        %add3A_99 = arith.addi %add3A_91, %add3A_98 : i32
        %lt3A_100 = arith.constant 40 : i32
        %lt3A_101 = arith.cmpi slt, %add3A_99, %lt3A_100 : i32
        %convert_element_type3A_102 = arith.extui %lt3A_101 : i1 to i32
        %cond3A_103 = arith.constant 0 : i32
        %cond3A_104 = arith.cmpi ne, %convert_element_type3A_102, %cond3A_103 : i32
        scf.if %cond3A_104 {
          %add3A_105 = arith.constant 2 : i32
          %add3A_106 = arith.addi %add3A_91, %add3A_105 : i32
          %dma_start3A_107 = arith.constant 0 : i32
          %dma_start3A_108 = tpu.memref_slice %arg8[%add3A_106, %dma_start3A_107] : memref<40x128xi32, #tpu.memory_space<vmem>> -> memref<1x128xi32, #tpu.memory_space<vmem>>
          %dma_start3A_109 = tpu.memref_squeeze %dma_start3A_108 : memref<1x128xi32, #tpu.memory_space<vmem>> -> memref<128xi32, #tpu.memory_space<vmem>>
          %dma_start3A_110 = arith.constant 0 : i32
          %dma_start3A_111 = arith.constant 0 : i32
          %dma_start3A_112 = tpu.memref_slice %arg3[%dma_start3A_110, %dma_start3A_111] : memref<10000x128xf32, #tpu.memory_space<hbm>> -> memref<10000x128xf32, #tpu.memory_space<hbm>>
          tpu.enqueue_indirect_dma source(%dma_start3A_112 : memref<10000x128xf32, #tpu.memory_space<hbm>>) target(%arg12 : memref<128x128xf32, #tpu.memory_space<vmem>>) offsets(%dma_start3A_109 : memref<128xi32, #tpu.memory_space<vmem>>) semaphore(%arg14 : memref<!tpu.dma_semaphore, #tpu.memory_space<semaphore_mem>>)
        } else {
        }
      }
      %scan3A_36 = arith.constant 20 : i32
      %mul3A_37 = arith.constant 80 : i32
      %mul3A_38 = arith.muli %arg1, %mul3A_37 : i32
      %add3A_39 = arith.constant 40 : i32
      %add3A_40 = arith.addi %mul3A_38, %add3A_39 : i32
      "tpu.region"() ({
        %run_scoped3A = tpu.sem_alloc : memref<!tpu.dma_semaphore, #tpu.memory_space<semaphore_mem>>
        %dma_start3A_71 = arith.constant 0 : i32
        %dma_start3A_72 = tpu.memref_slice %arg4[%add3A_40, %dma_start3A_71] : memref<1280x128xi32, #tpu.memory_space<hbm>> -> memref<40x128xi32, #tpu.memory_space<hbm>>
        %dma_start3A_73 = arith.constant 0 : i32
        %dma_start3A_74 = tpu.memref_slice %arg4[%add3A_40, %dma_start3A_73] : memref<1280x128xi32, #tpu.memory_space<hbm>> -> memref<40x128xi32, #tpu.memory_space<hbm>>
        tpu.enqueue_dma source(%dma_start3A_74 : memref<40x128xi32, #tpu.memory_space<hbm>>) target(%arg8 : memref<40x128xi32, #tpu.memory_space<vmem>>) target_semaphore(%run_scoped3A : memref<!tpu.dma_semaphore, #tpu.memory_space<semaphore_mem>>)
        %dma_wait3A = arith.constant 0 : i32
        %dma_wait3A_75 = tpu.memref_slice %arg4[%add3A_40, %dma_wait3A] : memref<1280x128xi32, #tpu.memory_space<hbm>> -> memref<40x128xi32, #tpu.memory_space<hbm>>
        %dma_wait3A_76 = arith.constant 0 : i32
        %dma_wait3A_77 = tpu.memref_slice %arg4[%add3A_40, %dma_wait3A_76] : memref<1280x128xi32, #tpu.memory_space<hbm>> -> memref<40x128xi32, #tpu.memory_space<hbm>>
        tpu.wait_dma2 semaphore(%run_scoped3A : memref<!tpu.dma_semaphore, #tpu.memory_space<semaphore_mem>>) src(%dma_wait3A_77 : memref<40x128xi32, #tpu.memory_space<hbm>>) dst(%arg8 : memref<40x128xi32, #tpu.memory_space<vmem>>)
        tpu.yield
      }) : () -> ()
      "tpu.region"() ({
        %run_scoped3A = tpu.sem_alloc : memref<!tpu.dma_semaphore, #tpu.memory_space<semaphore_mem>>
        %dma_start3A_71 = arith.constant 0 : i32
        %dma_start3A_72 = tpu.memref_slice %arg5[%add3A_40, %dma_start3A_71] : memref<1280x128xi32, #tpu.memory_space<hbm>> -> memref<40x128xi32, #tpu.memory_space<hbm>>
        %dma_start3A_73 = arith.constant 0 : i32
        %dma_start3A_74 = tpu.memref_slice %arg5[%add3A_40, %dma_start3A_73] : memref<1280x128xi32, #tpu.memory_space<hbm>> -> memref<40x128xi32, #tpu.memory_space<hbm>>
        tpu.enqueue_dma source(%dma_start3A_74 : memref<40x128xi32, #tpu.memory_space<hbm>>) target(%arg9 : memref<40x128xi32, #tpu.memory_space<vmem>>) target_semaphore(%run_scoped3A : memref<!tpu.dma_semaphore, #tpu.memory_space<semaphore_mem>>)
        %dma_wait3A = arith.constant 0 : i32
        %dma_wait3A_75 = tpu.memref_slice %arg5[%add3A_40, %dma_wait3A] : memref<1280x128xi32, #tpu.memory_space<hbm>> -> memref<40x128xi32, #tpu.memory_space<hbm>>
        %dma_wait3A_76 = arith.constant 0 : i32
        %dma_wait3A_77 = tpu.memref_slice %arg5[%add3A_40, %dma_wait3A_76] : memref<1280x128xi32, #tpu.memory_space<hbm>> -> memref<40x128xi32, #tpu.memory_space<hbm>>
        tpu.wait_dma2 semaphore(%run_scoped3A : memref<!tpu.dma_semaphore, #tpu.memory_space<semaphore_mem>>) src(%dma_wait3A_77 : memref<40x128xi32, #tpu.memory_space<hbm>>) dst(%arg9 : memref<40x128xi32, #tpu.memory_space<vmem>>)
        tpu.yield
      }) : () -> ()
      %dma_start3A_41 = arith.constant 0 : i32
      %dma_start3A_42 = arith.constant 0 : i32
      %dma_start3A_43 = tpu.memref_slice %arg8[%dma_start3A_41, %dma_start3A_42] : memref<40x128xi32, #tpu.memory_space<vmem>> -> memref<1x128xi32, #tpu.memory_space<vmem>>
      %dma_start3A_44 = tpu.memref_squeeze %dma_start3A_43 : memref<1x128xi32, #tpu.memory_space<vmem>> -> memref<128xi32, #tpu.memory_space<vmem>>
      %dma_start3A_45 = arith.constant 0 : i32
      %dma_start3A_46 = arith.constant 0 : i32
      %dma_start3A_47 = tpu.memref_slice %arg3[%dma_start3A_45, %dma_start3A_46] : memref<10000x128xf32, #tpu.memory_space<hbm>> -> memref<10000x128xf32, #tpu.memory_space<hbm>>
      tpu.enqueue_indirect_dma source(%dma_start3A_47 : memref<10000x128xf32, #tpu.memory_space<hbm>>) target(%arg11 : memref<128x128xf32, #tpu.memory_space<vmem>>) offsets(%dma_start3A_44 : memref<128xi32, #tpu.memory_space<vmem>>) semaphore(%arg13 : memref<!tpu.dma_semaphore, #tpu.memory_space<semaphore_mem>>)
      %dma_start3A_48 = arith.constant 1 : i32
      %dma_start3A_49 = arith.constant 0 : i32
      %dma_start3A_50 = tpu.memref_slice %arg8[%dma_start3A_48, %dma_start3A_49] : memref<40x128xi32, #tpu.memory_space<vmem>> -> memref<1x128xi32, #tpu.memory_space<vmem>>
      %dma_start3A_51 = tpu.memref_squeeze %dma_start3A_50 : memref<1x128xi32, #tpu.memory_space<vmem>> -> memref<128xi32, #tpu.memory_space<vmem>>
      %dma_start3A_52 = arith.constant 0 : i32
      %dma_start3A_53 = arith.constant 0 : i32
      %dma_start3A_54 = tpu.memref_slice %arg3[%dma_start3A_52, %dma_start3A_53] : memref<10000x128xf32, #tpu.memory_space<hbm>> -> memref<10000x128xf32, #tpu.memory_space<hbm>>
      tpu.enqueue_indirect_dma source(%dma_start3A_54 : memref<10000x128xf32, #tpu.memory_space<hbm>>) target(%arg12 : memref<128x128xf32, #tpu.memory_space<vmem>>) offsets(%dma_start3A_51 : memref<128xi32, #tpu.memory_space<vmem>>) semaphore(%arg14 : memref<!tpu.dma_semaphore, #tpu.memory_space<semaphore_mem>>)
      %scan3A_55 = arith.constant 0 : i32
      %scan3A_56 = arith.constant 20 : i32
      %scan3A_57 = arith.addi %scan3A_55, %scan3A_56 : i32
      %scan3A_58 = arith.constant 1 : i32
      scf.for %scan3A_71 = %scan3A_55 to %scan3A_57 step %scan3A_58  : i32 {
        %mul3A_72 = arith.constant 2 : i32
        %mul3A_73 = arith.muli %scan3A_71, %mul3A_72 : i32
        %add3A_74 = arith.constant 0 : i32
        %add3A_75 = arith.addi %add3A_74, %mul3A_73 : i32
        %add3A_76 = arith.constant 0 : i32
        %add3A_77 = arith.addi %add3A_75, %add3A_76 : i32
        %dma_wait3A = arith.constant 0 : i32
        %dma_wait3A_78 = tpu.memref_slice %arg8[%add3A_77, %dma_wait3A] : memref<40x128xi32, #tpu.memory_space<vmem>> -> memref<1x128xi32, #tpu.memory_space<vmem>>
        %dma_wait3A_79 = tpu.memref_squeeze %dma_wait3A_78 : memref<1x128xi32, #tpu.memory_space<vmem>> -> memref<128xi32, #tpu.memory_space<vmem>>
        %dma_wait3A_80 = arith.constant 0 : i32
        %dma_wait3A_81 = arith.constant 0 : i32
        %dma_wait3A_82 = tpu.memref_slice %arg3[%dma_wait3A_80, %dma_wait3A_81] : memref<10000x128xf32, #tpu.memory_space<hbm>> -> memref<10000x128xf32, #tpu.memory_space<hbm>>
        tpu.wait_indirect_dma semaphore(%arg13 : memref<!tpu.dma_semaphore, #tpu.memory_space<semaphore_mem>>) src(%dma_wait3A_82 : memref<10000x128xf32, #tpu.memory_space<hbm>>) dst(%arg11 : memref<128x128xf32, #tpu.memory_space<vmem>>)
        "tpu.region"() ({
          %run_scoped3A = tpu.sem_alloc : memref<!tpu.dma_semaphore, #tpu.memory_space<semaphore_mem>>
          %dma_start3A_105 = arith.constant 0 : i32
          %dma_start3A_106 = tpu.memref_slice %arg9[%add3A_77, %dma_start3A_105] : memref<40x128xi32, #tpu.memory_space<vmem>> -> memref<1x128xi32, #tpu.memory_space<vmem>>
          %dma_start3A_107 = tpu.memref_squeeze %dma_start3A_106 : memref<1x128xi32, #tpu.memory_space<vmem>> -> memref<128xi32, #tpu.memory_space<vmem>>
          %dma_start3A_108 = arith.constant 0 : i32
          %dma_start3A_109 = arith.constant 0 : i32
          %dma_start3A_110 = tpu.memref_slice %arg10[%dma_start3A_108, %dma_start3A_109] : memref<10240x128xf32, #tpu.memory_space<vmem_shared>> -> memref<10240x128xf32, #tpu.memory_space<vmem_shared>>
          tpu.enqueue_indirect_dma source(%arg11 : memref<128x128xf32, #tpu.memory_space<vmem>>) target(%dma_start3A_110 : memref<10240x128xf32, #tpu.memory_space<vmem_shared>>) offsets(%dma_start3A_107 : memref<128xi32, #tpu.memory_space<vmem>>) semaphore(%run_scoped3A : memref<!tpu.dma_semaphore, #tpu.memory_space<semaphore_mem>>) {add = true}
          %dma_wait3A_111 = arith.constant 0 : i32
          %dma_wait3A_112 = tpu.memref_slice %arg9[%add3A_77, %dma_wait3A_111] : memref<40x128xi32, #tpu.memory_space<vmem>> -> memref<1x128xi32, #tpu.memory_space<vmem>>
          %dma_wait3A_113 = tpu.memref_squeeze %dma_wait3A_112 : memref<1x128xi32, #tpu.memory_space<vmem>> -> memref<128xi32, #tpu.memory_space<vmem>>
          %dma_wait3A_114 = arith.constant 0 : i32
          %dma_wait3A_115 = arith.constant 0 : i32
          %dma_wait3A_116 = tpu.memref_slice %arg10[%dma_wait3A_114, %dma_wait3A_115] : memref<10240x128xf32, #tpu.memory_space<vmem_shared>> -> memref<10240x128xf32, #tpu.memory_space<vmem_shared>>
          tpu.wait_indirect_dma semaphore(%run_scoped3A : memref<!tpu.dma_semaphore, #tpu.memory_space<semaphore_mem>>) src(%arg11 : memref<128x128xf32, #tpu.memory_space<vmem>>) dst(%dma_wait3A_116 : memref<10240x128xf32, #tpu.memory_space<vmem_shared>>)
          tpu.yield
        }) : () -> ()
        %add3A_83 = arith.constant 2 : i32
        %add3A_84 = arith.addi %add3A_77, %add3A_83 : i32
        %lt3A_85 = arith.constant 40 : i32
        %lt3A_86 = arith.cmpi slt, %add3A_84, %lt3A_85 : i32
        %convert_element_type3A_87 = arith.extui %lt3A_86 : i1 to i32
        %cond3A_88 = arith.constant 0 : i32
        %cond3A_89 = arith.cmpi ne, %convert_element_type3A_87, %cond3A_88 : i32
        scf.if %cond3A_89 {
          %add3A_105 = arith.constant 2 : i32
          %add3A_106 = arith.addi %add3A_77, %add3A_105 : i32
          %dma_start3A_107 = arith.constant 0 : i32
          %dma_start3A_108 = tpu.memref_slice %arg8[%add3A_106, %dma_start3A_107] : memref<40x128xi32, #tpu.memory_space<vmem>> -> memref<1x128xi32, #tpu.memory_space<vmem>>
          %dma_start3A_109 = tpu.memref_squeeze %dma_start3A_108 : memref<1x128xi32, #tpu.memory_space<vmem>> -> memref<128xi32, #tpu.memory_space<vmem>>
          %dma_start3A_110 = arith.constant 0 : i32
          %dma_start3A_111 = arith.constant 0 : i32
          %dma_start3A_112 = tpu.memref_slice %arg3[%dma_start3A_110, %dma_start3A_111] : memref<10000x128xf32, #tpu.memory_space<hbm>> -> memref<10000x128xf32, #tpu.memory_space<hbm>>
          tpu.enqueue_indirect_dma source(%dma_start3A_112 : memref<10000x128xf32, #tpu.memory_space<hbm>>) target(%arg11 : memref<128x128xf32, #tpu.memory_space<vmem>>) offsets(%dma_start3A_109 : memref<128xi32, #tpu.memory_space<vmem>>) semaphore(%arg13 : memref<!tpu.dma_semaphore, #tpu.memory_space<semaphore_mem>>)
        } else {
        }
        %add3A_90 = arith.constant 1 : i32
        %add3A_91 = arith.addi %add3A_75, %add3A_90 : i32
        %dma_wait3A_92 = arith.constant 0 : i32
        %dma_wait3A_93 = tpu.memref_slice %arg8[%add3A_91, %dma_wait3A_92] : memref<40x128xi32, #tpu.memory_space<vmem>> -> memref<1x128xi32, #tpu.memory_space<vmem>>
        %dma_wait3A_94 = tpu.memref_squeeze %dma_wait3A_93 : memref<1x128xi32, #tpu.memory_space<vmem>> -> memref<128xi32, #tpu.memory_space<vmem>>
        %dma_wait3A_95 = arith.constant 0 : i32
        %dma_wait3A_96 = arith.constant 0 : i32
        %dma_wait3A_97 = tpu.memref_slice %arg3[%dma_wait3A_95, %dma_wait3A_96] : memref<10000x128xf32, #tpu.memory_space<hbm>> -> memref<10000x128xf32, #tpu.memory_space<hbm>>
        tpu.wait_indirect_dma semaphore(%arg14 : memref<!tpu.dma_semaphore, #tpu.memory_space<semaphore_mem>>) src(%dma_wait3A_97 : memref<10000x128xf32, #tpu.memory_space<hbm>>) dst(%arg12 : memref<128x128xf32, #tpu.memory_space<vmem>>)
        "tpu.region"() ({
          %run_scoped3A = tpu.sem_alloc : memref<!tpu.dma_semaphore, #tpu.memory_space<semaphore_mem>>
          %dma_start3A_105 = arith.constant 0 : i32
          %dma_start3A_106 = tpu.memref_slice %arg9[%add3A_91, %dma_start3A_105] : memref<40x128xi32, #tpu.memory_space<vmem>> -> memref<1x128xi32, #tpu.memory_space<vmem>>
          %dma_start3A_107 = tpu.memref_squeeze %dma_start3A_106 : memref<1x128xi32, #tpu.memory_space<vmem>> -> memref<128xi32, #tpu.memory_space<vmem>>
          %dma_start3A_108 = arith.constant 0 : i32
          %dma_start3A_109 = arith.constant 0 : i32
          %dma_start3A_110 = tpu.memref_slice %arg10[%dma_start3A_108, %dma_start3A_109] : memref<10240x128xf32, #tpu.memory_space<vmem_shared>> -> memref<10240x128xf32, #tpu.memory_space<vmem_shared>>
          tpu.enqueue_indirect_dma source(%arg12 : memref<128x128xf32, #tpu.memory_space<vmem>>) target(%dma_start3A_110 : memref<10240x128xf32, #tpu.memory_space<vmem_shared>>) offsets(%dma_start3A_107 : memref<128xi32, #tpu.memory_space<vmem>>) semaphore(%run_scoped3A : memref<!tpu.dma_semaphore, #tpu.memory_space<semaphore_mem>>) {add = true}
          %dma_wait3A_111 = arith.constant 0 : i32
          %dma_wait3A_112 = tpu.memref_slice %arg9[%add3A_91, %dma_wait3A_111] : memref<40x128xi32, #tpu.memory_space<vmem>> -> memref<1x128xi32, #tpu.memory_space<vmem>>
          %dma_wait3A_113 = tpu.memref_squeeze %dma_wait3A_112 : memref<1x128xi32, #tpu.memory_space<vmem>> -> memref<128xi32, #tpu.memory_space<vmem>>
          %dma_wait3A_114 = arith.constant 0 : i32
          %dma_wait3A_115 = arith.constant 0 : i32
          %dma_wait3A_116 = tpu.memref_slice %arg10[%dma_wait3A_114, %dma_wait3A_115] : memref<10240x128xf32, #tpu.memory_space<vmem_shared>> -> memref<10240x128xf32, #tpu.memory_space<vmem_shared>>
          tpu.wait_indirect_dma semaphore(%run_scoped3A : memref<!tpu.dma_semaphore, #tpu.memory_space<semaphore_mem>>) src(%arg12 : memref<128x128xf32, #tpu.memory_space<vmem>>) dst(%dma_wait3A_116 : memref<10240x128xf32, #tpu.memory_space<vmem_shared>>)
          tpu.yield
        }) : () -> ()
        %add3A_98 = arith.constant 2 : i32
        %add3A_99 = arith.addi %add3A_91, %add3A_98 : i32
        %lt3A_100 = arith.constant 40 : i32
        %lt3A_101 = arith.cmpi slt, %add3A_99, %lt3A_100 : i32
        %convert_element_type3A_102 = arith.extui %lt3A_101 : i1 to i32
        %cond3A_103 = arith.constant 0 : i32
        %cond3A_104 = arith.cmpi ne, %convert_element_type3A_102, %cond3A_103 : i32
        scf.if %cond3A_104 {
          %add3A_105 = arith.constant 2 : i32
          %add3A_106 = arith.addi %add3A_91, %add3A_105 : i32
          %dma_start3A_107 = arith.constant 0 : i32
          %dma_start3A_108 = tpu.memref_slice %arg8[%add3A_106, %dma_start3A_107] : memref<40x128xi32, #tpu.memory_space<vmem>> -> memref<1x128xi32, #tpu.memory_space<vmem>>
          %dma_start3A_109 = tpu.memref_squeeze %dma_start3A_108 : memref<1x128xi32, #tpu.memory_space<vmem>> -> memref<128xi32, #tpu.memory_space<vmem>>
          %dma_start3A_110 = arith.constant 0 : i32
          %dma_start3A_111 = arith.constant 0 : i32
          %dma_start3A_112 = tpu.memref_slice %arg3[%dma_start3A_110, %dma_start3A_111] : memref<10000x128xf32, #tpu.memory_space<hbm>> -> memref<10000x128xf32, #tpu.memory_space<hbm>>
          tpu.enqueue_indirect_dma source(%dma_start3A_112 : memref<10000x128xf32, #tpu.memory_space<hbm>>) target(%arg12 : memref<128x128xf32, #tpu.memory_space<vmem>>) offsets(%dma_start3A_109 : memref<128xi32, #tpu.memory_space<vmem>>) semaphore(%arg14 : memref<!tpu.dma_semaphore, #tpu.memory_space<semaphore_mem>>)
        } else {
        }
      }
      %scan3A_59 = arith.constant 20 : i32
      %barrier3A_60 = arith.constant 0 : index
      tpu.barrier barrier_id(%barrier3A_60)
      %lt3A_61 = arith.constant 15 : i32
      %lt3A_62 = arith.cmpi slt, %arg1, %lt3A_61 : i32
      %convert_element_type3A_63 = arith.extui %lt3A_62 : i1 to i32
      %cond3A_64 = arith.constant 0 : i32
      %cond3A_65 = arith.cmpi ne, %convert_element_type3A_63, %cond3A_64 : i32
      scf.if %cond3A_65 {
        "tpu.region"() ({
          %run_scoped3A = tpu.sem_alloc : memref<!tpu.dma_semaphore, #tpu.memory_space<semaphore_mem>>
          %dma_start3A_71 = arith.constant 0 : i32
          %dma_start3A_72 = tpu.memref_slice %arg7[%mul3A_0, %dma_start3A_71] : memref<10000x128xf32, #tpu.memory_space<hbm>> -> memref<640x128xf32, #tpu.memory_space<hbm>>
          %dma_start3A_73 = arith.constant 0 : i32
          %dma_start3A_74 = tpu.memref_slice %arg10[%mul3A_0, %dma_start3A_73] : memref<10240x128xf32, #tpu.memory_space<vmem_shared>> -> memref<640x128xf32, #tpu.memory_space<vmem_shared>>
          tpu.enqueue_dma source(%dma_start3A_74 : memref<640x128xf32, #tpu.memory_space<vmem_shared>>) target(%dma_start3A_72 : memref<640x128xf32, #tpu.memory_space<hbm>>) target_semaphore(%run_scoped3A : memref<!tpu.dma_semaphore, #tpu.memory_space<semaphore_mem>>)
          %dma_wait3A = arith.constant 0 : i32
          %dma_wait3A_75 = tpu.memref_slice %arg7[%mul3A_0, %dma_wait3A] : memref<10000x128xf32, #tpu.memory_space<hbm>> -> memref<640x128xf32, #tpu.memory_space<hbm>>
          %dma_wait3A_76 = arith.constant 0 : i32
          %dma_wait3A_77 = tpu.memref_slice %arg10[%mul3A_0, %dma_wait3A_76] : memref<10240x128xf32, #tpu.memory_space<vmem_shared>> -> memref<640x128xf32, #tpu.memory_space<vmem_shared>>
          tpu.wait_dma2 semaphore(%run_scoped3A : memref<!tpu.dma_semaphore, #tpu.memory_space<semaphore_mem>>) src(%dma_wait3A_77 : memref<640x128xf32, #tpu.memory_space<vmem_shared>>) dst(%dma_wait3A_75 : memref<640x128xf32, #tpu.memory_space<hbm>>)
          tpu.yield
        }) : () -> ()
      } else {
      }
      %eq3A_66 = arith.constant 15 : i32
      %eq3A_67 = arith.cmpi eq, %arg1, %eq3A_66 : i32
      %convert_element_type3A_68 = arith.extui %eq3A_67 : i1 to i32
      %cond3A_69 = arith.constant 0 : i32
      %cond3A_70 = arith.cmpi ne, %convert_element_type3A_68, %cond3A_69 : i32
      scf.if %cond3A_70 {
        "tpu.region"() ({
          %run_scoped3A = tpu.sem_alloc : memref<!tpu.dma_semaphore, #tpu.memory_space<semaphore_mem>>
          %dma_start3A_71 = arith.constant 0 : i32
          %dma_start3A_72 = tpu.memref_slice %arg7[%mul3A_0, %dma_start3A_71] : memref<10000x128xf32, #tpu.memory_space<hbm>> -> memref<400x128xf32, #tpu.memory_space<hbm>>
          %dma_start3A_73 = arith.constant 0 : i32
          %dma_start3A_74 = tpu.memref_slice %arg10[%mul3A_0, %dma_start3A_73] : memref<10240x128xf32, #tpu.memory_space<vmem_shared>> -> memref<400x128xf32, #tpu.memory_space<vmem_shared>>
          tpu.enqueue_dma source(%dma_start3A_74 : memref<400x128xf32, #tpu.memory_space<vmem_shared>>) target(%dma_start3A_72 : memref<400x128xf32, #tpu.memory_space<hbm>>) target_semaphore(%run_scoped3A : memref<!tpu.dma_semaphore, #tpu.memory_space<semaphore_mem>>)
          %dma_wait3A = arith.constant 0 : i32
          %dma_wait3A_75 = tpu.memref_slice %arg7[%mul3A_0, %dma_wait3A] : memref<10000x128xf32, #tpu.memory_space<hbm>> -> memref<400x128xf32, #tpu.memory_space<hbm>>
          %dma_wait3A_76 = arith.constant 0 : i32
          %dma_wait3A_77 = tpu.memref_slice %arg10[%mul3A_0, %dma_wait3A_76] : memref<10240x128xf32, #tpu.memory_space<vmem_shared>> -> memref<400x128xf32, #tpu.memory_space<vmem_shared>>
          tpu.wait_dma2 semaphore(%run_scoped3A : memref<!tpu.dma_semaphore, #tpu.memory_space<semaphore_mem>>) src(%dma_wait3A_77 : memref<400x128xf32, #tpu.memory_space<vmem_shared>>) dst(%dma_wait3A_75 : memref<400x128xf32, #tpu.memory_space<hbm>>)
          tpu.yield
        }) : () -> ()
      } else {
      }
    } else {
    }
    return
  }
}

#map = affine_map<(d0, d1) -> (0, 0)>
module attributes {stable_mosaic.version = 14 : i64} {
  func.func @_agg_kernel(%arg0: i32, %arg1: i32, %arg2: memref<10000x128xf32, #tpu.memory_space<hbm>>, %arg3: memref<10000x128xf32, #tpu.memory_space<hbm>>, %arg4: memref<1280x128xi32, #tpu.memory_space<hbm>>, %arg5: memref<1280x128xi32, #tpu.memory_space<hbm>>, %arg6: memref<10000x128xf32, #tpu.memory_space<hbm>>, %arg7: memref<10000x128xf32, #tpu.memory_space<hbm>>, %arg8: memref<40x128xi32, #tpu.memory_space<vmem>>, %arg9: memref<40x128xi32, #tpu.memory_space<vmem>>, %arg10: memref<10240x128xf32, #tpu.memory_space<vmem_shared>>, %arg11: memref<128x128xf32, #tpu.memory_space<vmem>>, %arg12: memref<128x128xf32, #tpu.memory_space<vmem>>, %arg13: memref<!tpu.dma_semaphore, #tpu.memory_space<semaphore_mem>>, %arg14: memref<!tpu.dma_semaphore, #tpu.memory_space<semaphore_mem>>) attributes {dimension_semantics = [#tpu.dimension_semantics<core_parallel>, #tpu.dimension_semantics<subcore_parallel>], iteration_bounds = array<i64: 2, 16>, scalar_prefetch = 0 : i64, scratch_operands = 7 : i64, tpu.core_type = #tpu.core_type<sc_vector_subcore>, window_params = [{transform_indices = #map}, {transform_indices = #map}, {transform_indices = #map}, {transform_indices = #map}, {transform_indices = #map}, {transform_indices = #map}]} {
    %mul3A = arith.constant 640 : i32
    %mul3A_0 = arith.muli %arg1, %mul3A : i32
    %eq3A = arith.constant 0 : i32
    %eq3A_1 = arith.cmpi eq, %arg0, %eq3A : i32
    %convert_element_type3A = arith.extui %eq3A_1 : i1 to i32
    %cond3A = arith.constant 0 : i32
    %cond3A_2 = arith.cmpi ne, %convert_element_type3A, %cond3A : i32
    scf.if %cond3A_2 {
      %lt3A = arith.constant 15 : i32
      %lt3A_8 = arith.cmpi slt, %arg1, %lt3A : i32
      %convert_element_type3A_9 = arith.extui %lt3A_8 : i1 to i32
      %cond3A_10 = arith.constant 0 : i32
      %cond3A_11 = arith.cmpi ne, %convert_element_type3A_9, %cond3A_10 : i32
      scf.if %cond3A_11 {
        "tpu.region"() ({
          %run_scoped3A = tpu.sem_alloc : memref<!tpu.dma_semaphore, #tpu.memory_space<semaphore_mem>>
          %dma_start3A_71 = arith.constant 0 : i32
          %dma_start3A_72 = tpu.memref_slice %arg10[%mul3A_0, %dma_start3A_71] : memref<10240x128xf32, #tpu.memory_space<vmem_shared>> -> memref<640x128xf32, #tpu.memory_space<vmem_shared>>
          %dma_start3A_73 = arith.constant 0 : i32
          %dma_start3A_74 = tpu.memref_slice %arg2[%mul3A_0, %dma_start3A_73] : memref<10000x128xf32, #tpu.memory_space<hbm>> -> memref<640x128xf32, #tpu.memory_space<hbm>>
          tpu.enqueue_dma source(%dma_start3A_74 : memref<640x128xf32, #tpu.memory_space<hbm>>) target(%dma_start3A_72 : memref<640x128xf32, #tpu.memory_space<vmem_shared>>) target_semaphore(%run_scoped3A : memref<!tpu.dma_semaphore, #tpu.memory_space<semaphore_mem>>)
          %dma_wait3A = arith.constant 0 : i32
          %dma_wait3A_75 = tpu.memref_slice %arg10[%mul3A_0, %dma_wait3A] : memref<10240x128xf32, #tpu.memory_space<vmem_shared>> -> memref<640x128xf32, #tpu.memory_space<vmem_shared>>
          %dma_wait3A_76 = arith.constant 0 : i32
          %dma_wait3A_77 = tpu.memref_slice %arg2[%mul3A_0, %dma_wait3A_76] : memref<10000x128xf32, #tpu.memory_space<hbm>> -> memref<640x128xf32, #tpu.memory_space<hbm>>
          tpu.wait_dma2 semaphore(%run_scoped3A : memref<!tpu.dma_semaphore, #tpu.memory_space<semaphore_mem>>) src(%dma_wait3A_77 : memref<640x128xf32, #tpu.memory_space<hbm>>) dst(%dma_wait3A_75 : memref<640x128xf32, #tpu.memory_space<vmem_shared>>)
          tpu.yield
        }) : () -> ()
      } else {
      }
      %eq3A_12 = arith.constant 15 : i32
      %eq3A_13 = arith.cmpi eq, %arg1, %eq3A_12 : i32
      %convert_element_type3A_14 = arith.extui %eq3A_13 : i1 to i32
      %cond3A_15 = arith.constant 0 : i32
      %cond3A_16 = arith.cmpi ne, %convert_element_type3A_14, %cond3A_15 : i32
      scf.if %cond3A_16 {
        "tpu.region"() ({
          %run_scoped3A = tpu.sem_alloc : memref<!tpu.dma_semaphore, #tpu.memory_space<semaphore_mem>>
          %dma_start3A_71 = arith.constant 0 : i32
          %dma_start3A_72 = tpu.memref_slice %arg10[%mul3A_0, %dma_start3A_71] : memref<10240x128xf32, #tpu.memory_space<vmem_shared>> -> memref<400x128xf32, #tpu.memory_space<vmem_shared>>
          %dma_start3A_73 = arith.constant 0 : i32
          %dma_start3A_74 = tpu.memref_slice %arg2[%mul3A_0, %dma_start3A_73] : memref<10000x128xf32, #tpu.memory_space<hbm>> -> memref<400x128xf32, #tpu.memory_space<hbm>>
          tpu.enqueue_dma source(%dma_start3A_74 : memref<400x128xf32, #tpu.memory_space<hbm>>) target(%dma_start3A_72 : memref<400x128xf32, #tpu.memory_space<vmem_shared>>) target_semaphore(%run_scoped3A : memref<!tpu.dma_semaphore, #tpu.memory_space<semaphore_mem>>)
          %dma_wait3A = arith.constant 0 : i32
          %dma_wait3A_75 = tpu.memref_slice %arg10[%mul3A_0, %dma_wait3A] : memref<10240x128xf32, #tpu.memory_space<vmem_shared>> -> memref<400x128xf32, #tpu.memory_space<vmem_shared>>
          %dma_wait3A_76 = arith.constant 0 : i32
          %dma_wait3A_77 = tpu.memref_slice %arg2[%mul3A_0, %dma_wait3A_76] : memref<10000x128xf32, #tpu.memory_space<hbm>> -> memref<400x128xf32, #tpu.memory_space<hbm>>
          tpu.wait_dma2 semaphore(%run_scoped3A : memref<!tpu.dma_semaphore, #tpu.memory_space<semaphore_mem>>) src(%dma_wait3A_77 : memref<400x128xf32, #tpu.memory_space<hbm>>) dst(%dma_wait3A_75 : memref<400x128xf32, #tpu.memory_space<vmem_shared>>)
          tpu.yield
        }) : () -> ()
      } else {
      }
      %barrier3A = arith.constant 0 : index
      tpu.barrier barrier_id(%barrier3A)
      %mul3A_17 = arith.constant 80 : i32
      %mul3A_18 = arith.muli %arg1, %mul3A_17 : i32
      %add3A = arith.constant 0 : i32
      %add3A_19 = arith.addi %mul3A_18, %add3A : i32
      "tpu.region"() ({
        %run_scoped3A = tpu.sem_alloc : memref<!tpu.dma_semaphore, #tpu.memory_space<semaphore_mem>>
        %dma_start3A_71 = arith.constant 0 : i32
        %dma_start3A_72 = tpu.memref_slice %arg4[%add3A_19, %dma_start3A_71] : memref<1280x128xi32, #tpu.memory_space<hbm>> -> memref<40x128xi32, #tpu.memory_space<hbm>>
        %dma_start3A_73 = arith.constant 0 : i32
        %dma_start3A_74 = tpu.memref_slice %arg4[%add3A_19, %dma_start3A_73] : memref<1280x128xi32, #tpu.memory_space<hbm>> -> memref<40x128xi32, #tpu.memory_space<hbm>>
        tpu.enqueue_dma source(%dma_start3A_74 : memref<40x128xi32, #tpu.memory_space<hbm>>) target(%arg8 : memref<40x128xi32, #tpu.memory_space<vmem>>) target_semaphore(%run_scoped3A : memref<!tpu.dma_semaphore, #tpu.memory_space<semaphore_mem>>)
        %dma_wait3A = arith.constant 0 : i32
        %dma_wait3A_75 = tpu.memref_slice %arg4[%add3A_19, %dma_wait3A] : memref<1280x128xi32, #tpu.memory_space<hbm>> -> memref<40x128xi32, #tpu.memory_space<hbm>>
        %dma_wait3A_76 = arith.constant 0 : i32
        %dma_wait3A_77 = tpu.memref_slice %arg4[%add3A_19, %dma_wait3A_76] : memref<1280x128xi32, #tpu.memory_space<hbm>> -> memref<40x128xi32, #tpu.memory_space<hbm>>
        tpu.wait_dma2 semaphore(%run_scoped3A : memref<!tpu.dma_semaphore, #tpu.memory_space<semaphore_mem>>) src(%dma_wait3A_77 : memref<40x128xi32, #tpu.memory_space<hbm>>) dst(%arg8 : memref<40x128xi32, #tpu.memory_space<vmem>>)
        tpu.yield
      }) : () -> ()
      "tpu.region"() ({
        %run_scoped3A = tpu.sem_alloc : memref<!tpu.dma_semaphore, #tpu.memory_space<semaphore_mem>>
        %dma_start3A_71 = arith.constant 0 : i32
        %dma_start3A_72 = tpu.memref_slice %arg5[%add3A_19, %dma_start3A_71] : memref<1280x128xi32, #tpu.memory_space<hbm>> -> memref<40x128xi32, #tpu.memory_space<hbm>>
        %dma_start3A_73 = arith.constant 0 : i32
        %dma_start3A_74 = tpu.memref_slice %arg5[%add3A_19, %dma_start3A_73] : memref<1280x128xi32, #tpu.memory_space<hbm>> -> memref<40x128xi32, #tpu.memory_space<hbm>>
        tpu.enqueue_dma source(%dma_start3A_74 : memref<40x128xi32, #tpu.memory_space<hbm>>) target(%arg9 : memref<40x128xi32, #tpu.memory_space<vmem>>) target_semaphore(%run_scoped3A : memref<!tpu.dma_semaphore, #tpu.memory_space<semaphore_mem>>)
        %dma_wait3A = arith.constant 0 : i32
        %dma_wait3A_75 = tpu.memref_slice %arg5[%add3A_19, %dma_wait3A] : memref<1280x128xi32, #tpu.memory_space<hbm>> -> memref<40x128xi32, #tpu.memory_space<hbm>>
        %dma_wait3A_76 = arith.constant 0 : i32
        %dma_wait3A_77 = tpu.memref_slice %arg5[%add3A_19, %dma_wait3A_76] : memref<1280x128xi32, #tpu.memory_space<hbm>> -> memref<40x128xi32, #tpu.memory_space<hbm>>
        tpu.wait_dma2 semaphore(%run_scoped3A : memref<!tpu.dma_semaphore, #tpu.memory_space<semaphore_mem>>) src(%dma_wait3A_77 : memref<40x128xi32, #tpu.memory_space<hbm>>) dst(%arg9 : memref<40x128xi32, #tpu.memory_space<vmem>>)
        tpu.yield
      }) : () -> ()
      %dma_start3A = arith.constant 0 : i32
      %dma_start3A_20 = arith.constant 0 : i32
      %dma_start3A_21 = tpu.memref_slice %arg8[%dma_start3A, %dma_start3A_20] : memref<40x128xi32, #tpu.memory_space<vmem>> -> memref<1x128xi32, #tpu.memory_space<vmem>>
      %dma_start3A_22 = tpu.memref_squeeze %dma_start3A_21 : memref<1x128xi32, #tpu.memory_space<vmem>> -> memref<128xi32, #tpu.memory_space<vmem>>
      %dma_start3A_23 = arith.constant 0 : i32
      %dma_start3A_24 = arith.constant 0 : i32
      %dma_start3A_25 = tpu.memref_slice %arg2[%dma_start3A_23, %dma_start3A_24] : memref<10000x128xf32, #tpu.memory_space<hbm>> -> memref<10000x128xf32, #tpu.memory_space<hbm>>
      tpu.enqueue_indirect_dma source(%dma_start3A_25 : memref<10000x128xf32, #tpu.memory_space<hbm>>) target(%arg11 : memref<128x128xf32, #tpu.memory_space<vmem>>) offsets(%dma_start3A_22 : memref<128xi32, #tpu.memory_space<vmem>>) semaphore(%arg13 : memref<!tpu.dma_semaphore, #tpu.memory_space<semaphore_mem>>)
      %dma_start3A_26 = arith.constant 1 : i32
      %dma_start3A_27 = arith.constant 0 : i32
      %dma_start3A_28 = tpu.memref_slice %arg8[%dma_start3A_26, %dma_start3A_27] : memref<40x128xi32, #tpu.memory_space<vmem>> -> memref<1x128xi32, #tpu.memory_space<vmem>>
      %dma_start3A_29 = tpu.memref_squeeze %dma_start3A_28 : memref<1x128xi32, #tpu.memory_space<vmem>> -> memref<128xi32, #tpu.memory_space<vmem>>
      %dma_start3A_30 = arith.constant 0 : i32
      %dma_start3A_31 = arith.constant 0 : i32
      %dma_start3A_32 = tpu.memref_slice %arg2[%dma_start3A_30, %dma_start3A_31] : memref<10000x128xf32, #tpu.memory_space<hbm>> -> memref<10000x128xf32, #tpu.memory_space<hbm>>
      tpu.enqueue_indirect_dma source(%dma_start3A_32 : memref<10000x128xf32, #tpu.memory_space<hbm>>) target(%arg12 : memref<128x128xf32, #tpu.memory_space<vmem>>) offsets(%dma_start3A_29 : memref<128xi32, #tpu.memory_space<vmem>>) semaphore(%arg14 : memref<!tpu.dma_semaphore, #tpu.memory_space<semaphore_mem>>)
      %scan3A = arith.constant 0 : i32
      %scan3A_33 = arith.constant 20 : i32
      %scan3A_34 = arith.addi %scan3A, %scan3A_33 : i32
      %scan3A_35 = arith.constant 1 : i32
      scf.for %scan3A_71 = %scan3A to %scan3A_34 step %scan3A_35  : i32 {
        %mul3A_72 = arith.constant 2 : i32
        %mul3A_73 = arith.muli %scan3A_71, %mul3A_72 : i32
        %add3A_74 = arith.constant 0 : i32
        %add3A_75 = arith.addi %add3A_74, %mul3A_73 : i32
        %add3A_76 = arith.constant 0 : i32
        %add3A_77 = arith.addi %add3A_75, %add3A_76 : i32
        %dma_wait3A = arith.constant 0 : i32
        %dma_wait3A_78 = tpu.memref_slice %arg8[%add3A_77, %dma_wait3A] : memref<40x128xi32, #tpu.memory_space<vmem>> -> memref<1x128xi32, #tpu.memory_space<vmem>>
        %dma_wait3A_79 = tpu.memref_squeeze %dma_wait3A_78 : memref<1x128xi32, #tpu.memory_space<vmem>> -> memref<128xi32, #tpu.memory_space<vmem>>
        %dma_wait3A_80 = arith.constant 0 : i32
        %dma_wait3A_81 = arith.constant 0 : i32
        %dma_wait3A_82 = tpu.memref_slice %arg2[%dma_wait3A_80, %dma_wait3A_81] : memref<10000x128xf32, #tpu.memory_space<hbm>> -> memref<10000x128xf32, #tpu.memory_space<hbm>>
        tpu.wait_indirect_dma semaphore(%arg13 : memref<!tpu.dma_semaphore, #tpu.memory_space<semaphore_mem>>) src(%dma_wait3A_82 : memref<10000x128xf32, #tpu.memory_space<hbm>>) dst(%arg11 : memref<128x128xf32, #tpu.memory_space<vmem>>)
        "tpu.region"() ({
          %run_scoped3A = tpu.sem_alloc : memref<!tpu.dma_semaphore, #tpu.memory_space<semaphore_mem>>
          %dma_start3A_105 = arith.constant 0 : i32
          %dma_start3A_106 = tpu.memref_slice %arg9[%add3A_77, %dma_start3A_105] : memref<40x128xi32, #tpu.memory_space<vmem>> -> memref<1x128xi32, #tpu.memory_space<vmem>>
          %dma_start3A_107 = tpu.memref_squeeze %dma_start3A_106 : memref<1x128xi32, #tpu.memory_space<vmem>> -> memref<128xi32, #tpu.memory_space<vmem>>
          %dma_start3A_108 = arith.constant 0 : i32
          %dma_start3A_109 = arith.constant 0 : i32
          %dma_start3A_110 = tpu.memref_slice %arg10[%dma_start3A_108, %dma_start3A_109] : memref<10240x128xf32, #tpu.memory_space<vmem_shared>> -> memref<10240x128xf32, #tpu.memory_space<vmem_shared>>
          tpu.enqueue_indirect_dma source(%arg11 : memref<128x128xf32, #tpu.memory_space<vmem>>) target(%dma_start3A_110 : memref<10240x128xf32, #tpu.memory_space<vmem_shared>>) offsets(%dma_start3A_107 : memref<128xi32, #tpu.memory_space<vmem>>) semaphore(%run_scoped3A : memref<!tpu.dma_semaphore, #tpu.memory_space<semaphore_mem>>) {add = true}
          %dma_wait3A_111 = arith.constant 0 : i32
          %dma_wait3A_112 = tpu.memref_slice %arg9[%add3A_77, %dma_wait3A_111] : memref<40x128xi32, #tpu.memory_space<vmem>> -> memref<1x128xi32, #tpu.memory_space<vmem>>
          %dma_wait3A_113 = tpu.memref_squeeze %dma_wait3A_112 : memref<1x128xi32, #tpu.memory_space<vmem>> -> memref<128xi32, #tpu.memory_space<vmem>>
          %dma_wait3A_114 = arith.constant 0 : i32
          %dma_wait3A_115 = arith.constant 0 : i32
          %dma_wait3A_116 = tpu.memref_slice %arg10[%dma_wait3A_114, %dma_wait3A_115] : memref<10240x128xf32, #tpu.memory_space<vmem_shared>> -> memref<10240x128xf32, #tpu.memory_space<vmem_shared>>
          tpu.wait_indirect_dma semaphore(%run_scoped3A : memref<!tpu.dma_semaphore, #tpu.memory_space<semaphore_mem>>) src(%arg11 : memref<128x128xf32, #tpu.memory_space<vmem>>) dst(%dma_wait3A_116 : memref<10240x128xf32, #tpu.memory_space<vmem_shared>>)
          tpu.yield
        }) : () -> ()
        %add3A_83 = arith.constant 2 : i32
        %add3A_84 = arith.addi %add3A_77, %add3A_83 : i32
        %lt3A_85 = arith.constant 40 : i32
        %lt3A_86 = arith.cmpi slt, %add3A_84, %lt3A_85 : i32
        %convert_element_type3A_87 = arith.extui %lt3A_86 : i1 to i32
        %cond3A_88 = arith.constant 0 : i32
        %cond3A_89 = arith.cmpi ne, %convert_element_type3A_87, %cond3A_88 : i32
        scf.if %cond3A_89 {
          %add3A_105 = arith.constant 2 : i32
          %add3A_106 = arith.addi %add3A_77, %add3A_105 : i32
          %dma_start3A_107 = arith.constant 0 : i32
          %dma_start3A_108 = tpu.memref_slice %arg8[%add3A_106, %dma_start3A_107] : memref<40x128xi32, #tpu.memory_space<vmem>> -> memref<1x128xi32, #tpu.memory_space<vmem>>
          %dma_start3A_109 = tpu.memref_squeeze %dma_start3A_108 : memref<1x128xi32, #tpu.memory_space<vmem>> -> memref<128xi32, #tpu.memory_space<vmem>>
          %dma_start3A_110 = arith.constant 0 : i32
          %dma_start3A_111 = arith.constant 0 : i32
          %dma_start3A_112 = tpu.memref_slice %arg2[%dma_start3A_110, %dma_start3A_111] : memref<10000x128xf32, #tpu.memory_space<hbm>> -> memref<10000x128xf32, #tpu.memory_space<hbm>>
          tpu.enqueue_indirect_dma source(%dma_start3A_112 : memref<10000x128xf32, #tpu.memory_space<hbm>>) target(%arg11 : memref<128x128xf32, #tpu.memory_space<vmem>>) offsets(%dma_start3A_109 : memref<128xi32, #tpu.memory_space<vmem>>) semaphore(%arg13 : memref<!tpu.dma_semaphore, #tpu.memory_space<semaphore_mem>>)
        } else {
        }
        %add3A_90 = arith.constant 1 : i32
        %add3A_91 = arith.addi %add3A_75, %add3A_90 : i32
        %dma_wait3A_92 = arith.constant 0 : i32
        %dma_wait3A_93 = tpu.memref_slice %arg8[%add3A_91, %dma_wait3A_92] : memref<40x128xi32, #tpu.memory_space<vmem>> -> memref<1x128xi32, #tpu.memory_space<vmem>>
        %dma_wait3A_94 = tpu.memref_squeeze %dma_wait3A_93 : memref<1x128xi32, #tpu.memory_space<vmem>> -> memref<128xi32, #tpu.memory_space<vmem>>
        %dma_wait3A_95 = arith.constant 0 : i32
        %dma_wait3A_96 = arith.constant 0 : i32
        %dma_wait3A_97 = tpu.memref_slice %arg2[%dma_wait3A_95, %dma_wait3A_96] : memref<10000x128xf32, #tpu.memory_space<hbm>> -> memref<10000x128xf32, #tpu.memory_space<hbm>>
        tpu.wait_indirect_dma semaphore(%arg14 : memref<!tpu.dma_semaphore, #tpu.memory_space<semaphore_mem>>) src(%dma_wait3A_97 : memref<10000x128xf32, #tpu.memory_space<hbm>>) dst(%arg12 : memref<128x128xf32, #tpu.memory_space<vmem>>)
        "tpu.region"() ({
          %run_scoped3A = tpu.sem_alloc : memref<!tpu.dma_semaphore, #tpu.memory_space<semaphore_mem>>
          %dma_start3A_105 = arith.constant 0 : i32
          %dma_start3A_106 = tpu.memref_slice %arg9[%add3A_91, %dma_start3A_105] : memref<40x128xi32, #tpu.memory_space<vmem>> -> memref<1x128xi32, #tpu.memory_space<vmem>>
          %dma_start3A_107 = tpu.memref_squeeze %dma_start3A_106 : memref<1x128xi32, #tpu.memory_space<vmem>> -> memref<128xi32, #tpu.memory_space<vmem>>
          %dma_start3A_108 = arith.constant 0 : i32
          %dma_start3A_109 = arith.constant 0 : i32
          %dma_start3A_110 = tpu.memref_slice %arg10[%dma_start3A_108, %dma_start3A_109] : memref<10240x128xf32, #tpu.memory_space<vmem_shared>> -> memref<10240x128xf32, #tpu.memory_space<vmem_shared>>
          tpu.enqueue_indirect_dma source(%arg12 : memref<128x128xf32, #tpu.memory_space<vmem>>) target(%dma_start3A_110 : memref<10240x128xf32, #tpu.memory_space<vmem_shared>>) offsets(%dma_start3A_107 : memref<128xi32, #tpu.memory_space<vmem>>) semaphore(%run_scoped3A : memref<!tpu.dma_semaphore, #tpu.memory_space<semaphore_mem>>) {add = true}
          %dma_wait3A_111 = arith.constant 0 : i32
          %dma_wait3A_112 = tpu.memref_slice %arg9[%add3A_91, %dma_wait3A_111] : memref<40x128xi32, #tpu.memory_space<vmem>> -> memref<1x128xi32, #tpu.memory_space<vmem>>
          %dma_wait3A_113 = tpu.memref_squeeze %dma_wait3A_112 : memref<1x128xi32, #tpu.memory_space<vmem>> -> memref<128xi32, #tpu.memory_space<vmem>>
          %dma_wait3A_114 = arith.constant 0 : i32
          %dma_wait3A_115 = arith.constant 0 : i32
          %dma_wait3A_116 = tpu.memref_slice %arg10[%dma_wait3A_114, %dma_wait3A_115] : memref<10240x128xf32, #tpu.memory_space<vmem_shared>> -> memref<10240x128xf32, #tpu.memory_space<vmem_shared>>
          tpu.wait_indirect_dma semaphore(%run_scoped3A : memref<!tpu.dma_semaphore, #tpu.memory_space<semaphore_mem>>) src(%arg12 : memref<128x128xf32, #tpu.memory_space<vmem>>) dst(%dma_wait3A_116 : memref<10240x128xf32, #tpu.memory_space<vmem_shared>>)
          tpu.yield
        }) : () -> ()
        %add3A_98 = arith.constant 2 : i32
        %add3A_99 = arith.addi %add3A_91, %add3A_98 : i32
        %lt3A_100 = arith.constant 40 : i32
        %lt3A_101 = arith.cmpi slt, %add3A_99, %lt3A_100 : i32
        %convert_element_type3A_102 = arith.extui %lt3A_101 : i1 to i32
        %cond3A_103 = arith.constant 0 : i32
        %cond3A_104 = arith.cmpi ne, %convert_element_type3A_102, %cond3A_103 : i32
        scf.if %cond3A_104 {
          %add3A_105 = arith.constant 2 : i32
          %add3A_106 = arith.addi %add3A_91, %add3A_105 : i32
          %dma_start3A_107 = arith.constant 0 : i32
          %dma_start3A_108 = tpu.memref_slice %arg8[%add3A_106, %dma_start3A_107] : memref<40x128xi32, #tpu.memory_space<vmem>> -> memref<1x128xi32, #tpu.memory_space<vmem>>
          %dma_start3A_109 = tpu.memref_squeeze %dma_start3A_108 : memref<1x128xi32, #tpu.memory_space<vmem>> -> memref<128xi32, #tpu.memory_space<vmem>>
          %dma_start3A_110 = arith.constant 0 : i32
          %dma_start3A_111 = arith.constant 0 : i32
          %dma_start3A_112 = tpu.memref_slice %arg2[%dma_start3A_110, %dma_start3A_111] : memref<10000x128xf32, #tpu.memory_space<hbm>> -> memref<10000x128xf32, #tpu.memory_space<hbm>>
          tpu.enqueue_indirect_dma source(%dma_start3A_112 : memref<10000x128xf32, #tpu.memory_space<hbm>>) target(%arg12 : memref<128x128xf32, #tpu.memory_space<vmem>>) offsets(%dma_start3A_109 : memref<128xi32, #tpu.memory_space<vmem>>) semaphore(%arg14 : memref<!tpu.dma_semaphore, #tpu.memory_space<semaphore_mem>>)
        } else {
        }
      }
      %scan3A_36 = arith.constant 20 : i32
      %mul3A_37 = arith.constant 80 : i32
      %mul3A_38 = arith.muli %arg1, %mul3A_37 : i32
      %add3A_39 = arith.constant 40 : i32
      %add3A_40 = arith.addi %mul3A_38, %add3A_39 : i32
      "tpu.region"() ({
        %run_scoped3A = tpu.sem_alloc : memref<!tpu.dma_semaphore, #tpu.memory_space<semaphore_mem>>
        %dma_start3A_71 = arith.constant 0 : i32
        %dma_start3A_72 = tpu.memref_slice %arg4[%add3A_40, %dma_start3A_71] : memref<1280x128xi32, #tpu.memory_space<hbm>> -> memref<40x128xi32, #tpu.memory_space<hbm>>
        %dma_start3A_73 = arith.constant 0 : i32
        %dma_start3A_74 = tpu.memref_slice %arg4[%add3A_40, %dma_start3A_73] : memref<1280x128xi32, #tpu.memory_space<hbm>> -> memref<40x128xi32, #tpu.memory_space<hbm>>
        tpu.enqueue_dma source(%dma_start3A_74 : memref<40x128xi32, #tpu.memory_space<hbm>>) target(%arg8 : memref<40x128xi32, #tpu.memory_space<vmem>>) target_semaphore(%run_scoped3A : memref<!tpu.dma_semaphore, #tpu.memory_space<semaphore_mem>>)
        %dma_wait3A = arith.constant 0 : i32
        %dma_wait3A_75 = tpu.memref_slice %arg4[%add3A_40, %dma_wait3A] : memref<1280x128xi32, #tpu.memory_space<hbm>> -> memref<40x128xi32, #tpu.memory_space<hbm>>
        %dma_wait3A_76 = arith.constant 0 : i32
        %dma_wait3A_77 = tpu.memref_slice %arg4[%add3A_40, %dma_wait3A_76] : memref<1280x128xi32, #tpu.memory_space<hbm>> -> memref<40x128xi32, #tpu.memory_space<hbm>>
        tpu.wait_dma2 semaphore(%run_scoped3A : memref<!tpu.dma_semaphore, #tpu.memory_space<semaphore_mem>>) src(%dma_wait3A_77 : memref<40x128xi32, #tpu.memory_space<hbm>>) dst(%arg8 : memref<40x128xi32, #tpu.memory_space<vmem>>)
        tpu.yield
      }) : () -> ()
      "tpu.region"() ({
        %run_scoped3A = tpu.sem_alloc : memref<!tpu.dma_semaphore, #tpu.memory_space<semaphore_mem>>
        %dma_start3A_71 = arith.constant 0 : i32
        %dma_start3A_72 = tpu.memref_slice %arg5[%add3A_40, %dma_start3A_71] : memref<1280x128xi32, #tpu.memory_space<hbm>> -> memref<40x128xi32, #tpu.memory_space<hbm>>
        %dma_start3A_73 = arith.constant 0 : i32
        %dma_start3A_74 = tpu.memref_slice %arg5[%add3A_40, %dma_start3A_73] : memref<1280x128xi32, #tpu.memory_space<hbm>> -> memref<40x128xi32, #tpu.memory_space<hbm>>
        tpu.enqueue_dma source(%dma_start3A_74 : memref<40x128xi32, #tpu.memory_space<hbm>>) target(%arg9 : memref<40x128xi32, #tpu.memory_space<vmem>>) target_semaphore(%run_scoped3A : memref<!tpu.dma_semaphore, #tpu.memory_space<semaphore_mem>>)
        %dma_wait3A = arith.constant 0 : i32
        %dma_wait3A_75 = tpu.memref_slice %arg5[%add3A_40, %dma_wait3A] : memref<1280x128xi32, #tpu.memory_space<hbm>> -> memref<40x128xi32, #tpu.memory_space<hbm>>
        %dma_wait3A_76 = arith.constant 0 : i32
        %dma_wait3A_77 = tpu.memref_slice %arg5[%add3A_40, %dma_wait3A_76] : memref<1280x128xi32, #tpu.memory_space<hbm>> -> memref<40x128xi32, #tpu.memory_space<hbm>>
        tpu.wait_dma2 semaphore(%run_scoped3A : memref<!tpu.dma_semaphore, #tpu.memory_space<semaphore_mem>>) src(%dma_wait3A_77 : memref<40x128xi32, #tpu.memory_space<hbm>>) dst(%arg9 : memref<40x128xi32, #tpu.memory_space<vmem>>)
        tpu.yield
      }) : () -> ()
      %dma_start3A_41 = arith.constant 0 : i32
      %dma_start3A_42 = arith.constant 0 : i32
      %dma_start3A_43 = tpu.memref_slice %arg8[%dma_start3A_41, %dma_start3A_42] : memref<40x128xi32, #tpu.memory_space<vmem>> -> memref<1x128xi32, #tpu.memory_space<vmem>>
      %dma_start3A_44 = tpu.memref_squeeze %dma_start3A_43 : memref<1x128xi32, #tpu.memory_space<vmem>> -> memref<128xi32, #tpu.memory_space<vmem>>
      %dma_start3A_45 = arith.constant 0 : i32
      %dma_start3A_46 = arith.constant 0 : i32
      %dma_start3A_47 = tpu.memref_slice %arg2[%dma_start3A_45, %dma_start3A_46] : memref<10000x128xf32, #tpu.memory_space<hbm>> -> memref<10000x128xf32, #tpu.memory_space<hbm>>
      tpu.enqueue_indirect_dma source(%dma_start3A_47 : memref<10000x128xf32, #tpu.memory_space<hbm>>) target(%arg11 : memref<128x128xf32, #tpu.memory_space<vmem>>) offsets(%dma_start3A_44 : memref<128xi32, #tpu.memory_space<vmem>>) semaphore(%arg13 : memref<!tpu.dma_semaphore, #tpu.memory_space<semaphore_mem>>)
      %dma_start3A_48 = arith.constant 1 : i32
      %dma_start3A_49 = arith.constant 0 : i32
      %dma_start3A_50 = tpu.memref_slice %arg8[%dma_start3A_48, %dma_start3A_49] : memref<40x128xi32, #tpu.memory_space<vmem>> -> memref<1x128xi32, #tpu.memory_space<vmem>>
      %dma_start3A_51 = tpu.memref_squeeze %dma_start3A_50 : memref<1x128xi32, #tpu.memory_space<vmem>> -> memref<128xi32, #tpu.memory_space<vmem>>
      %dma_start3A_52 = arith.constant 0 : i32
      %dma_start3A_53 = arith.constant 0 : i32
      %dma_start3A_54 = tpu.memref_slice %arg2[%dma_start3A_52, %dma_start3A_53] : memref<10000x128xf32, #tpu.memory_space<hbm>> -> memref<10000x128xf32, #tpu.memory_space<hbm>>
      tpu.enqueue_indirect_dma source(%dma_start3A_54 : memref<10000x128xf32, #tpu.memory_space<hbm>>) target(%arg12 : memref<128x128xf32, #tpu.memory_space<vmem>>) offsets(%dma_start3A_51 : memref<128xi32, #tpu.memory_space<vmem>>) semaphore(%arg14 : memref<!tpu.dma_semaphore, #tpu.memory_space<semaphore_mem>>)
      %scan3A_55 = arith.constant 0 : i32
      %scan3A_56 = arith.constant 20 : i32
      %scan3A_57 = arith.addi %scan3A_55, %scan3A_56 : i32
      %scan3A_58 = arith.constant 1 : i32
      scf.for %scan3A_71 = %scan3A_55 to %scan3A_57 step %scan3A_58  : i32 {
        %mul3A_72 = arith.constant 2 : i32
        %mul3A_73 = arith.muli %scan3A_71, %mul3A_72 : i32
        %add3A_74 = arith.constant 0 : i32
        %add3A_75 = arith.addi %add3A_74, %mul3A_73 : i32
        %add3A_76 = arith.constant 0 : i32
        %add3A_77 = arith.addi %add3A_75, %add3A_76 : i32
        %dma_wait3A = arith.constant 0 : i32
        %dma_wait3A_78 = tpu.memref_slice %arg8[%add3A_77, %dma_wait3A] : memref<40x128xi32, #tpu.memory_space<vmem>> -> memref<1x128xi32, #tpu.memory_space<vmem>>
        %dma_wait3A_79 = tpu.memref_squeeze %dma_wait3A_78 : memref<1x128xi32, #tpu.memory_space<vmem>> -> memref<128xi32, #tpu.memory_space<vmem>>
        %dma_wait3A_80 = arith.constant 0 : i32
        %dma_wait3A_81 = arith.constant 0 : i32
        %dma_wait3A_82 = tpu.memref_slice %arg2[%dma_wait3A_80, %dma_wait3A_81] : memref<10000x128xf32, #tpu.memory_space<hbm>> -> memref<10000x128xf32, #tpu.memory_space<hbm>>
        tpu.wait_indirect_dma semaphore(%arg13 : memref<!tpu.dma_semaphore, #tpu.memory_space<semaphore_mem>>) src(%dma_wait3A_82 : memref<10000x128xf32, #tpu.memory_space<hbm>>) dst(%arg11 : memref<128x128xf32, #tpu.memory_space<vmem>>)
        "tpu.region"() ({
          %run_scoped3A = tpu.sem_alloc : memref<!tpu.dma_semaphore, #tpu.memory_space<semaphore_mem>>
          %dma_start3A_105 = arith.constant 0 : i32
          %dma_start3A_106 = tpu.memref_slice %arg9[%add3A_77, %dma_start3A_105] : memref<40x128xi32, #tpu.memory_space<vmem>> -> memref<1x128xi32, #tpu.memory_space<vmem>>
          %dma_start3A_107 = tpu.memref_squeeze %dma_start3A_106 : memref<1x128xi32, #tpu.memory_space<vmem>> -> memref<128xi32, #tpu.memory_space<vmem>>
          %dma_start3A_108 = arith.constant 0 : i32
          %dma_start3A_109 = arith.constant 0 : i32
          %dma_start3A_110 = tpu.memref_slice %arg10[%dma_start3A_108, %dma_start3A_109] : memref<10240x128xf32, #tpu.memory_space<vmem_shared>> -> memref<10240x128xf32, #tpu.memory_space<vmem_shared>>
          tpu.enqueue_indirect_dma source(%arg11 : memref<128x128xf32, #tpu.memory_space<vmem>>) target(%dma_start3A_110 : memref<10240x128xf32, #tpu.memory_space<vmem_shared>>) offsets(%dma_start3A_107 : memref<128xi32, #tpu.memory_space<vmem>>) semaphore(%run_scoped3A : memref<!tpu.dma_semaphore, #tpu.memory_space<semaphore_mem>>) {add = true}
          %dma_wait3A_111 = arith.constant 0 : i32
          %dma_wait3A_112 = tpu.memref_slice %arg9[%add3A_77, %dma_wait3A_111] : memref<40x128xi32, #tpu.memory_space<vmem>> -> memref<1x128xi32, #tpu.memory_space<vmem>>
          %dma_wait3A_113 = tpu.memref_squeeze %dma_wait3A_112 : memref<1x128xi32, #tpu.memory_space<vmem>> -> memref<128xi32, #tpu.memory_space<vmem>>
          %dma_wait3A_114 = arith.constant 0 : i32
          %dma_wait3A_115 = arith.constant 0 : i32
          %dma_wait3A_116 = tpu.memref_slice %arg10[%dma_wait3A_114, %dma_wait3A_115] : memref<10240x128xf32, #tpu.memory_space<vmem_shared>> -> memref<10240x128xf32, #tpu.memory_space<vmem_shared>>
          tpu.wait_indirect_dma semaphore(%run_scoped3A : memref<!tpu.dma_semaphore, #tpu.memory_space<semaphore_mem>>) src(%arg11 : memref<128x128xf32, #tpu.memory_space<vmem>>) dst(%dma_wait3A_116 : memref<10240x128xf32, #tpu.memory_space<vmem_shared>>)
          tpu.yield
        }) : () -> ()
        %add3A_83 = arith.constant 2 : i32
        %add3A_84 = arith.addi %add3A_77, %add3A_83 : i32
        %lt3A_85 = arith.constant 40 : i32
        %lt3A_86 = arith.cmpi slt, %add3A_84, %lt3A_85 : i32
        %convert_element_type3A_87 = arith.extui %lt3A_86 : i1 to i32
        %cond3A_88 = arith.constant 0 : i32
        %cond3A_89 = arith.cmpi ne, %convert_element_type3A_87, %cond3A_88 : i32
        scf.if %cond3A_89 {
          %add3A_105 = arith.constant 2 : i32
          %add3A_106 = arith.addi %add3A_77, %add3A_105 : i32
          %dma_start3A_107 = arith.constant 0 : i32
          %dma_start3A_108 = tpu.memref_slice %arg8[%add3A_106, %dma_start3A_107] : memref<40x128xi32, #tpu.memory_space<vmem>> -> memref<1x128xi32, #tpu.memory_space<vmem>>
          %dma_start3A_109 = tpu.memref_squeeze %dma_start3A_108 : memref<1x128xi32, #tpu.memory_space<vmem>> -> memref<128xi32, #tpu.memory_space<vmem>>
          %dma_start3A_110 = arith.constant 0 : i32
          %dma_start3A_111 = arith.constant 0 : i32
          %dma_start3A_112 = tpu.memref_slice %arg2[%dma_start3A_110, %dma_start3A_111] : memref<10000x128xf32, #tpu.memory_space<hbm>> -> memref<10000x128xf32, #tpu.memory_space<hbm>>
          tpu.enqueue_indirect_dma source(%dma_start3A_112 : memref<10000x128xf32, #tpu.memory_space<hbm>>) target(%arg11 : memref<128x128xf32, #tpu.memory_space<vmem>>) offsets(%dma_start3A_109 : memref<128xi32, #tpu.memory_space<vmem>>) semaphore(%arg13 : memref<!tpu.dma_semaphore, #tpu.memory_space<semaphore_mem>>)
        } else {
        }
        %add3A_90 = arith.constant 1 : i32
        %add3A_91 = arith.addi %add3A_75, %add3A_90 : i32
        %dma_wait3A_92 = arith.constant 0 : i32
        %dma_wait3A_93 = tpu.memref_slice %arg8[%add3A_91, %dma_wait3A_92] : memref<40x128xi32, #tpu.memory_space<vmem>> -> memref<1x128xi32, #tpu.memory_space<vmem>>
        %dma_wait3A_94 = tpu.memref_squeeze %dma_wait3A_93 : memref<1x128xi32, #tpu.memory_space<vmem>> -> memref<128xi32, #tpu.memory_space<vmem>>
        %dma_wait3A_95 = arith.constant 0 : i32
        %dma_wait3A_96 = arith.constant 0 : i32
        %dma_wait3A_97 = tpu.memref_slice %arg2[%dma_wait3A_95, %dma_wait3A_96] : memref<10000x128xf32, #tpu.memory_space<hbm>> -> memref<10000x128xf32, #tpu.memory_space<hbm>>
        tpu.wait_indirect_dma semaphore(%arg14 : memref<!tpu.dma_semaphore, #tpu.memory_space<semaphore_mem>>) src(%dma_wait3A_97 : memref<10000x128xf32, #tpu.memory_space<hbm>>) dst(%arg12 : memref<128x128xf32, #tpu.memory_space<vmem>>)
        "tpu.region"() ({
          %run_scoped3A = tpu.sem_alloc : memref<!tpu.dma_semaphore, #tpu.memory_space<semaphore_mem>>
          %dma_start3A_105 = arith.constant 0 : i32
          %dma_start3A_106 = tpu.memref_slice %arg9[%add3A_91, %dma_start3A_105] : memref<40x128xi32, #tpu.memory_space<vmem>> -> memref<1x128xi32, #tpu.memory_space<vmem>>
          %dma_start3A_107 = tpu.memref_squeeze %dma_start3A_106 : memref<1x128xi32, #tpu.memory_space<vmem>> -> memref<128xi32, #tpu.memory_space<vmem>>
          %dma_start3A_108 = arith.constant 0 : i32
          %dma_start3A_109 = arith.constant 0 : i32
          %dma_start3A_110 = tpu.memref_slice %arg10[%dma_start3A_108, %dma_start3A_109] : memref<10240x128xf32, #tpu.memory_space<vmem_shared>> -> memref<10240x128xf32, #tpu.memory_space<vmem_shared>>
          tpu.enqueue_indirect_dma source(%arg12 : memref<128x128xf32, #tpu.memory_space<vmem>>) target(%dma_start3A_110 : memref<10240x128xf32, #tpu.memory_space<vmem_shared>>) offsets(%dma_start3A_107 : memref<128xi32, #tpu.memory_space<vmem>>) semaphore(%run_scoped3A : memref<!tpu.dma_semaphore, #tpu.memory_space<semaphore_mem>>) {add = true}
          %dma_wait3A_111 = arith.constant 0 : i32
          %dma_wait3A_112 = tpu.memref_slice %arg9[%add3A_91, %dma_wait3A_111] : memref<40x128xi32, #tpu.memory_space<vmem>> -> memref<1x128xi32, #tpu.memory_space<vmem>>
          %dma_wait3A_113 = tpu.memref_squeeze %dma_wait3A_112 : memref<1x128xi32, #tpu.memory_space<vmem>> -> memref<128xi32, #tpu.memory_space<vmem>>
          %dma_wait3A_114 = arith.constant 0 : i32
          %dma_wait3A_115 = arith.constant 0 : i32
          %dma_wait3A_116 = tpu.memref_slice %arg10[%dma_wait3A_114, %dma_wait3A_115] : memref<10240x128xf32, #tpu.memory_space<vmem_shared>> -> memref<10240x128xf32, #tpu.memory_space<vmem_shared>>
          tpu.wait_indirect_dma semaphore(%run_scoped3A : memref<!tpu.dma_semaphore, #tpu.memory_space<semaphore_mem>>) src(%arg12 : memref<128x128xf32, #tpu.memory_space<vmem>>) dst(%dma_wait3A_116 : memref<10240x128xf32, #tpu.memory_space<vmem_shared>>)
          tpu.yield
        }) : () -> ()
        %add3A_98 = arith.constant 2 : i32
        %add3A_99 = arith.addi %add3A_91, %add3A_98 : i32
        %lt3A_100 = arith.constant 40 : i32
        %lt3A_101 = arith.cmpi slt, %add3A_99, %lt3A_100 : i32
        %convert_element_type3A_102 = arith.extui %lt3A_101 : i1 to i32
        %cond3A_103 = arith.constant 0 : i32
        %cond3A_104 = arith.cmpi ne, %convert_element_type3A_102, %cond3A_103 : i32
        scf.if %cond3A_104 {
          %add3A_105 = arith.constant 2 : i32
          %add3A_106 = arith.addi %add3A_91, %add3A_105 : i32
          %dma_start3A_107 = arith.constant 0 : i32
          %dma_start3A_108 = tpu.memref_slice %arg8[%add3A_106, %dma_start3A_107] : memref<40x128xi32, #tpu.memory_space<vmem>> -> memref<1x128xi32, #tpu.memory_space<vmem>>
          %dma_start3A_109 = tpu.memref_squeeze %dma_start3A_108 : memref<1x128xi32, #tpu.memory_space<vmem>> -> memref<128xi32, #tpu.memory_space<vmem>>
          %dma_start3A_110 = arith.constant 0 : i32
          %dma_start3A_111 = arith.constant 0 : i32
          %dma_start3A_112 = tpu.memref_slice %arg2[%dma_start3A_110, %dma_start3A_111] : memref<10000x128xf32, #tpu.memory_space<hbm>> -> memref<10000x128xf32, #tpu.memory_space<hbm>>
          tpu.enqueue_indirect_dma source(%dma_start3A_112 : memref<10000x128xf32, #tpu.memory_space<hbm>>) target(%arg12 : memref<128x128xf32, #tpu.memory_space<vmem>>) offsets(%dma_start3A_109 : memref<128xi32, #tpu.memory_space<vmem>>) semaphore(%arg14 : memref<!tpu.dma_semaphore, #tpu.memory_space<semaphore_mem>>)
        } else {
        }
      }
      %scan3A_59 = arith.constant 20 : i32
      %barrier3A_60 = arith.constant 0 : index
      tpu.barrier barrier_id(%barrier3A_60)
      %lt3A_61 = arith.constant 15 : i32
      %lt3A_62 = arith.cmpi slt, %arg1, %lt3A_61 : i32
      %convert_element_type3A_63 = arith.extui %lt3A_62 : i1 to i32
      %cond3A_64 = arith.constant 0 : i32
      %cond3A_65 = arith.cmpi ne, %convert_element_type3A_63, %cond3A_64 : i32
      scf.if %cond3A_65 {
        "tpu.region"() ({
          %run_scoped3A = tpu.sem_alloc : memref<!tpu.dma_semaphore, #tpu.memory_space<semaphore_mem>>
          %dma_start3A_71 = arith.constant 0 : i32
          %dma_start3A_72 = tpu.memref_slice %arg6[%mul3A_0, %dma_start3A_71] : memref<10000x128xf32, #tpu.memory_space<hbm>> -> memref<640x128xf32, #tpu.memory_space<hbm>>
          %dma_start3A_73 = arith.constant 0 : i32
          %dma_start3A_74 = tpu.memref_slice %arg10[%mul3A_0, %dma_start3A_73] : memref<10240x128xf32, #tpu.memory_space<vmem_shared>> -> memref<640x128xf32, #tpu.memory_space<vmem_shared>>
          tpu.enqueue_dma source(%dma_start3A_74 : memref<640x128xf32, #tpu.memory_space<vmem_shared>>) target(%dma_start3A_72 : memref<640x128xf32, #tpu.memory_space<hbm>>) target_semaphore(%run_scoped3A : memref<!tpu.dma_semaphore, #tpu.memory_space<semaphore_mem>>)
          %dma_wait3A = arith.constant 0 : i32
          %dma_wait3A_75 = tpu.memref_slice %arg6[%mul3A_0, %dma_wait3A] : memref<10000x128xf32, #tpu.memory_space<hbm>> -> memref<640x128xf32, #tpu.memory_space<hbm>>
          %dma_wait3A_76 = arith.constant 0 : i32
          %dma_wait3A_77 = tpu.memref_slice %arg10[%mul3A_0, %dma_wait3A_76] : memref<10240x128xf32, #tpu.memory_space<vmem_shared>> -> memref<640x128xf32, #tpu.memory_space<vmem_shared>>
          tpu.wait_dma2 semaphore(%run_scoped3A : memref<!tpu.dma_semaphore, #tpu.memory_space<semaphore_mem>>) src(%dma_wait3A_77 : memref<640x128xf32, #tpu.memory_space<vmem_shared>>) dst(%dma_wait3A_75 : memref<640x128xf32, #tpu.memory_space<hbm>>)
          tpu.yield
        }) : () -> ()
      } else {
      }
      %eq3A_66 = arith.constant 15 : i32
      %eq3A_67 = arith.cmpi eq, %arg1, %eq3A_66 : i32
      %convert_element_type3A_68 = arith.extui %eq3A_67 : i1 to i32
      %cond3A_69 = arith.constant 0 : i32
      %cond3A_70 = arith.cmpi ne, %convert_element_type3A_68, %cond3A_69 : i32
      scf.if %cond3A_70 {
        "tpu.region"() ({
          %run_scoped3A = tpu.sem_alloc : memref<!tpu.dma_semaphore, #tpu.memory_space<semaphore_mem>>
          %dma_start3A_71 = arith.constant 0 : i32
          %dma_start3A_72 = tpu.memref_slice %arg6[%mul3A_0, %dma_start3A_71] : memref<10000x128xf32, #tpu.memory_space<hbm>> -> memref<400x128xf32, #tpu.memory_space<hbm>>
          %dma_start3A_73 = arith.constant 0 : i32
          %dma_start3A_74 = tpu.memref_slice %arg10[%mul3A_0, %dma_start3A_73] : memref<10240x128xf32, #tpu.memory_space<vmem_shared>> -> memref<400x128xf32, #tpu.memory_space<vmem_shared>>
          tpu.enqueue_dma source(%dma_start3A_74 : memref<400x128xf32, #tpu.memory_space<vmem_shared>>) target(%dma_start3A_72 : memref<400x128xf32, #tpu.memory_space<hbm>>) target_semaphore(%run_scoped3A : memref<!tpu.dma_semaphore, #tpu.memory_space<semaphore_mem>>)
          %dma_wait3A = arith.constant 0 : i32
          %dma_wait3A_75 = tpu.memref_slice %arg6[%mul3A_0, %dma_wait3A] : memref<10000x128xf32, #tpu.memory_space<hbm>> -> memref<400x128xf32, #tpu.memory_space<hbm>>
          %dma_wait3A_76 = arith.constant 0 : i32
          %dma_wait3A_77 = tpu.memref_slice %arg10[%mul3A_0, %dma_wait3A_76] : memref<10240x128xf32, #tpu.memory_space<vmem_shared>> -> memref<400x128xf32, #tpu.memory_space<vmem_shared>>
          tpu.wait_dma2 semaphore(%run_scoped3A : memref<!tpu.dma_semaphore, #tpu.memory_space<semaphore_mem>>) src(%dma_wait3A_77 : memref<400x128xf32, #tpu.memory_space<vmem_shared>>) dst(%dma_wait3A_75 : memref<400x128xf32, #tpu.memory_space<hbm>>)
          tpu.yield
        }) : () -> ()
      } else {
      }
    } else {
    }
    %eq3A_3 = arith.constant 1 : i32
    %eq3A_4 = arith.cmpi eq, %arg0, %eq3A_3 : i32
    %convert_element_type3A_5 = arith.extui %eq3A_4 : i1 to i32
    %cond3A_6 = arith.constant 0 : i32
    %cond3A_7 = arith.cmpi ne, %convert_element_type3A_5, %cond3A_6 : i32
    scf.if %cond3A_7 {
      %lt3A = arith.constant 15 : i32
      %lt3A_8 = arith.cmpi slt, %arg1, %lt3A : i32
      %convert_element_type3A_9 = arith.extui %lt3A_8 : i1 to i32
      %cond3A_10 = arith.constant 0 : i32
      %cond3A_11 = arith.cmpi ne, %convert_element_type3A_9, %cond3A_10 : i32
      scf.if %cond3A_11 {
        "tpu.region"() ({
          %run_scoped3A = tpu.sem_alloc : memref<!tpu.dma_semaphore, #tpu.memory_space<semaphore_mem>>
          %dma_start3A_71 = arith.constant 0 : i32
          %dma_start3A_72 = tpu.memref_slice %arg10[%mul3A_0, %dma_start3A_71] : memref<10240x128xf32, #tpu.memory_space<vmem_shared>> -> memref<640x128xf32, #tpu.memory_space<vmem_shared>>
          %dma_start3A_73 = arith.constant 0 : i32
          %dma_start3A_74 = tpu.memref_slice %arg3[%mul3A_0, %dma_start3A_73] : memref<10000x128xf32, #tpu.memory_space<hbm>> -> memref<640x128xf32, #tpu.memory_space<hbm>>
          tpu.enqueue_dma source(%dma_start3A_74 : memref<640x128xf32, #tpu.memory_space<hbm>>) target(%dma_start3A_72 : memref<640x128xf32, #tpu.memory_space<vmem_shared>>) target_semaphore(%run_scoped3A : memref<!tpu.dma_semaphore, #tpu.memory_space<semaphore_mem>>)
          %dma_wait3A = arith.constant 0 : i32
          %dma_wait3A_75 = tpu.memref_slice %arg10[%mul3A_0, %dma_wait3A] : memref<10240x128xf32, #tpu.memory_space<vmem_shared>> -> memref<640x128xf32, #tpu.memory_space<vmem_shared>>
          %dma_wait3A_76 = arith.constant 0 : i32
          %dma_wait3A_77 = tpu.memref_slice %arg3[%mul3A_0, %dma_wait3A_76] : memref<10000x128xf32, #tpu.memory_space<hbm>> -> memref<640x128xf32, #tpu.memory_space<hbm>>
          tpu.wait_dma2 semaphore(%run_scoped3A : memref<!tpu.dma_semaphore, #tpu.memory_space<semaphore_mem>>) src(%dma_wait3A_77 : memref<640x128xf32, #tpu.memory_space<hbm>>) dst(%dma_wait3A_75 : memref<640x128xf32, #tpu.memory_space<vmem_shared>>)
          tpu.yield
        }) : () -> ()
      } else {
      }
      %eq3A_12 = arith.constant 15 : i32
      %eq3A_13 = arith.cmpi eq, %arg1, %eq3A_12 : i32
      %convert_element_type3A_14 = arith.extui %eq3A_13 : i1 to i32
      %cond3A_15 = arith.constant 0 : i32
      %cond3A_16 = arith.cmpi ne, %convert_element_type3A_14, %cond3A_15 : i32
      scf.if %cond3A_16 {
        "tpu.region"() ({
          %run_scoped3A = tpu.sem_alloc : memref<!tpu.dma_semaphore, #tpu.memory_space<semaphore_mem>>
          %dma_start3A_71 = arith.constant 0 : i32
          %dma_start3A_72 = tpu.memref_slice %arg10[%mul3A_0, %dma_start3A_71] : memref<10240x128xf32, #tpu.memory_space<vmem_shared>> -> memref<400x128xf32, #tpu.memory_space<vmem_shared>>
          %dma_start3A_73 = arith.constant 0 : i32
          %dma_start3A_74 = tpu.memref_slice %arg3[%mul3A_0, %dma_start3A_73] : memref<10000x128xf32, #tpu.memory_space<hbm>> -> memref<400x128xf32, #tpu.memory_space<hbm>>
          tpu.enqueue_dma source(%dma_start3A_74 : memref<400x128xf32, #tpu.memory_space<hbm>>) target(%dma_start3A_72 : memref<400x128xf32, #tpu.memory_space<vmem_shared>>) target_semaphore(%run_scoped3A : memref<!tpu.dma_semaphore, #tpu.memory_space<semaphore_mem>>)
          %dma_wait3A = arith.constant 0 : i32
          %dma_wait3A_75 = tpu.memref_slice %arg10[%mul3A_0, %dma_wait3A] : memref<10240x128xf32, #tpu.memory_space<vmem_shared>> -> memref<400x128xf32, #tpu.memory_space<vmem_shared>>
          %dma_wait3A_76 = arith.constant 0 : i32
          %dma_wait3A_77 = tpu.memref_slice %arg3[%mul3A_0, %dma_wait3A_76] : memref<10000x128xf32, #tpu.memory_space<hbm>> -> memref<400x128xf32, #tpu.memory_space<hbm>>
          tpu.wait_dma2 semaphore(%run_scoped3A : memref<!tpu.dma_semaphore, #tpu.memory_space<semaphore_mem>>) src(%dma_wait3A_77 : memref<400x128xf32, #tpu.memory_space<hbm>>) dst(%dma_wait3A_75 : memref<400x128xf32, #tpu.memory_space<vmem_shared>>)
          tpu.yield
        }) : () -> ()
      } else {
      }
      %barrier3A = arith.constant 0 : index
      tpu.barrier barrier_id(%barrier3A)
      %mul3A_17 = arith.constant 80 : i32
      %mul3A_18 = arith.muli %arg1, %mul3A_17 : i32
      %add3A = arith.constant 0 : i32
      %add3A_19 = arith.addi %mul3A_18, %add3A : i32
      "tpu.region"() ({
        %run_scoped3A = tpu.sem_alloc : memref<!tpu.dma_semaphore, #tpu.memory_space<semaphore_mem>>
        %dma_start3A_71 = arith.constant 0 : i32
        %dma_start3A_72 = tpu.memref_slice %arg4[%add3A_19, %dma_start3A_71] : memref<1280x128xi32, #tpu.memory_space<hbm>> -> memref<40x128xi32, #tpu.memory_space<hbm>>
        %dma_start3A_73 = arith.constant 0 : i32
        %dma_start3A_74 = tpu.memref_slice %arg4[%add3A_19, %dma_start3A_73] : memref<1280x128xi32, #tpu.memory_space<hbm>> -> memref<40x128xi32, #tpu.memory_space<hbm>>
        tpu.enqueue_dma source(%dma_start3A_74 : memref<40x128xi32, #tpu.memory_space<hbm>>) target(%arg8 : memref<40x128xi32, #tpu.memory_space<vmem>>) target_semaphore(%run_scoped3A : memref<!tpu.dma_semaphore, #tpu.memory_space<semaphore_mem>>)
        %dma_wait3A = arith.constant 0 : i32
        %dma_wait3A_75 = tpu.memref_slice %arg4[%add3A_19, %dma_wait3A] : memref<1280x128xi32, #tpu.memory_space<hbm>> -> memref<40x128xi32, #tpu.memory_space<hbm>>
        %dma_wait3A_76 = arith.constant 0 : i32
        %dma_wait3A_77 = tpu.memref_slice %arg4[%add3A_19, %dma_wait3A_76] : memref<1280x128xi32, #tpu.memory_space<hbm>> -> memref<40x128xi32, #tpu.memory_space<hbm>>
        tpu.wait_dma2 semaphore(%run_scoped3A : memref<!tpu.dma_semaphore, #tpu.memory_space<semaphore_mem>>) src(%dma_wait3A_77 : memref<40x128xi32, #tpu.memory_space<hbm>>) dst(%arg8 : memref<40x128xi32, #tpu.memory_space<vmem>>)
        tpu.yield
      }) : () -> ()
      "tpu.region"() ({
        %run_scoped3A = tpu.sem_alloc : memref<!tpu.dma_semaphore, #tpu.memory_space<semaphore_mem>>
        %dma_start3A_71 = arith.constant 0 : i32
        %dma_start3A_72 = tpu.memref_slice %arg5[%add3A_19, %dma_start3A_71] : memref<1280x128xi32, #tpu.memory_space<hbm>> -> memref<40x128xi32, #tpu.memory_space<hbm>>
        %dma_start3A_73 = arith.constant 0 : i32
        %dma_start3A_74 = tpu.memref_slice %arg5[%add3A_19, %dma_start3A_73] : memref<1280x128xi32, #tpu.memory_space<hbm>> -> memref<40x128xi32, #tpu.memory_space<hbm>>
        tpu.enqueue_dma source(%dma_start3A_74 : memref<40x128xi32, #tpu.memory_space<hbm>>) target(%arg9 : memref<40x128xi32, #tpu.memory_space<vmem>>) target_semaphore(%run_scoped3A : memref<!tpu.dma_semaphore, #tpu.memory_space<semaphore_mem>>)
        %dma_wait3A = arith.constant 0 : i32
        %dma_wait3A_75 = tpu.memref_slice %arg5[%add3A_19, %dma_wait3A] : memref<1280x128xi32, #tpu.memory_space<hbm>> -> memref<40x128xi32, #tpu.memory_space<hbm>>
        %dma_wait3A_76 = arith.constant 0 : i32
        %dma_wait3A_77 = tpu.memref_slice %arg5[%add3A_19, %dma_wait3A_76] : memref<1280x128xi32, #tpu.memory_space<hbm>> -> memref<40x128xi32, #tpu.memory_space<hbm>>
        tpu.wait_dma2 semaphore(%run_scoped3A : memref<!tpu.dma_semaphore, #tpu.memory_space<semaphore_mem>>) src(%dma_wait3A_77 : memref<40x128xi32, #tpu.memory_space<hbm>>) dst(%arg9 : memref<40x128xi32, #tpu.memory_space<vmem>>)
        tpu.yield
      }) : () -> ()
      %dma_start3A = arith.constant 0 : i32
      %dma_start3A_20 = arith.constant 0 : i32
      %dma_start3A_21 = tpu.memref_slice %arg8[%dma_start3A, %dma_start3A_20] : memref<40x128xi32, #tpu.memory_space<vmem>> -> memref<1x128xi32, #tpu.memory_space<vmem>>
      %dma_start3A_22 = tpu.memref_squeeze %dma_start3A_21 : memref<1x128xi32, #tpu.memory_space<vmem>> -> memref<128xi32, #tpu.memory_space<vmem>>
      %dma_start3A_23 = arith.constant 0 : i32
      %dma_start3A_24 = arith.constant 0 : i32
      %dma_start3A_25 = tpu.memref_slice %arg3[%dma_start3A_23, %dma_start3A_24] : memref<10000x128xf32, #tpu.memory_space<hbm>> -> memref<10000x128xf32, #tpu.memory_space<hbm>>
      tpu.enqueue_indirect_dma source(%dma_start3A_25 : memref<10000x128xf32, #tpu.memory_space<hbm>>) target(%arg11 : memref<128x128xf32, #tpu.memory_space<vmem>>) offsets(%dma_start3A_22 : memref<128xi32, #tpu.memory_space<vmem>>) semaphore(%arg13 : memref<!tpu.dma_semaphore, #tpu.memory_space<semaphore_mem>>)
      %dma_start3A_26 = arith.constant 1 : i32
      %dma_start3A_27 = arith.constant 0 : i32
      %dma_start3A_28 = tpu.memref_slice %arg8[%dma_start3A_26, %dma_start3A_27] : memref<40x128xi32, #tpu.memory_space<vmem>> -> memref<1x128xi32, #tpu.memory_space<vmem>>
      %dma_start3A_29 = tpu.memref_squeeze %dma_start3A_28 : memref<1x128xi32, #tpu.memory_space<vmem>> -> memref<128xi32, #tpu.memory_space<vmem>>
      %dma_start3A_30 = arith.constant 0 : i32
      %dma_start3A_31 = arith.constant 0 : i32
      %dma_start3A_32 = tpu.memref_slice %arg3[%dma_start3A_30, %dma_start3A_31] : memref<10000x128xf32, #tpu.memory_space<hbm>> -> memref<10000x128xf32, #tpu.memory_space<hbm>>
      tpu.enqueue_indirect_dma source(%dma_start3A_32 : memref<10000x128xf32, #tpu.memory_space<hbm>>) target(%arg12 : memref<128x128xf32, #tpu.memory_space<vmem>>) offsets(%dma_start3A_29 : memref<128xi32, #tpu.memory_space<vmem>>) semaphore(%arg14 : memref<!tpu.dma_semaphore, #tpu.memory_space<semaphore_mem>>)
      %scan3A = arith.constant 0 : i32
      %scan3A_33 = arith.constant 20 : i32
      %scan3A_34 = arith.addi %scan3A, %scan3A_33 : i32
      %scan3A_35 = arith.constant 1 : i32
      scf.for %scan3A_71 = %scan3A to %scan3A_34 step %scan3A_35  : i32 {
        %mul3A_72 = arith.constant 2 : i32
        %mul3A_73 = arith.muli %scan3A_71, %mul3A_72 : i32
        %add3A_74 = arith.constant 0 : i32
        %add3A_75 = arith.addi %add3A_74, %mul3A_73 : i32
        %add3A_76 = arith.constant 0 : i32
        %add3A_77 = arith.addi %add3A_75, %add3A_76 : i32
        %dma_wait3A = arith.constant 0 : i32
        %dma_wait3A_78 = tpu.memref_slice %arg8[%add3A_77, %dma_wait3A] : memref<40x128xi32, #tpu.memory_space<vmem>> -> memref<1x128xi32, #tpu.memory_space<vmem>>
        %dma_wait3A_79 = tpu.memref_squeeze %dma_wait3A_78 : memref<1x128xi32, #tpu.memory_space<vmem>> -> memref<128xi32, #tpu.memory_space<vmem>>
        %dma_wait3A_80 = arith.constant 0 : i32
        %dma_wait3A_81 = arith.constant 0 : i32
        %dma_wait3A_82 = tpu.memref_slice %arg3[%dma_wait3A_80, %dma_wait3A_81] : memref<10000x128xf32, #tpu.memory_space<hbm>> -> memref<10000x128xf32, #tpu.memory_space<hbm>>
        tpu.wait_indirect_dma semaphore(%arg13 : memref<!tpu.dma_semaphore, #tpu.memory_space<semaphore_mem>>) src(%dma_wait3A_82 : memref<10000x128xf32, #tpu.memory_space<hbm>>) dst(%arg11 : memref<128x128xf32, #tpu.memory_space<vmem>>)
        "tpu.region"() ({
          %run_scoped3A = tpu.sem_alloc : memref<!tpu.dma_semaphore, #tpu.memory_space<semaphore_mem>>
          %dma_start3A_105 = arith.constant 0 : i32
          %dma_start3A_106 = tpu.memref_slice %arg9[%add3A_77, %dma_start3A_105] : memref<40x128xi32, #tpu.memory_space<vmem>> -> memref<1x128xi32, #tpu.memory_space<vmem>>
          %dma_start3A_107 = tpu.memref_squeeze %dma_start3A_106 : memref<1x128xi32, #tpu.memory_space<vmem>> -> memref<128xi32, #tpu.memory_space<vmem>>
          %dma_start3A_108 = arith.constant 0 : i32
          %dma_start3A_109 = arith.constant 0 : i32
          %dma_start3A_110 = tpu.memref_slice %arg10[%dma_start3A_108, %dma_start3A_109] : memref<10240x128xf32, #tpu.memory_space<vmem_shared>> -> memref<10240x128xf32, #tpu.memory_space<vmem_shared>>
          tpu.enqueue_indirect_dma source(%arg11 : memref<128x128xf32, #tpu.memory_space<vmem>>) target(%dma_start3A_110 : memref<10240x128xf32, #tpu.memory_space<vmem_shared>>) offsets(%dma_start3A_107 : memref<128xi32, #tpu.memory_space<vmem>>) semaphore(%run_scoped3A : memref<!tpu.dma_semaphore, #tpu.memory_space<semaphore_mem>>) {add = true}
          %dma_wait3A_111 = arith.constant 0 : i32
          %dma_wait3A_112 = tpu.memref_slice %arg9[%add3A_77, %dma_wait3A_111] : memref<40x128xi32, #tpu.memory_space<vmem>> -> memref<1x128xi32, #tpu.memory_space<vmem>>
          %dma_wait3A_113 = tpu.memref_squeeze %dma_wait3A_112 : memref<1x128xi32, #tpu.memory_space<vmem>> -> memref<128xi32, #tpu.memory_space<vmem>>
          %dma_wait3A_114 = arith.constant 0 : i32
          %dma_wait3A_115 = arith.constant 0 : i32
          %dma_wait3A_116 = tpu.memref_slice %arg10[%dma_wait3A_114, %dma_wait3A_115] : memref<10240x128xf32, #tpu.memory_space<vmem_shared>> -> memref<10240x128xf32, #tpu.memory_space<vmem_shared>>
          tpu.wait_indirect_dma semaphore(%run_scoped3A : memref<!tpu.dma_semaphore, #tpu.memory_space<semaphore_mem>>) src(%arg11 : memref<128x128xf32, #tpu.memory_space<vmem>>) dst(%dma_wait3A_116 : memref<10240x128xf32, #tpu.memory_space<vmem_shared>>)
          tpu.yield
        }) : () -> ()
        %add3A_83 = arith.constant 2 : i32
        %add3A_84 = arith.addi %add3A_77, %add3A_83 : i32
        %lt3A_85 = arith.constant 40 : i32
        %lt3A_86 = arith.cmpi slt, %add3A_84, %lt3A_85 : i32
        %convert_element_type3A_87 = arith.extui %lt3A_86 : i1 to i32
        %cond3A_88 = arith.constant 0 : i32
        %cond3A_89 = arith.cmpi ne, %convert_element_type3A_87, %cond3A_88 : i32
        scf.if %cond3A_89 {
          %add3A_105 = arith.constant 2 : i32
          %add3A_106 = arith.addi %add3A_77, %add3A_105 : i32
          %dma_start3A_107 = arith.constant 0 : i32
          %dma_start3A_108 = tpu.memref_slice %arg8[%add3A_106, %dma_start3A_107] : memref<40x128xi32, #tpu.memory_space<vmem>> -> memref<1x128xi32, #tpu.memory_space<vmem>>
          %dma_start3A_109 = tpu.memref_squeeze %dma_start3A_108 : memref<1x128xi32, #tpu.memory_space<vmem>> -> memref<128xi32, #tpu.memory_space<vmem>>
          %dma_start3A_110 = arith.constant 0 : i32
          %dma_start3A_111 = arith.constant 0 : i32
          %dma_start3A_112 = tpu.memref_slice %arg3[%dma_start3A_110, %dma_start3A_111] : memref<10000x128xf32, #tpu.memory_space<hbm>> -> memref<10000x128xf32, #tpu.memory_space<hbm>>
          tpu.enqueue_indirect_dma source(%dma_start3A_112 : memref<10000x128xf32, #tpu.memory_space<hbm>>) target(%arg11 : memref<128x128xf32, #tpu.memory_space<vmem>>) offsets(%dma_start3A_109 : memref<128xi32, #tpu.memory_space<vmem>>) semaphore(%arg13 : memref<!tpu.dma_semaphore, #tpu.memory_space<semaphore_mem>>)
        } else {
        }
        %add3A_90 = arith.constant 1 : i32
        %add3A_91 = arith.addi %add3A_75, %add3A_90 : i32
        %dma_wait3A_92 = arith.constant 0 : i32
        %dma_wait3A_93 = tpu.memref_slice %arg8[%add3A_91, %dma_wait3A_92] : memref<40x128xi32, #tpu.memory_space<vmem>> -> memref<1x128xi32, #tpu.memory_space<vmem>>
        %dma_wait3A_94 = tpu.memref_squeeze %dma_wait3A_93 : memref<1x128xi32, #tpu.memory_space<vmem>> -> memref<128xi32, #tpu.memory_space<vmem>>
        %dma_wait3A_95 = arith.constant 0 : i32
        %dma_wait3A_96 = arith.constant 0 : i32
        %dma_wait3A_97 = tpu.memref_slice %arg3[%dma_wait3A_95, %dma_wait3A_96] : memref<10000x128xf32, #tpu.memory_space<hbm>> -> memref<10000x128xf32, #tpu.memory_space<hbm>>
        tpu.wait_indirect_dma semaphore(%arg14 : memref<!tpu.dma_semaphore, #tpu.memory_space<semaphore_mem>>) src(%dma_wait3A_97 : memref<10000x128xf32, #tpu.memory_space<hbm>>) dst(%arg12 : memref<128x128xf32, #tpu.memory_space<vmem>>)
        "tpu.region"() ({
          %run_scoped3A = tpu.sem_alloc : memref<!tpu.dma_semaphore, #tpu.memory_space<semaphore_mem>>
          %dma_start3A_105 = arith.constant 0 : i32
          %dma_start3A_106 = tpu.memref_slice %arg9[%add3A_91, %dma_start3A_105] : memref<40x128xi32, #tpu.memory_space<vmem>> -> memref<1x128xi32, #tpu.memory_space<vmem>>
          %dma_start3A_107 = tpu.memref_squeeze %dma_start3A_106 : memref<1x128xi32, #tpu.memory_space<vmem>> -> memref<128xi32, #tpu.memory_space<vmem>>
          %dma_start3A_108 = arith.constant 0 : i32
          %dma_start3A_109 = arith.constant 0 : i32
          %dma_start3A_110 = tpu.memref_slice %arg10[%dma_start3A_108, %dma_start3A_109] : memref<10240x128xf32, #tpu.memory_space<vmem_shared>> -> memref<10240x128xf32, #tpu.memory_space<vmem_shared>>
          tpu.enqueue_indirect_dma source(%arg12 : memref<128x128xf32, #tpu.memory_space<vmem>>) target(%dma_start3A_110 : memref<10240x128xf32, #tpu.memory_space<vmem_shared>>) offsets(%dma_start3A_107 : memref<128xi32, #tpu.memory_space<vmem>>) semaphore(%run_scoped3A : memref<!tpu.dma_semaphore, #tpu.memory_space<semaphore_mem>>) {add = true}
          %dma_wait3A_111 = arith.constant 0 : i32
          %dma_wait3A_112 = tpu.memref_slice %arg9[%add3A_91, %dma_wait3A_111] : memref<40x128xi32, #tpu.memory_space<vmem>> -> memref<1x128xi32, #tpu.memory_space<vmem>>
          %dma_wait3A_113 = tpu.memref_squeeze %dma_wait3A_112 : memref<1x128xi32, #tpu.memory_space<vmem>> -> memref<128xi32, #tpu.memory_space<vmem>>
          %dma_wait3A_114 = arith.constant 0 : i32
          %dma_wait3A_115 = arith.constant 0 : i32
          %dma_wait3A_116 = tpu.memref_slice %arg10[%dma_wait3A_114, %dma_wait3A_115] : memref<10240x128xf32, #tpu.memory_space<vmem_shared>> -> memref<10240x128xf32, #tpu.memory_space<vmem_shared>>
          tpu.wait_indirect_dma semaphore(%run_scoped3A : memref<!tpu.dma_semaphore, #tpu.memory_space<semaphore_mem>>) src(%arg12 : memref<128x128xf32, #tpu.memory_space<vmem>>) dst(%dma_wait3A_116 : memref<10240x128xf32, #tpu.memory_space<vmem_shared>>)
          tpu.yield
        }) : () -> ()
        %add3A_98 = arith.constant 2 : i32
        %add3A_99 = arith.addi %add3A_91, %add3A_98 : i32
        %lt3A_100 = arith.constant 40 : i32
        %lt3A_101 = arith.cmpi slt, %add3A_99, %lt3A_100 : i32
        %convert_element_type3A_102 = arith.extui %lt3A_101 : i1 to i32
        %cond3A_103 = arith.constant 0 : i32
        %cond3A_104 = arith.cmpi ne, %convert_element_type3A_102, %cond3A_103 : i32
        scf.if %cond3A_104 {
          %add3A_105 = arith.constant 2 : i32
          %add3A_106 = arith.addi %add3A_91, %add3A_105 : i32
          %dma_start3A_107 = arith.constant 0 : i32
          %dma_start3A_108 = tpu.memref_slice %arg8[%add3A_106, %dma_start3A_107] : memref<40x128xi32, #tpu.memory_space<vmem>> -> memref<1x128xi32, #tpu.memory_space<vmem>>
          %dma_start3A_109 = tpu.memref_squeeze %dma_start3A_108 : memref<1x128xi32, #tpu.memory_space<vmem>> -> memref<128xi32, #tpu.memory_space<vmem>>
          %dma_start3A_110 = arith.constant 0 : i32
          %dma_start3A_111 = arith.constant 0 : i32
          %dma_start3A_112 = tpu.memref_slice %arg3[%dma_start3A_110, %dma_start3A_111] : memref<10000x128xf32, #tpu.memory_space<hbm>> -> memref<10000x128xf32, #tpu.memory_space<hbm>>
          tpu.enqueue_indirect_dma source(%dma_start3A_112 : memref<10000x128xf32, #tpu.memory_space<hbm>>) target(%arg12 : memref<128x128xf32, #tpu.memory_space<vmem>>) offsets(%dma_start3A_109 : memref<128xi32, #tpu.memory_space<vmem>>) semaphore(%arg14 : memref<!tpu.dma_semaphore, #tpu.memory_space<semaphore_mem>>)
        } else {
        }
      }
      %scan3A_36 = arith.constant 20 : i32
      %mul3A_37 = arith.constant 80 : i32
      %mul3A_38 = arith.muli %arg1, %mul3A_37 : i32
      %add3A_39 = arith.constant 40 : i32
      %add3A_40 = arith.addi %mul3A_38, %add3A_39 : i32
      "tpu.region"() ({
        %run_scoped3A = tpu.sem_alloc : memref<!tpu.dma_semaphore, #tpu.memory_space<semaphore_mem>>
        %dma_start3A_71 = arith.constant 0 : i32
        %dma_start3A_72 = tpu.memref_slice %arg4[%add3A_40, %dma_start3A_71] : memref<1280x128xi32, #tpu.memory_space<hbm>> -> memref<40x128xi32, #tpu.memory_space<hbm>>
        %dma_start3A_73 = arith.constant 0 : i32
        %dma_start3A_74 = tpu.memref_slice %arg4[%add3A_40, %dma_start3A_73] : memref<1280x128xi32, #tpu.memory_space<hbm>> -> memref<40x128xi32, #tpu.memory_space<hbm>>
        tpu.enqueue_dma source(%dma_start3A_74 : memref<40x128xi32, #tpu.memory_space<hbm>>) target(%arg8 : memref<40x128xi32, #tpu.memory_space<vmem>>) target_semaphore(%run_scoped3A : memref<!tpu.dma_semaphore, #tpu.memory_space<semaphore_mem>>)
        %dma_wait3A = arith.constant 0 : i32
        %dma_wait3A_75 = tpu.memref_slice %arg4[%add3A_40, %dma_wait3A] : memref<1280x128xi32, #tpu.memory_space<hbm>> -> memref<40x128xi32, #tpu.memory_space<hbm>>
        %dma_wait3A_76 = arith.constant 0 : i32
        %dma_wait3A_77 = tpu.memref_slice %arg4[%add3A_40, %dma_wait3A_76] : memref<1280x128xi32, #tpu.memory_space<hbm>> -> memref<40x128xi32, #tpu.memory_space<hbm>>
        tpu.wait_dma2 semaphore(%run_scoped3A : memref<!tpu.dma_semaphore, #tpu.memory_space<semaphore_mem>>) src(%dma_wait3A_77 : memref<40x128xi32, #tpu.memory_space<hbm>>) dst(%arg8 : memref<40x128xi32, #tpu.memory_space<vmem>>)
        tpu.yield
      }) : () -> ()
      "tpu.region"() ({
        %run_scoped3A = tpu.sem_alloc : memref<!tpu.dma_semaphore, #tpu.memory_space<semaphore_mem>>
        %dma_start3A_71 = arith.constant 0 : i32
        %dma_start3A_72 = tpu.memref_slice %arg5[%add3A_40, %dma_start3A_71] : memref<1280x128xi32, #tpu.memory_space<hbm>> -> memref<40x128xi32, #tpu.memory_space<hbm>>
        %dma_start3A_73 = arith.constant 0 : i32
        %dma_start3A_74 = tpu.memref_slice %arg5[%add3A_40, %dma_start3A_73] : memref<1280x128xi32, #tpu.memory_space<hbm>> -> memref<40x128xi32, #tpu.memory_space<hbm>>
        tpu.enqueue_dma source(%dma_start3A_74 : memref<40x128xi32, #tpu.memory_space<hbm>>) target(%arg9 : memref<40x128xi32, #tpu.memory_space<vmem>>) target_semaphore(%run_scoped3A : memref<!tpu.dma_semaphore, #tpu.memory_space<semaphore_mem>>)
        %dma_wait3A = arith.constant 0 : i32
        %dma_wait3A_75 = tpu.memref_slice %arg5[%add3A_40, %dma_wait3A] : memref<1280x128xi32, #tpu.memory_space<hbm>> -> memref<40x128xi32, #tpu.memory_space<hbm>>
        %dma_wait3A_76 = arith.constant 0 : i32
        %dma_wait3A_77 = tpu.memref_slice %arg5[%add3A_40, %dma_wait3A_76] : memref<1280x128xi32, #tpu.memory_space<hbm>> -> memref<40x128xi32, #tpu.memory_space<hbm>>
        tpu.wait_dma2 semaphore(%run_scoped3A : memref<!tpu.dma_semaphore, #tpu.memory_space<semaphore_mem>>) src(%dma_wait3A_77 : memref<40x128xi32, #tpu.memory_space<hbm>>) dst(%arg9 : memref<40x128xi32, #tpu.memory_space<vmem>>)
        tpu.yield
      }) : () -> ()
      %dma_start3A_41 = arith.constant 0 : i32
      %dma_start3A_42 = arith.constant 0 : i32
      %dma_start3A_43 = tpu.memref_slice %arg8[%dma_start3A_41, %dma_start3A_42] : memref<40x128xi32, #tpu.memory_space<vmem>> -> memref<1x128xi32, #tpu.memory_space<vmem>>
      %dma_start3A_44 = tpu.memref_squeeze %dma_start3A_43 : memref<1x128xi32, #tpu.memory_space<vmem>> -> memref<128xi32, #tpu.memory_space<vmem>>
      %dma_start3A_45 = arith.constant 0 : i32
      %dma_start3A_46 = arith.constant 0 : i32
      %dma_start3A_47 = tpu.memref_slice %arg3[%dma_start3A_45, %dma_start3A_46] : memref<10000x128xf32, #tpu.memory_space<hbm>> -> memref<10000x128xf32, #tpu.memory_space<hbm>>
      tpu.enqueue_indirect_dma source(%dma_start3A_47 : memref<10000x128xf32, #tpu.memory_space<hbm>>) target(%arg11 : memref<128x128xf32, #tpu.memory_space<vmem>>) offsets(%dma_start3A_44 : memref<128xi32, #tpu.memory_space<vmem>>) semaphore(%arg13 : memref<!tpu.dma_semaphore, #tpu.memory_space<semaphore_mem>>)
      %dma_start3A_48 = arith.constant 1 : i32
      %dma_start3A_49 = arith.constant 0 : i32
      %dma_start3A_50 = tpu.memref_slice %arg8[%dma_start3A_48, %dma_start3A_49] : memref<40x128xi32, #tpu.memory_space<vmem>> -> memref<1x128xi32, #tpu.memory_space<vmem>>
      %dma_start3A_51 = tpu.memref_squeeze %dma_start3A_50 : memref<1x128xi32, #tpu.memory_space<vmem>> -> memref<128xi32, #tpu.memory_space<vmem>>
      %dma_start3A_52 = arith.constant 0 : i32
      %dma_start3A_53 = arith.constant 0 : i32
      %dma_start3A_54 = tpu.memref_slice %arg3[%dma_start3A_52, %dma_start3A_53] : memref<10000x128xf32, #tpu.memory_space<hbm>> -> memref<10000x128xf32, #tpu.memory_space<hbm>>
      tpu.enqueue_indirect_dma source(%dma_start3A_54 : memref<10000x128xf32, #tpu.memory_space<hbm>>) target(%arg12 : memref<128x128xf32, #tpu.memory_space<vmem>>) offsets(%dma_start3A_51 : memref<128xi32, #tpu.memory_space<vmem>>) semaphore(%arg14 : memref<!tpu.dma_semaphore, #tpu.memory_space<semaphore_mem>>)
      %scan3A_55 = arith.constant 0 : i32
      %scan3A_56 = arith.constant 20 : i32
      %scan3A_57 = arith.addi %scan3A_55, %scan3A_56 : i32
      %scan3A_58 = arith.constant 1 : i32
      scf.for %scan3A_71 = %scan3A_55 to %scan3A_57 step %scan3A_58  : i32 {
        %mul3A_72 = arith.constant 2 : i32
        %mul3A_73 = arith.muli %scan3A_71, %mul3A_72 : i32
        %add3A_74 = arith.constant 0 : i32
        %add3A_75 = arith.addi %add3A_74, %mul3A_73 : i32
        %add3A_76 = arith.constant 0 : i32
        %add3A_77 = arith.addi %add3A_75, %add3A_76 : i32
        %dma_wait3A = arith.constant 0 : i32
        %dma_wait3A_78 = tpu.memref_slice %arg8[%add3A_77, %dma_wait3A] : memref<40x128xi32, #tpu.memory_space<vmem>> -> memref<1x128xi32, #tpu.memory_space<vmem>>
        %dma_wait3A_79 = tpu.memref_squeeze %dma_wait3A_78 : memref<1x128xi32, #tpu.memory_space<vmem>> -> memref<128xi32, #tpu.memory_space<vmem>>
        %dma_wait3A_80 = arith.constant 0 : i32
        %dma_wait3A_81 = arith.constant 0 : i32
        %dma_wait3A_82 = tpu.memref_slice %arg3[%dma_wait3A_80, %dma_wait3A_81] : memref<10000x128xf32, #tpu.memory_space<hbm>> -> memref<10000x128xf32, #tpu.memory_space<hbm>>
        tpu.wait_indirect_dma semaphore(%arg13 : memref<!tpu.dma_semaphore, #tpu.memory_space<semaphore_mem>>) src(%dma_wait3A_82 : memref<10000x128xf32, #tpu.memory_space<hbm>>) dst(%arg11 : memref<128x128xf32, #tpu.memory_space<vmem>>)
        "tpu.region"() ({
          %run_scoped3A = tpu.sem_alloc : memref<!tpu.dma_semaphore, #tpu.memory_space<semaphore_mem>>
          %dma_start3A_105 = arith.constant 0 : i32
          %dma_start3A_106 = tpu.memref_slice %arg9[%add3A_77, %dma_start3A_105] : memref<40x128xi32, #tpu.memory_space<vmem>> -> memref<1x128xi32, #tpu.memory_space<vmem>>
          %dma_start3A_107 = tpu.memref_squeeze %dma_start3A_106 : memref<1x128xi32, #tpu.memory_space<vmem>> -> memref<128xi32, #tpu.memory_space<vmem>>
          %dma_start3A_108 = arith.constant 0 : i32
          %dma_start3A_109 = arith.constant 0 : i32
          %dma_start3A_110 = tpu.memref_slice %arg10[%dma_start3A_108, %dma_start3A_109] : memref<10240x128xf32, #tpu.memory_space<vmem_shared>> -> memref<10240x128xf32, #tpu.memory_space<vmem_shared>>
          tpu.enqueue_indirect_dma source(%arg11 : memref<128x128xf32, #tpu.memory_space<vmem>>) target(%dma_start3A_110 : memref<10240x128xf32, #tpu.memory_space<vmem_shared>>) offsets(%dma_start3A_107 : memref<128xi32, #tpu.memory_space<vmem>>) semaphore(%run_scoped3A : memref<!tpu.dma_semaphore, #tpu.memory_space<semaphore_mem>>) {add = true}
          %dma_wait3A_111 = arith.constant 0 : i32
          %dma_wait3A_112 = tpu.memref_slice %arg9[%add3A_77, %dma_wait3A_111] : memref<40x128xi32, #tpu.memory_space<vmem>> -> memref<1x128xi32, #tpu.memory_space<vmem>>
          %dma_wait3A_113 = tpu.memref_squeeze %dma_wait3A_112 : memref<1x128xi32, #tpu.memory_space<vmem>> -> memref<128xi32, #tpu.memory_space<vmem>>
          %dma_wait3A_114 = arith.constant 0 : i32
          %dma_wait3A_115 = arith.constant 0 : i32
          %dma_wait3A_116 = tpu.memref_slice %arg10[%dma_wait3A_114, %dma_wait3A_115] : memref<10240x128xf32, #tpu.memory_space<vmem_shared>> -> memref<10240x128xf32, #tpu.memory_space<vmem_shared>>
          tpu.wait_indirect_dma semaphore(%run_scoped3A : memref<!tpu.dma_semaphore, #tpu.memory_space<semaphore_mem>>) src(%arg11 : memref<128x128xf32, #tpu.memory_space<vmem>>) dst(%dma_wait3A_116 : memref<10240x128xf32, #tpu.memory_space<vmem_shared>>)
          tpu.yield
        }) : () -> ()
        %add3A_83 = arith.constant 2 : i32
        %add3A_84 = arith.addi %add3A_77, %add3A_83 : i32
        %lt3A_85 = arith.constant 40 : i32
        %lt3A_86 = arith.cmpi slt, %add3A_84, %lt3A_85 : i32
        %convert_element_type3A_87 = arith.extui %lt3A_86 : i1 to i32
        %cond3A_88 = arith.constant 0 : i32
        %cond3A_89 = arith.cmpi ne, %convert_element_type3A_87, %cond3A_88 : i32
        scf.if %cond3A_89 {
          %add3A_105 = arith.constant 2 : i32
          %add3A_106 = arith.addi %add3A_77, %add3A_105 : i32
          %dma_start3A_107 = arith.constant 0 : i32
          %dma_start3A_108 = tpu.memref_slice %arg8[%add3A_106, %dma_start3A_107] : memref<40x128xi32, #tpu.memory_space<vmem>> -> memref<1x128xi32, #tpu.memory_space<vmem>>
          %dma_start3A_109 = tpu.memref_squeeze %dma_start3A_108 : memref<1x128xi32, #tpu.memory_space<vmem>> -> memref<128xi32, #tpu.memory_space<vmem>>
          %dma_start3A_110 = arith.constant 0 : i32
          %dma_start3A_111 = arith.constant 0 : i32
          %dma_start3A_112 = tpu.memref_slice %arg3[%dma_start3A_110, %dma_start3A_111] : memref<10000x128xf32, #tpu.memory_space<hbm>> -> memref<10000x128xf32, #tpu.memory_space<hbm>>
          tpu.enqueue_indirect_dma source(%dma_start3A_112 : memref<10000x128xf32, #tpu.memory_space<hbm>>) target(%arg11 : memref<128x128xf32, #tpu.memory_space<vmem>>) offsets(%dma_start3A_109 : memref<128xi32, #tpu.memory_space<vmem>>) semaphore(%arg13 : memref<!tpu.dma_semaphore, #tpu.memory_space<semaphore_mem>>)
        } else {
        }
        %add3A_90 = arith.constant 1 : i32
        %add3A_91 = arith.addi %add3A_75, %add3A_90 : i32
        %dma_wait3A_92 = arith.constant 0 : i32
        %dma_wait3A_93 = tpu.memref_slice %arg8[%add3A_91, %dma_wait3A_92] : memref<40x128xi32, #tpu.memory_space<vmem>> -> memref<1x128xi32, #tpu.memory_space<vmem>>
        %dma_wait3A_94 = tpu.memref_squeeze %dma_wait3A_93 : memref<1x128xi32, #tpu.memory_space<vmem>> -> memref<128xi32, #tpu.memory_space<vmem>>
        %dma_wait3A_95 = arith.constant 0 : i32
        %dma_wait3A_96 = arith.constant 0 : i32
        %dma_wait3A_97 = tpu.memref_slice %arg3[%dma_wait3A_95, %dma_wait3A_96] : memref<10000x128xf32, #tpu.memory_space<hbm>> -> memref<10000x128xf32, #tpu.memory_space<hbm>>
        tpu.wait_indirect_dma semaphore(%arg14 : memref<!tpu.dma_semaphore, #tpu.memory_space<semaphore_mem>>) src(%dma_wait3A_97 : memref<10000x128xf32, #tpu.memory_space<hbm>>) dst(%arg12 : memref<128x128xf32, #tpu.memory_space<vmem>>)
        "tpu.region"() ({
          %run_scoped3A = tpu.sem_alloc : memref<!tpu.dma_semaphore, #tpu.memory_space<semaphore_mem>>
          %dma_start3A_105 = arith.constant 0 : i32
          %dma_start3A_106 = tpu.memref_slice %arg9[%add3A_91, %dma_start3A_105] : memref<40x128xi32, #tpu.memory_space<vmem>> -> memref<1x128xi32, #tpu.memory_space<vmem>>
          %dma_start3A_107 = tpu.memref_squeeze %dma_start3A_106 : memref<1x128xi32, #tpu.memory_space<vmem>> -> memref<128xi32, #tpu.memory_space<vmem>>
          %dma_start3A_108 = arith.constant 0 : i32
          %dma_start3A_109 = arith.constant 0 : i32
          %dma_start3A_110 = tpu.memref_slice %arg10[%dma_start3A_108, %dma_start3A_109] : memref<10240x128xf32, #tpu.memory_space<vmem_shared>> -> memref<10240x128xf32, #tpu.memory_space<vmem_shared>>
          tpu.enqueue_indirect_dma source(%arg12 : memref<128x128xf32, #tpu.memory_space<vmem>>) target(%dma_start3A_110 : memref<10240x128xf32, #tpu.memory_space<vmem_shared>>) offsets(%dma_start3A_107 : memref<128xi32, #tpu.memory_space<vmem>>) semaphore(%run_scoped3A : memref<!tpu.dma_semaphore, #tpu.memory_space<semaphore_mem>>) {add = true}
          %dma_wait3A_111 = arith.constant 0 : i32
          %dma_wait3A_112 = tpu.memref_slice %arg9[%add3A_91, %dma_wait3A_111] : memref<40x128xi32, #tpu.memory_space<vmem>> -> memref<1x128xi32, #tpu.memory_space<vmem>>
          %dma_wait3A_113 = tpu.memref_squeeze %dma_wait3A_112 : memref<1x128xi32, #tpu.memory_space<vmem>> -> memref<128xi32, #tpu.memory_space<vmem>>
          %dma_wait3A_114 = arith.constant 0 : i32
          %dma_wait3A_115 = arith.constant 0 : i32
          %dma_wait3A_116 = tpu.memref_slice %arg10[%dma_wait3A_114, %dma_wait3A_115] : memref<10240x128xf32, #tpu.memory_space<vmem_shared>> -> memref<10240x128xf32, #tpu.memory_space<vmem_shared>>
          tpu.wait_indirect_dma semaphore(%run_scoped3A : memref<!tpu.dma_semaphore, #tpu.memory_space<semaphore_mem>>) src(%arg12 : memref<128x128xf32, #tpu.memory_space<vmem>>) dst(%dma_wait3A_116 : memref<10240x128xf32, #tpu.memory_space<vmem_shared>>)
          tpu.yield
        }) : () -> ()
        %add3A_98 = arith.constant 2 : i32
        %add3A_99 = arith.addi %add3A_91, %add3A_98 : i32
        %lt3A_100 = arith.constant 40 : i32
        %lt3A_101 = arith.cmpi slt, %add3A_99, %lt3A_100 : i32
        %convert_element_type3A_102 = arith.extui %lt3A_101 : i1 to i32
        %cond3A_103 = arith.constant 0 : i32
        %cond3A_104 = arith.cmpi ne, %convert_element_type3A_102, %cond3A_103 : i32
        scf.if %cond3A_104 {
          %add3A_105 = arith.constant 2 : i32
          %add3A_106 = arith.addi %add3A_91, %add3A_105 : i32
          %dma_start3A_107 = arith.constant 0 : i32
          %dma_start3A_108 = tpu.memref_slice %arg8[%add3A_106, %dma_start3A_107] : memref<40x128xi32, #tpu.memory_space<vmem>> -> memref<1x128xi32, #tpu.memory_space<vmem>>
          %dma_start3A_109 = tpu.memref_squeeze %dma_start3A_108 : memref<1x128xi32, #tpu.memory_space<vmem>> -> memref<128xi32, #tpu.memory_space<vmem>>
          %dma_start3A_110 = arith.constant 0 : i32
          %dma_start3A_111 = arith.constant 0 : i32
          %dma_start3A_112 = tpu.memref_slice %arg3[%dma_start3A_110, %dma_start3A_111] : memref<10000x128xf32, #tpu.memory_space<hbm>> -> memref<10000x128xf32, #tpu.memory_space<hbm>>
          tpu.enqueue_indirect_dma source(%dma_start3A_112 : memref<10000x128xf32, #tpu.memory_space<hbm>>) target(%arg12 : memref<128x128xf32, #tpu.memory_space<vmem>>) offsets(%dma_start3A_109 : memref<128xi32, #tpu.memory_space<vmem>>) semaphore(%arg14 : memref<!tpu.dma_semaphore, #tpu.memory_space<semaphore_mem>>)
        } else {
        }
      }
      %scan3A_59 = arith.constant 20 : i32
      %barrier3A_60 = arith.constant 0 : index
      tpu.barrier barrier_id(%barrier3A_60)
      %lt3A_61 = arith.constant 15 : i32
      %lt3A_62 = arith.cmpi slt, %arg1, %lt3A_61 : i32
      %convert_element_type3A_63 = arith.extui %lt3A_62 : i1 to i32
      %cond3A_64 = arith.constant 0 : i32
      %cond3A_65 = arith.cmpi ne, %convert_element_type3A_63, %cond3A_64 : i32
      scf.if %cond3A_65 {
        "tpu.region"() ({
          %run_scoped3A = tpu.sem_alloc : memref<!tpu.dma_semaphore, #tpu.memory_space<semaphore_mem>>
          %dma_start3A_71 = arith.constant 0 : i32
          %dma_start3A_72 = tpu.memref_slice %arg7[%mul3A_0, %dma_start3A_71] : memref<10000x128xf32, #tpu.memory_space<hbm>> -> memref<640x128xf32, #tpu.memory_space<hbm>>
          %dma_start3A_73 = arith.constant 0 : i32
          %dma_start3A_74 = tpu.memref_slice %arg10[%mul3A_0, %dma_start3A_73] : memref<10240x128xf32, #tpu.memory_space<vmem_shared>> -> memref<640x128xf32, #tpu.memory_space<vmem_shared>>
          tpu.enqueue_dma source(%dma_start3A_74 : memref<640x128xf32, #tpu.memory_space<vmem_shared>>) target(%dma_start3A_72 : memref<640x128xf32, #tpu.memory_space<hbm>>) target_semaphore(%run_scoped3A : memref<!tpu.dma_semaphore, #tpu.memory_space<semaphore_mem>>)
          %dma_wait3A = arith.constant 0 : i32
          %dma_wait3A_75 = tpu.memref_slice %arg7[%mul3A_0, %dma_wait3A] : memref<10000x128xf32, #tpu.memory_space<hbm>> -> memref<640x128xf32, #tpu.memory_space<hbm>>
          %dma_wait3A_76 = arith.constant 0 : i32
          %dma_wait3A_77 = tpu.memref_slice %arg10[%mul3A_0, %dma_wait3A_76] : memref<10240x128xf32, #tpu.memory_space<vmem_shared>> -> memref<640x128xf32, #tpu.memory_space<vmem_shared>>
          tpu.wait_dma2 semaphore(%run_scoped3A : memref<!tpu.dma_semaphore, #tpu.memory_space<semaphore_mem>>) src(%dma_wait3A_77 : memref<640x128xf32, #tpu.memory_space<vmem_shared>>) dst(%dma_wait3A_75 : memref<640x128xf32, #tpu.memory_space<hbm>>)
          tpu.yield
        }) : () -> ()
      } else {
      }
      %eq3A_66 = arith.constant 15 : i32
      %eq3A_67 = arith.cmpi eq, %arg1, %eq3A_66 : i32
      %convert_element_type3A_68 = arith.extui %eq3A_67 : i1 to i32
      %cond3A_69 = arith.constant 0 : i32
      %cond3A_70 = arith.cmpi ne, %convert_element_type3A_68, %cond3A_69 : i32
      scf.if %cond3A_70 {
        "tpu.region"() ({
          %run_scoped3A = tpu.sem_alloc : memref<!tpu.dma_semaphore, #tpu.memory_space<semaphore_mem>>
          %dma_start3A_71 = arith.constant 0 : i32
          %dma_start3A_72 = tpu.memref_slice %arg7[%mul3A_0, %dma_start3A_71] : memref<10000x128xf32, #tpu.memory_space<hbm>> -> memref<400x128xf32, #tpu.memory_space<hbm>>
          %dma_start3A_73 = arith.constant 0 : i32
          %dma_start3A_74 = tpu.memref_slice %arg10[%mul3A_0, %dma_start3A_73] : memref<10240x128xf32, #tpu.memory_space<vmem_shared>> -> memref<400x128xf32, #tpu.memory_space<vmem_shared>>
          tpu.enqueue_dma source(%dma_start3A_74 : memref<400x128xf32, #tpu.memory_space<vmem_shared>>) target(%dma_start3A_72 : memref<400x128xf32, #tpu.memory_space<hbm>>) target_semaphore(%run_scoped3A : memref<!tpu.dma_semaphore, #tpu.memory_space<semaphore_mem>>)
          %dma_wait3A = arith.constant 0 : i32
          %dma_wait3A_75 = tpu.memref_slice %arg7[%mul3A_0, %dma_wait3A] : memref<10000x128xf32, #tpu.memory_space<hbm>> -> memref<400x128xf32, #tpu.memory_space<hbm>>
          %dma_wait3A_76 = arith.constant 0 : i32
          %dma_wait3A_77 = tpu.memref_slice %arg10[%mul3A_0, %dma_wait3A_76] : memref<10240x128xf32, #tpu.memory_space<vmem_shared>> -> memref<400x128xf32, #tpu.memory_space<vmem_shared>>
          tpu.wait_dma2 semaphore(%run_scoped3A : memref<!tpu.dma_semaphore, #tpu.memory_space<semaphore_mem>>) src(%dma_wait3A_77 : memref<400x128xf32, #tpu.memory_space<vmem_shared>>) dst(%dma_wait3A_75 : memref<400x128xf32, #tpu.memory_space<hbm>>)
          tpu.yield
        }) : () -> ()
      } else {
      }
    } else {
    }
    return
  }
}

module attributes {stable_mosaic.version = 14 : i64} {
  func.func @_m1_body(%arg0: i32, %arg1: memref<512x256xf32, #tpu.memory_space<vmem>>, %arg2: memref<256x256xf32, #tpu.memory_space<vmem>>, %arg3: memref<512x1xf32, #tpu.memory_space<vmem>>, %arg4: memref<512x1xf32, #tpu.memory_space<vmem>>, %arg5: memref<512x128xf32, #tpu.memory_space<vmem>>, %arg6: memref<512x128xf32, #tpu.memory_space<vmem>>, %arg7: memref<512x1xf32, #tpu.memory_space<vmem>>) attributes {dimension_semantics = [#tpu.dimension_semantics<arbitrary>], iteration_bounds = array<i64: 20>, scalar_prefetch = 0 : i64, scratch_operands = 0 : i64, tpu.core_type = #tpu.core_type<tc>, window_params = [{transform_indices = @transform_0, window_bounds = array<i64: 512, 256>}, {pipeline_mode = #tpu.pipeline_mode<synchronous>, transform_indices = @transform_1, window_bounds = array<i64: 256, 256>}, {transform_indices = @transform_2, window_bounds = array<i64: 512, 1>}, {transform_indices = @transform_3, window_bounds = array<i64: 512, 1>}, {transform_indices = @transform_4, window_bounds = array<i64: 512, 128>}, {transform_indices = @transform_5, window_bounds = array<i64: 512, 128>}, {transform_indices = @transform_6, window_bounds = array<i64: 512, 1>}]} {
    %get3A = arith.constant 0 : index
    %get3A_0 = arith.constant 0 : index
    %get3A_1 = vector.load %arg3[%get3A, %get3A_0] : memref<512x1xf32, #tpu.memory_space<vmem>>, vector<512x1xf32>
    %get3A_2 = arith.constant 0 : index
    %get3A_3 = arith.constant 0 : index
    %get3A_4 = vector.load %arg4[%get3A_2, %get3A_3] : memref<512x1xf32, #tpu.memory_space<vmem>>, vector<512x1xf32>
    %add3A = arith.addf %get3A_1, %get3A_4 : vector<512x1xf32>
    %add3A_5 = arith.constant 1.000000e+00 : f32
    %add3A_6 = vector.broadcast %add3A_5 : f32 to vector<512x1xf32>
    %add3A_7 = arith.addf %add3A, %add3A_6 : vector<512x1xf32>
    %rsqrt3A = math.rsqrt %add3A_7 : vector<512x1xf32>
    %get3A_8 = arith.constant 0 : index
    %get3A_9 = arith.constant 0 : index
    %get3A_10 = vector.load %arg1[%get3A_8, %get3A_9] : memref<512x256xf32, #tpu.memory_space<vmem>>, vector<512x256xf32>
    %get3A_11 = arith.constant 0 : index
    %get3A_12 = arith.constant 0 : index
    %get3A_13 = vector.load %arg2[%get3A_11, %get3A_12] : memref<256x256xf32, #tpu.memory_space<vmem>>, vector<256x256xf32>
    %dot_general3A = arith.constant dense<0.000000e+00> : vector<512x256xf32>
    %dot_general3A_14 = tpu.matmul %get3A_10, %get3A_13, %dot_general3A {dimension_numbers = #tpu.dot_dimension_numbers<[1], [0], [0], [1], [0, 0, 1, 1], [], []>, transpose_lhs_hint = false} : vector<512x256xf32>, vector<256x256xf32>, vector<512x256xf32> -> vector<512x256xf32>
    %mul3A = vector.broadcast %rsqrt3A : vector<512x1xf32> to vector<512x256xf32>
    %mul3A_15 = arith.mulf %dot_general3A_14, %mul3A : vector<512x256xf32>
    %slice3A = vector.extract_strided_slice %mul3A_15 {offsets = [0, 0], sizes = [512, 128], strides = [1, 1]} : vector<512x256xf32> to vector<512x128xf32>
    %swap3A = arith.constant 0 : index
    %swap3A_16 = arith.constant 0 : index
    %swap3A_17 = vector.load %arg5[%swap3A, %swap3A_16] : memref<512x128xf32, #tpu.memory_space<vmem>>, vector<512x128xf32>
    tpu.vector_store %arg5[%swap3A, %swap3A_16], %slice3A {strides = array<i32>} : memref<512x128xf32, #tpu.memory_space<vmem>>, vector<512x128xf32>,
    %slice3A_18 = vector.extract_strided_slice %mul3A_15 {offsets = [0, 128], sizes = [512, 128], strides = [1, 1]} : vector<512x256xf32> to vector<512x128xf32>
    %swap3A_19 = arith.constant 0 : index
    %swap3A_20 = arith.constant 0 : index
    %swap3A_21 = vector.load %arg6[%swap3A_19, %swap3A_20] : memref<512x128xf32, #tpu.memory_space<vmem>>, vector<512x128xf32>
    tpu.vector_store %arg6[%swap3A_19, %swap3A_20], %slice3A_18 {strides = array<i32>} : memref<512x128xf32, #tpu.memory_space<vmem>>, vector<512x128xf32>,
    %swap3A_22 = arith.constant 0 : index
    %swap3A_23 = arith.constant 0 : index
    %swap3A_24 = vector.load %arg7[%swap3A_22, %swap3A_23] : memref<512x1xf32, #tpu.memory_space<vmem>>, vector<512x1xf32>
    tpu.vector_store %arg7[%swap3A_22, %swap3A_23], %rsqrt3A {strides = array<i32>} : memref<512x1xf32, #tpu.memory_space<vmem>>, vector<512x1xf32>,
    return
  }
  func.func @transform_0(%arg0: i32) -> (i32, i32) {
    %c0_i32 = arith.constant 0 : i32
    %c0_i32_0 = arith.constant 0 : i32
    return %arg0, %c0_i32 : i32, i32
  }
  func.func @transform_1(%arg0: i32) -> (i32, i32) {
    %c0_i32 = arith.constant 0 : i32
    %c0_i32_0 = arith.constant 0 : i32
    %c0_i32_1 = arith.constant 0 : i32
    return %c0_i32, %c0_i32_0 : i32, i32
  }
  func.func @transform_2(%arg0: i32) -> (i32, i32) {
    %c0_i32 = arith.constant 0 : i32
    %c0_i32_0 = arith.constant 0 : i32
    return %arg0, %c0_i32 : i32, i32
  }
  func.func @transform_3(%arg0: i32) -> (i32, i32) {
    %c0_i32 = arith.constant 0 : i32
    %c0_i32_0 = arith.constant 0 : i32
    return %arg0, %c0_i32 : i32, i32
  }
  func.func @transform_4(%arg0: i32) -> (i32, i32) {
    %c0_i32 = arith.constant 0 : i32
    %c0_i32_0 = arith.constant 0 : i32
    return %arg0, %c0_i32 : i32, i32
  }
  func.func @transform_5(%arg0: i32) -> (i32, i32) {
    %c0_i32 = arith.constant 0 : i32
    %c0_i32_0 = arith.constant 0 : i32
    return %arg0, %c0_i32 : i32, i32
  }
  func.func @transform_6(%arg0: i32) -> (i32, i32) {
    %c0_i32 = arith.constant 0 : i32
    %c0_i32_0 = arith.constant 0 : i32
    return %arg0, %c0_i32 : i32, i32
  }
}

module attributes {stable_mosaic.version = 14 : i64} {
  func.func @_m2_body(%arg0: i32, %arg1: memref<512x128xf32, #tpu.memory_space<vmem>>, %arg2: memref<512x128xf32, #tpu.memory_space<vmem>>, %arg3: memref<512x1xf32, #tpu.memory_space<vmem>>, %arg4: memref<1x256xf32, #tpu.memory_space<vmem>>, %arg5: memref<256x256xf32, #tpu.memory_space<vmem>>, %arg6: memref<512x128xf32, #tpu.memory_space<vmem>>, %arg7: memref<512x128xf32, #tpu.memory_space<vmem>>) attributes {dimension_semantics = [#tpu.dimension_semantics<arbitrary>], iteration_bounds = array<i64: 20>, scalar_prefetch = 0 : i64, scratch_operands = 0 : i64, tpu.core_type = #tpu.core_type<tc>, window_params = [{transform_indices = @transform_0, window_bounds = array<i64: 512, 128>}, {transform_indices = @transform_1, window_bounds = array<i64: 512, 128>}, {transform_indices = @transform_2, window_bounds = array<i64: 512, 1>}, {pipeline_mode = #tpu.pipeline_mode<synchronous>, transform_indices = @transform_3, window_bounds = array<i64: 1, 256>}, {pipeline_mode = #tpu.pipeline_mode<synchronous>, transform_indices = @transform_4, window_bounds = array<i64: 256, 256>}, {transform_indices = @transform_5, window_bounds = array<i64: 512, 128>}, {transform_indices = @transform_6, window_bounds = array<i64: 512, 128>}]} {
    %get3A = arith.constant 0 : index
    %get3A_0 = arith.constant 0 : index
    %get3A_1 = vector.load %arg3[%get3A, %get3A_0] : memref<512x1xf32, #tpu.memory_space<vmem>>, vector<512x1xf32>
    %get3A_2 = arith.constant 0 : index
    %get3A_3 = arith.constant 0 : index
    %get3A_4 = vector.load %arg1[%get3A_2, %get3A_3] : memref<512x128xf32, #tpu.memory_space<vmem>>, vector<512x128xf32>
    %get3A_5 = arith.constant 0 : index
    %get3A_6 = arith.constant 0 : index
    %get3A_7 = vector.load %arg2[%get3A_5, %get3A_6] : memref<512x128xf32, #tpu.memory_space<vmem>>, vector<512x128xf32>
    %concatenate3A = tpu.concatenate %get3A_4, %get3A_7 in 1 : vector<512x128xf32>, vector<512x128xf32> -> vector<512x256xf32>
    %mul3A = vector.broadcast %get3A_1 : vector<512x1xf32> to vector<512x256xf32>
    %mul3A_8 = arith.mulf %concatenate3A, %mul3A : vector<512x256xf32>
    %get3A_9 = arith.constant 0 : index
    %get3A_10 = arith.constant 0 : index
    %get3A_11 = vector.load %arg4[%get3A_9, %get3A_10] : memref<1x256xf32, #tpu.memory_space<vmem>>, vector<1x256xf32>
    %add3A = vector.broadcast %get3A_11 : vector<1x256xf32> to vector<512x256xf32>
    %add3A_12 = arith.addf %mul3A_8, %add3A : vector<512x256xf32>
    %max3A = arith.constant 0.000000e+00 : f32
    %max3A_13 = vector.broadcast %max3A : f32 to vector<512x256xf32>
    %max3A_14 = arith.maximumf %add3A_12, %max3A_13 : vector<512x256xf32>
    %get3A_15 = arith.constant 0 : index
    %get3A_16 = arith.constant 0 : index
    %get3A_17 = vector.load %arg5[%get3A_15, %get3A_16] : memref<256x256xf32, #tpu.memory_space<vmem>>, vector<256x256xf32>
    %dot_general3A = arith.constant dense<0.000000e+00> : vector<512x256xf32>
    %dot_general3A_18 = tpu.matmul %max3A_14, %get3A_17, %dot_general3A {dimension_numbers = #tpu.dot_dimension_numbers<[1], [0], [0], [1], [0, 0, 1, 1], [], []>, transpose_lhs_hint = false} : vector<512x256xf32>, vector<256x256xf32>, vector<512x256xf32> -> vector<512x256xf32>
    %mul3A_19 = vector.broadcast %get3A_1 : vector<512x1xf32> to vector<512x256xf32>
    %mul3A_20 = arith.mulf %dot_general3A_18, %mul3A_19 : vector<512x256xf32>
    %slice3A = vector.extract_strided_slice %mul3A_20 {offsets = [0, 0], sizes = [512, 128], strides = [1, 1]} : vector<512x256xf32> to vector<512x128xf32>
    %swap3A = arith.constant 0 : index
    %swap3A_21 = arith.constant 0 : index
    %swap3A_22 = vector.load %arg6[%swap3A, %swap3A_21] : memref<512x128xf32, #tpu.memory_space<vmem>>, vector<512x128xf32>
    tpu.vector_store %arg6[%swap3A, %swap3A_21], %slice3A {strides = array<i32>} : memref<512x128xf32, #tpu.memory_space<vmem>>, vector<512x128xf32>,
    %slice3A_23 = vector.extract_strided_slice %mul3A_20 {offsets = [0, 128], sizes = [512, 128], strides = [1, 1]} : vector<512x256xf32> to vector<512x128xf32>
    %swap3A_24 = arith.constant 0 : index
    %swap3A_25 = arith.constant 0 : index
    %swap3A_26 = vector.load %arg7[%swap3A_24, %swap3A_25] : memref<512x128xf32, #tpu.memory_space<vmem>>, vector<512x128xf32>
    tpu.vector_store %arg7[%swap3A_24, %swap3A_25], %slice3A_23 {strides = array<i32>} : memref<512x128xf32, #tpu.memory_space<vmem>>, vector<512x128xf32>,
    return
  }
  func.func @transform_0(%arg0: i32) -> (i32, i32) {
    %c0_i32 = arith.constant 0 : i32
    %c0_i32_0 = arith.constant 0 : i32
    return %arg0, %c0_i32 : i32, i32
  }
  func.func @transform_1(%arg0: i32) -> (i32, i32) {
    %c0_i32 = arith.constant 0 : i32
    %c0_i32_0 = arith.constant 0 : i32
    return %arg0, %c0_i32 : i32, i32
  }
  func.func @transform_2(%arg0: i32) -> (i32, i32) {
    %c0_i32 = arith.constant 0 : i32
    %c0_i32_0 = arith.constant 0 : i32
    return %arg0, %c0_i32 : i32, i32
  }
  func.func @transform_3(%arg0: i32) -> (i32, i32) {
    %c0_i32 = arith.constant 0 : i32
    %c0_i32_0 = arith.constant 0 : i32
    %c0_i32_1 = arith.constant 0 : i32
    return %c0_i32, %c0_i32_0 : i32, i32
  }
  func.func @transform_4(%arg0: i32) -> (i32, i32) {
    %c0_i32 = arith.constant 0 : i32
    %c0_i32_0 = arith.constant 0 : i32
    %c0_i32_1 = arith.constant 0 : i32
    return %c0_i32, %c0_i32_0 : i32, i32
  }
  func.func @transform_5(%arg0: i32) -> (i32, i32) {
    %c0_i32 = arith.constant 0 : i32
    %c0_i32_0 = arith.constant 0 : i32
    return %arg0, %c0_i32 : i32, i32
  }
  func.func @transform_6(%arg0: i32) -> (i32, i32) {
    %c0_i32 = arith.constant 0 : i32
    %c0_i32_0 = arith.constant 0 : i32
    return %arg0, %c0_i32 : i32, i32
  }
}

module attributes {stable_mosaic.version = 14 : i64} {
  func.func @_m3_body(%arg0: i32, %arg1: memref<512x128xf32, #tpu.memory_space<vmem>>, %arg2: memref<512x128xf32, #tpu.memory_space<vmem>>, %arg3: memref<512x1xf32, #tpu.memory_space<vmem>>, %arg4: memref<1x256xf32, #tpu.memory_space<vmem>>, %arg5: memref<512x256xf32, #tpu.memory_space<vmem>>) attributes {dimension_semantics = [#tpu.dimension_semantics<arbitrary>], iteration_bounds = array<i64: 20>, scalar_prefetch = 0 : i64, scratch_operands = 0 : i64, tpu.core_type = #tpu.core_type<tc>, window_params = [{transform_indices = @transform_0, window_bounds = array<i64: 512, 128>}, {transform_indices = @transform_1, window_bounds = array<i64: 512, 128>}, {transform_indices = @transform_2, window_bounds = array<i64: 512, 1>}, {pipeline_mode = #tpu.pipeline_mode<synchronous>, transform_indices = @transform_3, window_bounds = array<i64: 1, 256>}, {transform_indices = @transform_4, window_bounds = array<i64: 512, 256>}]} {
    %get3A = arith.constant 0 : index
    %get3A_0 = arith.constant 0 : index
    %get3A_1 = vector.load %arg1[%get3A, %get3A_0] : memref<512x128xf32, #tpu.memory_space<vmem>>, vector<512x128xf32>
    %get3A_2 = arith.constant 0 : index
    %get3A_3 = arith.constant 0 : index
    %get3A_4 = vector.load %arg2[%get3A_2, %get3A_3] : memref<512x128xf32, #tpu.memory_space<vmem>>, vector<512x128xf32>
    %concatenate3A = tpu.concatenate %get3A_1, %get3A_4 in 1 : vector<512x128xf32>, vector<512x128xf32> -> vector<512x256xf32>
    %get3A_5 = arith.constant 0 : index
    %get3A_6 = arith.constant 0 : index
    %get3A_7 = vector.load %arg3[%get3A_5, %get3A_6] : memref<512x1xf32, #tpu.memory_space<vmem>>, vector<512x1xf32>
    %mul3A = vector.broadcast %get3A_7 : vector<512x1xf32> to vector<512x256xf32>
    %mul3A_8 = arith.mulf %concatenate3A, %mul3A : vector<512x256xf32>
    %get3A_9 = arith.constant 0 : index
    %get3A_10 = arith.constant 0 : index
    %get3A_11 = vector.load %arg4[%get3A_9, %get3A_10] : memref<1x256xf32, #tpu.memory_space<vmem>>, vector<1x256xf32>
    %add3A = vector.broadcast %get3A_11 : vector<1x256xf32> to vector<512x256xf32>
    %add3A_12 = arith.addf %mul3A_8, %add3A : vector<512x256xf32>
    %swap3A = arith.constant 0 : index
    %swap3A_13 = arith.constant 0 : index
    %swap3A_14 = vector.load %arg5[%swap3A, %swap3A_13] : memref<512x256xf32, #tpu.memory_space<vmem>>, vector<512x256xf32>
    tpu.vector_store %arg5[%swap3A, %swap3A_13], %add3A_12 {strides = array<i32>} : memref<512x256xf32, #tpu.memory_space<vmem>>, vector<512x256xf32>,
    return
  }
  func.func @transform_0(%arg0: i32) -> (i32, i32) {
    %c0_i32 = arith.constant 0 : i32
    %c0_i32_0 = arith.constant 0 : i32
    return %arg0, %c0_i32 : i32, i32
  }
  func.func @transform_1(%arg0: i32) -> (i32, i32) {
    %c0_i32 = arith.constant 0 : i32
    %c0_i32_0 = arith.constant 0 : i32
    return %arg0, %c0_i32 : i32, i32
  }
  func.func @transform_2(%arg0: i32) -> (i32, i32) {
    %c0_i32 = arith.constant 0 : i32
    %c0_i32_0 = arith.constant 0 : i32
    return %arg0, %c0_i32 : i32, i32
  }
  func.func @transform_3(%arg0: i32) -> (i32, i32) {
    %c0_i32 = arith.constant 0 : i32
    %c0_i32_0 = arith.constant 0 : i32
    %c0_i32_1 = arith.constant 0 : i32
    return %c0_i32, %c0_i32_0 : i32, i32
  }
  func.func @transform_4(%arg0: i32) -> (i32, i32) {
    %c0_i32 = arith.constant 0 : i32
    %c0_i32_0 = arith.constant 0 : i32
    return %arg0, %c0_i32 : i32, i32
  }
}

</mosaic_0001>

<sc_bundles>
// kernel: kernel.11.cloned.1.call-start
scs
__scs_entry_jumppad:
0x0: {  	(pc) =	sbr.rel $0x88, $3  }
0x1: {  	(tag) =	ssettag $0x0;
	lr =	simm.s32 $0x1  }
0x2: {  	[smem:$0x3F9B] =	sst lr;
	_ =	strace $0xD0000000  }
0x3: {  	_ = 	snop  }
0x4: {  	_ = 	snop  }
0x5: {  	_ = 	snop  }
0x6: {  	_ = 	snop  }
0x7: {  	_ = 	snop  }
__scs_overlays_trampoline_lowered:
0x8: {  	[smem:$0x3FAA] =	sst s0  }
0x9: {  	[smem:$0x3FAB] =	sst s1  }
0xa: {  	[smem:$0x3FAC] =	sst s2  }
0xb: {  	[smem:$0x3FAD] =	sst s3  }
0xc: {  	[smem:$0x3FAE] =	sst s4  }
0xd: {  	[smem:$0x3FAF] =	sst s5  }
0xe: {  	[smem:$0x3FB0] =	sst s6  }
0xf: {  	[smem:$0x3FB1] =	sst s7  }
0x10: {  	[smem:$0x3FB2] =	sst s8  }
0x11: {  	[smem:$0x3FB3] =	sst s9;
	s0 =	simm.s32 @!p0 $0x0  }
0x12: {  	s1 =	sld [smem:$0x3F99];
	s0 =	simm.s32 @p0 $0x1  }
0x13: {  	[smem:$0x3FB4] =	sst s0;
	s0 =	simm.s32 @!p1 $0x0  }
0x14: {  	s2 =	sld [smem:$0x3F98];
	s0 =	simm.s32 @p1 $0x1  }
0x15: {  	[smem:$0x3FB5] =	sst s0;
	s0 =	simm.s32 @!p2 $0x0  }
0x16: {  	s3 =	sld [smem:$0x3FDB];
	s0 =	simm.s32 @p2 $0x1  }
0x17: {  	s4 =	simm.s32 $0x1BF5;
	[smem:$0x3FB7] =	sst s0  }
0x18: {  	s0 =	sld [smem:$0x3F9A];
	_ =	swait.ge [sflag:s4], $0x0  }
0x19: {  	s7 =	sld [smem:$0x3F9B]  }
0x1a: {  	s8 =	sadd.s32 $0xFFFFE003, lr  }
0x1b: {  	s9 =	sadd.s32 $0xFFFFFEF7, lr;
	s5 =	simm.s32 $0xFFFFFFFF;
	p2 =	slt.u32 s8, $0xFFFFF086  }
0x1c: {  	p1 =	slt.u32 s9, $0xF7A;
	s5 =	simm.s32 @!p2 $0x0  }
0x1d: {  	s5 =	simm.s32 @p1 $0x1;
	p0 =	seq.s32 s7, s2  }
0x1e: {  	s7 =	smul.u32 @!p0 $0xF7A, s2;
	p2 =	seq.s32 @!p0 s5, $0x0  }
0x1f: {  	s9 =	smul.u32 $0xF7A, s1;
	s8 =	simm.s32 @!p0 $0x1BF5;
	p2 =	por !p2, p0  }
0x20: {  	[sflag:s8] =	ssyncset.s32 @!p0 $0xFFFFF086;
	s6 =	sadd.s32 @!p0 s3, s7;
	s7 =	simm.s32 @!p0 $0x108  }
0x21: {  	s3 =	sadd.s32 s3, s9;
	s6 =	sadd.s32 @!p0 $0x88, s6;
	s7 =	simm.s32 @p2 $0x1082  }
0x22: {  	[simem:s7], [sflag:s8] =	dma.local @!p0 [hbm:s6], $0xF7A  }
0x23: {  	s9 =	sor.u32 $0xD0000000, s2;
	s6 =	simm.s32 $0x108;
	_ =	swait.ge @!p0 [sflag:s8], $0x0  }
0x24: {  	s3 =	sadd.s32 $0x88, s3;
	s6 =	simm.s32 @!p1 $0x1082;
	[sflag:s4] =	ssyncset.s32 $0xFFFFF086  }
0x25: {  	[simem:s6], [sflag:s4] =	dma.local [hbm:s3], $0xF7A  }
0x26: {  	[smem:$0x3F9B] =	sst s1;
	(tag) =	ssettag s2;
	_ =	strace s9  }
0x27: {  	s1 =	sld [smem:$0x3FAB]  }
0x28: {  	s2 =	sld [smem:$0x3FAC]  }
0x29: {  	s4 =	sld [smem:$0x3FAE]  }
0x2a: {  	p0 =	seq.s32 s5, $0x0;
	s5 =	sld [smem:$0x3FAF]  }
0x2b: {  	s6 =	sld [smem:$0x3FB0]  }
0x2c: {  	s7 =	sld [smem:$0x3FB1]  }
0x2d: {  	s3 =	simm.s32 $0x108;
	s8 =	sld [smem:$0x3FB2]  }
0x2e: {  	s3 =	simm.s32 @!p0 $0x1082;
	s9 =	sld [smem:$0x3FB3]  }
0x2f: {  	lr =	sadd.s32 s0, s3;
	s0 =	sld [smem:$0x3FAA]  }
0x30: {  	s3 =	sld [smem:$0x3FAD]  }
0x31: {  	[smem:$0x3FB6] =	sst s10  }
0x32: {  	s10 =	sld [smem:$0x3FB4];
	_ =	sdelay $0x3  }
0x33: {  	p0 =	seq.s32 s10, $0x1;
	s10 =	sld [smem:$0x3FB6];
	_ =	sdelay $0x3  }
0x34: {  	[smem:$0x3FB6] =	sst s10  }
0x35: {  	s10 =	sld [smem:$0x3FB5];
	_ =	sdelay $0x3  }
0x36: {  	p1 =	seq.s32 s10, $0x1;
	s10 =	sld [smem:$0x3FB6];
	_ =	sdelay $0x3  }
0x37: {  	[smem:$0x3FB6] =	sst s10  }
0x38: {  	s10 =	sld [smem:$0x3FB7]  }
0x39: {  	_ = 	snop;
	(pc) =	sbr.ind lr, $3  }
0x3a: {  	_ = 	snop  }
0x3b: {  	_ = 	snop  }
0x3c: {  	p2 =	seq.s32 s10, $0x1;
	s10 =	sld [smem:$0x3FB6]  }
0x3d: {  	_ =	shalt  }
0x3e: {  	_ =	shalt  }
0x3f: {  	_ =	shalt  }
0x40: {  	_ =	shalt  }
0x41: {  	_ =	shalt  }
0x42: {  	_ =	shalt  }
0x43: {  	_ =	shalt  }
0x44: {  	_ =	shalt  }
0x45: {  	_ =	shalt  }
0x46: {  	_ =	shalt  }
0x47: {  	_ =	shalt  }
0x48: {  	_ =	shalt  }
0x49: {  	_ =	shalt  }
0x4a: {  	_ =	shalt  }
0x4b: {  	_ =	shalt  }
0x4c: {  	_ =	shalt  }
0x4d: {  	_ =	shalt  }
0x4e: {  	_ =	shalt  }
0x4f: {  	_ =	shalt  }
0x50: {  	_ =	shalt  }
0x51: {  	_ =	shalt  }
0x52: {  	_ =	shalt  }
0x53: {  	_ =	shalt  }
0x54: {  	_ =	shalt  }
0x55: {  	_ =	shalt  }
0x56: {  	_ =	shalt  }
0x57: {  	_ =	shalt  }
0x58: {  	_ =	shalt  }
0x59: {  	_ =	shalt  }
0x5a: {  	_ =	shalt  }
0x5b: {  	_ =	shalt  }
0x5c: {  	_ =	shalt  }
0x5d: {  	_ =	shalt  }
0x5e: {  	_ =	shalt  }
0x5f: {  	_ =	shalt  }
0x60: {  	_ =	shalt  }
0x61: {  	_ =	shalt  }
0x62: {  	_ =	shalt  }
0x63: {  	_ =	shalt  }
0x64: {  	_ =	shalt  }
0x65: {  	_ =	shalt  }
0x66: {  	_ =	shalt  }
0x67: {  	_ =	shalt  }
0x68: {  	_ =	shalt  }
0x69: {  	_ =	shalt  }
0x6a: {  	_ =	shalt  }
0x6b: {  	_ =	shalt  }
0x6c: {  	_ =	shalt  }
0x6d: {  	_ =	shalt  }
0x6e: {  	_ =	shalt  }
0x6f: {  	_ =	shalt  }
0x70: {  	_ =	shalt  }
0x71: {  	_ =	shalt  }
0x72: {  	_ =	shalt  }
0x73: {  	_ =	shalt  }
0x74: {  	_ =	shalt  }
0x75: {  	_ =	shalt  }
0x76: {  	_ =	shalt  }
0x77: {  	_ =	shalt  }
0x78: {  	_ =	shalt  }
0x79: {  	_ =	shalt  }
0x7a: {  	_ =	shalt  }
0x7b: {  	_ =	shalt  }
0x7c: {  	_ =	shalt  }
0x7d: {  	_ =	shalt  }
0x7e: {  	_ =	shalt  }
0x7f: {  	_ =	shalt  }
0x80: {  	_ =	shalt  }
0x81: {  	_ =	shalt  }
0x82: {  	_ =	shalt  }
0x83: {  	_ =	shalt  }
0x84: {  	_ =	shalt  }
0x85: {  	_ =	shalt  }
0x86: {  	_ =	shalt  }
0x87: {  	_ =	shalt  }
.Lfunc_end0:
.L_simem_size_0:
called_computation.1_lowered:
.L_overlay_start_0:
0x88: {  	s2 =	sld [smem:$0x3FD9]  }
0x89: {  	s3 =	sld [smem:$0x3FFE];
	_ =	sdelay $0x1  }
0x8a: {  	s1 =	srdreg.scid  }
0x8b: {  	s0 =	sand.u32 $0x1, s1  }
0x8c: {  	s16 =	sshll.u32 s0, $0xA;
	s2 =	sadd.s32 s3, s2  }
0x8d: {  	s2 =	sadd.s32 s2, s16  }
0x8e: {  	[smem:$0x3FC2] =	sst s2  }
0x8f: {  	_ = 	snop  }
0x90: {  	(tm) =	ssettm $0x1  }
0x91: {  	s17 =	sld [smem:$0x3FFB];
	_ =	sdelay $0x3  }
0x92: {  	_ =	strace s17  }
0x93: {  	s2 =	sld [smem:$0x3FFC];
	_ =	sdelay $0x3  }
0x94: {  	_ =	strace s2  }
0x95: {  	s2 =	sld [smem:$0x3FFD];
	_ =	sdelay $0x3  }
0x96: {  	_ =	strace s2  }
0x97: {  	_ =	strace $0x8FFFFFFF  }
0x98: {  	s18 =	sld [smem:$0x3FDB];
	_ =	sdelay $0x1  }
0x99: {  	s19 =	simm.s32 $_scs_section_size  }
0x9a: {  	s4 =	simm.s32 $_size__tile_overlayer_lowered;
	s5 =	simm.s32 $_tile_overlayer_lowered  }
0x9b: {  	s22 =	simm.s32 $0x1BFF;
	s21 =	sshll.u32 s5, $0x1;
	s2 =	sadd.s32 s19, s18  }
0x9c: {  	s6 =	simm.s32 $0x0;
	s20 =	sshll.u32 s4, $0x1;
	s4 =	sadd.s32 s21, s2  }
0x9d: {  	[timem:s6], [sflag:s22] =	dma.local [hbm:s4], s20  }
0x9e: {  	_ =	swait.ge [sflag:s22], s20  }
0x9f: {  	s3 =	ssub.s32 $0x0, s20;
	[sflag:s22] =	ssyncset.done $0x0  }
0xa0: {  	[sflag:s22] =	ssyncadd.s32 s3;
	_ =	sdelay $0x1  }
0xa1: {  	s23 =	simm.s32 $0x1B8B  }
0xa2: {  	_ =	swait.ge [sflag:s23], $0x1  }
0xa3: {  	[sflag:s23] =	ssyncset.done $0x0  }
0xa4: {  	s25 =	simm.s32 $0x1B8E;
	s24 =	sld [smem:$0x3FFE];
	[sflag:s23] =	ssyncadd.s32 $0xFFFFFFFF  }
0xa5: {  	s26 =	simm.s32 $execute0_lowered;
	[smem:$0x3FD2] =	sst s25  }
0xa6: {  	s4 =	sshll.u32 s26, $0x1;
	_ =	strace $0x80000049;
	[dreg:$0x1] =	wrdreg $0xFFFFFFFF  }
0xa7: {  	s28 =	simm.s32 $_size_execute0_lowered;
	s2 =	sadd.s32 s2, s4;
	[dreg:$0x0] =	wrdreg $0x0  }
0xa8: {  	s4 =	sshll.u32 s28, $0x1;
	[dreg:$0x2] =	wrdreg s2  }
0xa9: {  	[dreg:$0x3] =	wrdreg s4  }
0xaa: {  	[dreg:$0x4] =	wrdreg $0xC0  }
0xab: {  	_ =	task [dreg:s6], $0x5FFFF  }
0xac: {  	[dreg:$0x1] =	wrdreg $0xFFFFFFFF  }
0xad: {  	[dreg:$0x0] =	wrdreg $0x60  }
0xae: {  	[dreg:$0x2] =	wrdreg s24  }
0xaf: {  	[dreg:$0x3] =	wrdreg $0x28000  }
0xb0: {  	[dreg:$0x4] =	wrdreg $0x9  }
0xb1: {  	_ =	task.clear_ibuf [dreg:s6], $0x5FFFF;
	_ =	strace $0x90000049  }
0xb2: {  	s29 =	simm.s32 $0x9;
	_ =	strace $0x8000004B  }
0xb3: {  	_ =	swait.ge [sflag:s29], $0x1  }
0xb4: {  	[sflag:s29] =	ssyncadd.s32 $0xFFFFFFFF  }
0xb5: {  	_ =	strace $0x9000004B  }
0xb6: {  	_ =	sfence  }
0xb7: {  	s30 =	sld [smem:$0x0];
	_ =	sdelay $0x2  }
0xb8: {  	s31 =	sshll.u32 s1, $0xD;
	s1 =	sshrl.u32 s1, $0x2  }
0xb9: {  	s3 =	sand.u32 $0x4000, s31;
	s1 =	sadd.s32 s1, s30  }
0xba: {  	s0 =	sor.u32 s3, s0;
	s1 =	sshll.u32 s1, $0x11  }
0xbb: {  	s0 =	sor.u32 s1, s0  }
0xbc: {  	s0 =	sadd.s32 $0x8F2B, s0  }
0xbd: {  	[sflag:s0] =	ssyncadd.remote.s32 $0x1  }
0xbe: {  	_ =	sfence.sel $0xFFFF  }
0xbf: {  	[dreg:$0x0] =	wrdreg $0xFFFFFFFF;
	(pc) =	sbr.abs _section_cstart, $3  }
0xc0: {  	[dreg:$0x1] =	wrdreg $0xFFFFFFFF  }
0xc1: {  	_ =	task.clear_ibuf [dreg:s6], $0x2FFFF;
	_ =	strace $0x9FFFFFFF  }
0xc2: {  	(tm) =	ssettm $0x7FFFFFFF  }
0xc3: {  	_ =	shalt  }
tec
execute0_lowered:
.L_overlay_start_1:
0x0: {  	(tag) =	ssettag $0x1  }
0x1: {  	s0 =	rddreg [dreg:$0x0]  }
0x2: {  	s1 =	rddreg [dreg:$0x1]  }
0x3: {  	s3 =	simm.s32 $0x0;
	s2 =	stileid.u32;
	s6 =	srdreg.scid  }
0x4: {  	s21 =	simm.s32 $0x3;
	s22 =	simm.s32 $0x1400;
	s28 =	simm.s32 $0x2  }
0x5: {  	s29 =	simm.s32 $0x2700;
	s30 =	simm.s32 $0x2780;
	[smem:$0x7FF] =	sst s3  }
0x6: {  	s4 =	sadd.s32 $0xD600, s0;
	s7 =	smul.u32 $0x2800, s2;
	s5 =	sadd.s32 $0x34800, s0  }
0x7: {  	s6 =	sand.u32 $0x1, s6;
	s8 =	smul.u32 $0x50000, s2;
	s9 =	sadd.s32 $0x3600, s0  }
0x8: {  	s13 =	sadd.s32 $0x8600, s0;
	s24 =	smul.u32 $0x500, s2;
	s12 =	sadd.s32 $0x32E00, s0  }
0x9: {  	s31 =	sadd.s32 $0x81200, s0;
	s17 =	sadd.s32 $0x5A000, s0;
	s19 =	sadd.s32 $0xA8400, s0  }
0xa: {  	p1 =	seq.s32 s2, $0xF;
	_ =	strace $0x8000004A;
	[dreg:$0x4] =	wrdreg s12  }
0xb: {  	s10 =	ssub.s32 $0x2, s6;
	p0 =	seq.s32 s6, $0x1;
	[dreg:$0x6] =	wrdreg s31  }
0xc: {  	s14 =	sadd.s32 s7, s0;
	s11 =	sshrl.u32 s10, $0x1;
	s8 =	sshrl.u32 s8, $0x2  }
0xd: {  	s23 =	sadd.s32 s4, s7;
	s25 =	sshrl.u32 s7, $0x3;
	s16 =	sadd.s32 s5, s7  }
0xe: {  	s20 =	ssub.s32 s10, s11;
	s6 =	sadd.s32 s8, s1;
	[dreg:$0x3] =	wrdreg s23  }
.Ltmp0:
0xf: {  	s8 =	sadd.s32 $0x12C000, s1;
	s15 =	sadd.s32 $0x280, s25;
	(pc) =	sbr.rel .LBB2_1-.Ltmp0, $4  }
0x10: {  	s10 =	sadd.s32 s9, s24;
	s11 =	sadd.s32 s13, s24;
	s26 =	sadd.s32 $0x5BA00, s14  }
0x11: {  	s18 =	sadd.s32 $0x82C00, s14;
	s23 =	simm.s32 $0x80;
	s24 =	simm.s32 $0x16800  }
0x12: {  	s25 =	simm.s32 $0x1A800;
	s12 =	sadd.s32 s9, s15;
	s13 =	sadd.s32 s13, s15  }
0x13: {  	[dreg:$0x5] =	wrdreg s26;
	s20 =	smax.u32 s20, $0x1;
	s26 =	simm.s32 $0x1  }
.LBB2_11:
0x14: {  	[tilespmem:s25], [sflag:$0x2] =	stream.indirect.gather [hbm4b:s5+s23], $0x80, s14, s23, $0xb8;
	[tilespmem:$0x1E800] =	vst v63  }
0x15: {  	_ =	swait.ge [sflag:s26], $0x4000  }
0x16: {  	[sflag:s26] =	ssyncset.done $0x0  }
0x17: {  	[sflag:s26] =	ssyncadd.s32 $0xFFFFC000  }
0x18: {  	[spmem:s1] =	stream.indirect.scatter.add.f32 [tilespmem:s24], [sflag:$0x3], $0x80, s29, s23, $0xb8;
	[tilespmem:$0x1E800] =	vst v63  }
0x19: {  	_ =	swait.ge [sflag:s21], $0x4000  }
0x1a: {  	[sflag:s21] =	ssyncset.done $0x0  }
0x1b: {  	[sflag:s21] =	ssyncadd.s32 $0xFFFFC000  }
0x1c: {  	_ =	swait.ge [sflag:s28], $0x4000  }
0x1d: {  	[sflag:s28] =	ssyncset.done $0x0  }
0x1e: {  	[sflag:s28] =	ssyncadd.s32 $0xFFFFC000  }
0x1f: {  	[spmem:s1] =	stream.indirect.scatter.add.f32 [tilespmem:s25], [sflag:$0x3], $0x80, s30, s23, $0xb8;
	[tilespmem:$0x1E800] =	vst v63  }
0x20: {  	_ =	swait.ge [sflag:s21], $0x4000  }
0x21: {  	[sflag:s21] =	ssyncset.done $0x0  }
0x22: {  	[sflag:s21] =	ssyncadd.s32 $0xFFFFC000  }
0x23: {  	s9 =	simm.s32 @p1 $0x1FC3;
	[bflag:$0x0] =	sbarrier.arrive $0xFFFF  }
0x24: {  	[hbm:s19], [sflag:s9] =	dma.local @p1 [spmem:s7], $0x1900  }
0x25: {  	s7 =	simm.s32 @p1 $0x3  }
0x26: {  	_ =	swait.ge @p1 [sflag:s7], $0x1900  }
0x27: {  	[sflag:s7] =	ssyncset.done @p1 $0x0  }
0x28: {  	[sflag:s7] =	ssyncadd.s32 @p1 $0xFFFFE700  }
0x29: {  	[hbm:s18], [sflag:s0] =	dma.local @!p1 [spmem:s31], $0x2800  }
0x2a: {  	s0 =	simm.s32 @!p1 $0x3  }
0x2b: {  	_ =	swait.ge @!p1 [sflag:s0], $0x2800  }
0x2c: {  	[sflag:s0] =	ssyncset.done @!p1 $0x0  }
0x2d: {  	[sflag:s0] =	ssyncadd.s32 @!p1 $0xFFFFD800  }
.LBB2_12:
0x2e: {  	s3 =	sadd.s32 $0x1, s3  }
0x2f: {  	p2 =	sne.s32 s3, s20  }
.Ltmp1:
0x30: {  	_ = 	snop;
	(pc) =	sbr.rel @!p2 .LBB2_13-.Ltmp1, $1  }
0x31: {  	_ =	sdelay $0x3  }
.LBB2_1:
.Ltmp2:
0x32: {  	(pc) =	sbr.rel @!p0 .LBB2_2-.Ltmp2, $3  }
0x33: {  	_ =	sdelay $0x1  }
0x34: {  	s0 =	sshll.u32 @!p1 s2, $0x6  }
0x35: {  	s7 =	sshrl.u32 @p1 s8, $0x3;
	s31 =	sshrl.u32 @!p1 s6, $0x3;
	s0 =	sor.u32 @!p1 $0x1C03, s0  }
0x36: {  	s9 =	simm.s32 @p1 $0x1FC3  }
0x37: {  	[spmem:s7], [sflag:s9] =	dma.local @p1 [hbm:s17], $0x1900  }
0x38: {  	s9 =	simm.s32 @p1 $0x3  }
0x39: {  	_ =	swait.ge @p1 [sflag:s9], $0x1900  }
0x3a: {  	[sflag:s9] =	ssyncset.done @p1 $0x0  }
0x3b: {  	[sflag:s9] =	ssyncadd.s32 @p1 $0xFFFFE700;
	s9 =	simm.s32 @!p1 $0x3  }
0x3c: {  	[spmem:s31], [sflag:s0] =	dma.local @!p1 [hbm:s16], $0x2800  }
0x3d: {  	_ =	swait.ge @!p1 [sflag:s9], $0x2800  }
0x3e: {  	[sflag:s9] =	ssyncset.done @!p1 $0x0  }
0x3f: {  	[sflag:s9] =	ssyncadd.s32 @!p1 $0xFFFFD800  }
0x40: {  	s14 =	simm.s32 $0x0;
	[bflag:$0x0] =	sbarrier.arrive $0xFFFF  }
0x41: {  	[tilespmem:s14], [sflag:$0x3] =	stream.linear.gather [hbm4b:s10+s14], $0x1400, $0x38;
	[tilespmem:$0x1E800] =	vst v63  }
0x42: {  	_ =	swait.ge [sflag:s21], $0x1400  }
0x43: {  	[sflag:s21] =	ssyncset.done $0x0  }
0x44: {  	[sflag:s21] =	ssyncadd.s32 $0xFFFFEC00  }
0x45: {  	[tilespmem:s22], [sflag:$0x3] =	stream.linear.gather [hbm4b:s11+s14], $0x1400, $0x38;
	[tilespmem:$0x1E800] =	vst v63  }
0x46: {  	_ =	swait.ge [sflag:s21], $0x1400  }
0x47: {  	[sflag:s21] =	ssyncset.done $0x0  }
0x48: {  	[sflag:s21] =	ssyncadd.s32 $0xFFFFEC00  }
0x49: {  	[tilespmem:s24], [sflag:$0x1] =	stream.indirect.gather [hbm4b:s5+s23], $0x80, s14, s23, $0xb8;
	[tilespmem:$0x1E800] =	vst v63  }
0x4a: {  	_ = 	snop  }
0x4b: {  	[tilespmem:s25], [sflag:$0x2] =	stream.indirect.gather [hbm4b:s5+s23], $0x80, s23, s23, $0xb8;
	[tilespmem:$0x1E800] =	vst v63  }
0x4c: {  	_ =	swait.ge [sflag:s26], $0x4000  }
0x4d: {  	[sflag:s26] =	ssyncset.done $0x0  }
0x4e: {  	s15 =	simm.s32 $0x1400;
	[sflag:s26] =	ssyncadd.s32 $0xFFFFC000  }
0x4f: {  	[spmem:s1] =	stream.indirect.scatter.add.f32 [tilespmem:s24], [sflag:$0x3], $0x80, s15, s23, $0xb8;
	[tilespmem:$0x1E800] =	vst v63  }
0x50: {  	_ =	swait.ge [sflag:s21], $0x4000  }
0x51: {  	[sflag:s21] =	ssyncset.done $0x0  }
0x52: {  	s14 =	simm.s32 $0x100;
	[sflag:s21] =	ssyncadd.s32 $0xFFFFC000  }
0x53: {  	[tilespmem:s24], [sflag:$0x1] =	stream.indirect.gather [hbm4b:s5+s23], $0x80, s14, s23, $0xb8;
	[tilespmem:$0x1E800] =	vst v63  }
0x54: {  	_ =	swait.ge [sflag:s28], $0x4000  }
0x55: {  	[sflag:s28] =	ssyncset.done $0x0  }
0x56: {  	s15 =	simm.s32 $0x1480;
	[sflag:s28] =	ssyncadd.s32 $0xFFFFC000  }
0x57: {  	[spmem:s1] =	stream.indirect.scatter.add.f32 [tilespmem:s25], [sflag:$0x3], $0x80, s15, s23, $0xb8;
	[tilespmem:$0x1E800] =	vst v63  }
0x58: {  	_ =	swait.ge [sflag:s21], $0x4000  }
0x59: {  	[sflag:s21] =	ssyncset.done $0x0  }
0x5a: {  	s9 =	simm.s32 $0x400;
	s14 =	simm.s32 $0x180;
	[sflag:s21] =	ssyncadd.s32 $0xFFFFC000  }
.LBB2_8:
0x5b: {  	[tilespmem:s25], [sflag:$0x2] =	stream.indirect.gather [hbm4b:s5+s23], $0x80, s14, s23, $0xb8;
	[tilespmem:$0x1E800] =	vst v63  }
0x5c: {  	s14 =	smov.u32 s9  }
0x5d: {  	p2 =	sne.s32 s9, $0x4800;
	s9 =	sadd.s32 $0x400, s9;
	_ =	swait.ge [sflag:s26], $0x4000  }
0x5e: {  	s14 =	sshra.s32 s14, $0x2;
	[sflag:s26] =	ssyncset.done $0x0  }
0x5f: {  	s15 =	sadd.s32 $0x1400, s14;
	[sflag:s26] =	ssyncadd.s32 $0xFFFFC000  }
0x60: {  	[spmem:s1] =	stream.indirect.scatter.add.f32 [tilespmem:s24], [sflag:$0x3], $0x80, s15, s23, $0xb8;
	[tilespmem:$0x1E800] =	vst v63  }
0x61: {  	_ =	swait.ge [sflag:s21], $0x4000  }
0x62: {  	[sflag:s21] =	ssyncset.done $0x0  }
0x63: {  	s15 =	sadd.s32 $0x100, s14;
	[sflag:s21] =	ssyncadd.s32 $0xFFFFC000  }
0x64: {  	[tilespmem:s24], [sflag:$0x1] =	stream.indirect.gather [hbm4b:s5+s23], $0x80, s15, s23, $0xb8;
	[tilespmem:$0x1E800] =	vst v63  }
0x65: {  	_ =	swait.ge [sflag:s28], $0x4000  }
0x66: {  	[sflag:s28] =	ssyncset.done $0x0  }
.Ltmp3:
0x67: {  	s15 =	sadd.s32 $0x1480, s14;
	[sflag:s28] =	ssyncadd.s32 $0xFFFFC000;
	(pc) =	sbr.rel @p2 .LBB2_8-.Ltmp3, $4  }
0x68: {  	[spmem:s1] =	stream.indirect.scatter.add.f32 [tilespmem:s25], [sflag:$0x3], $0x80, s15, s23, $0xb8;
	[tilespmem:$0x1E800] =	vst v63  }
0x69: {  	_ =	swait.ge [sflag:s21], $0x4000  }
0x6a: {  	[sflag:s21] =	ssyncset.done $0x0  }
0x6b: {  	s14 =	sadd.s32 $0x180, s14;
	[sflag:s21] =	ssyncadd.s32 $0xFFFFC000  }
0x6c: {  	[tilespmem:s25], [sflag:$0x2] =	stream.indirect.gather [hbm4b:s5+s23], $0x80, s14, s23, $0xb8;
	[tilespmem:$0x1E800] =	vst v63  }
0x6d: {  	_ =	swait.ge [sflag:s26], $0x4000  }
0x6e: {  	[sflag:s26] =	ssyncset.done $0x0  }
0x6f: {  	[sflag:s26] =	ssyncadd.s32 $0xFFFFC000  }
0x70: {  	[spmem:s1] =	stream.indirect.scatter.add.f32 [tilespmem:s24], [sflag:$0x3], $0x80, s29, s23, $0xb8;
	[tilespmem:$0x1E800] =	vst v63  }
0x71: {  	_ =	swait.ge [sflag:s21], $0x4000  }
0x72: {  	[sflag:s21] =	ssyncset.done $0x0  }
0x73: {  	[sflag:s21] =	ssyncadd.s32 $0xFFFFC000  }
0x74: {  	_ =	swait.ge [sflag:s28], $0x4000  }
0x75: {  	[sflag:s28] =	ssyncset.done $0x0  }
0x76: {  	[sflag:s28] =	ssyncadd.s32 $0xFFFFC000  }
0x77: {  	[spmem:s1] =	stream.indirect.scatter.add.f32 [tilespmem:s25], [sflag:$0x3], $0x80, s30, s23, $0xb8;
	[tilespmem:$0x1E800] =	vst v63  }
0x78: {  	_ =	swait.ge [sflag:s21], $0x4000  }
0x79: {  	[sflag:s21] =	ssyncset.done $0x0  }
0x7a: {  	s9 =	simm.s32 $0x0;
	[sflag:s21] =	ssyncadd.s32 $0xFFFFC000  }
0x7b: {  	[tilespmem:s9], [sflag:$0x3] =	stream.linear.gather [hbm4b:s12+s9], $0x1400, $0x38;
	[tilespmem:$0x1E800] =	vst v63  }
0x7c: {  	_ =	swait.ge [sflag:s21], $0x1400  }
0x7d: {  	[sflag:s21] =	ssyncset.done $0x0  }
0x7e: {  	[sflag:s21] =	ssyncadd.s32 $0xFFFFEC00  }
0x7f: {  	[tilespmem:s22], [sflag:$0x3] =	stream.linear.gather [hbm4b:s13+s9], $0x1400, $0x38;
	[tilespmem:$0x1E800] =	vst v63  }
0x80: {  	_ =	swait.ge [sflag:s21], $0x1400  }
0x81: {  	[sflag:s21] =	ssyncset.done $0x0  }
0x82: {  	[sflag:s21] =	ssyncadd.s32 $0xFFFFEC00  }
0x83: {  	[tilespmem:s24], [sflag:$0x1] =	stream.indirect.gather [hbm4b:s5+s23], $0x80, s9, s23, $0xb8;
	[tilespmem:$0x1E800] =	vst v63  }
0x84: {  	_ = 	snop  }
0x85: {  	[tilespmem:s25], [sflag:$0x2] =	stream.indirect.gather [hbm4b:s5+s23], $0x80, s23, s23, $0xb8;
	[tilespmem:$0x1E800] =	vst v63  }
0x86: {  	_ =	swait.ge [sflag:s26], $0x4000  }
0x87: {  	[sflag:s26] =	ssyncset.done $0x0  }
0x88: {  	s15 =	simm.s32 $0x1400;
	[sflag:s26] =	ssyncadd.s32 $0xFFFFC000  }
0x89: {  	[spmem:s1] =	stream.indirect.scatter.add.f32 [tilespmem:s24], [sflag:$0x3], $0x80, s15, s23, $0xb8;
	[tilespmem:$0x1E800] =	vst v63  }
0x8a: {  	_ =	swait.ge [sflag:s21], $0x4000  }
0x8b: {  	[sflag:s21] =	ssyncset.done $0x0  }
0x8c: {  	s14 =	simm.s32 $0x100;
	[sflag:s21] =	ssyncadd.s32 $0xFFFFC000  }
0x8d: {  	[tilespmem:s24], [sflag:$0x1] =	stream.indirect.gather [hbm4b:s5+s23], $0x80, s14, s23, $0xb8;
	[tilespmem:$0x1E800] =	vst v63  }
0x8e: {  	_ =	swait.ge [sflag:s28], $0x4000  }
0x8f: {  	[sflag:s28] =	ssyncset.done $0x0  }
0x90: {  	s15 =	simm.s32 $0x1480;
	[sflag:s28] =	ssyncadd.s32 $0xFFFFC000  }
0x91: {  	[spmem:s1] =	stream.indirect.scatter.add.f32 [tilespmem:s25], [sflag:$0x3], $0x80, s15, s23, $0xb8;
	[tilespmem:$0x1E800] =	vst v63  }
0x92: {  	_ =	swait.ge [sflag:s21], $0x4000  }
0x93: {  	[sflag:s21] =	ssyncset.done $0x0  }
0x94: {  	s9 =	simm.s32 $0x400;
	s14 =	simm.s32 $0x180;
	[sflag:s21] =	ssyncadd.s32 $0xFFFFC000  }
.LBB2_10:
0x95: {  	[tilespmem:s25], [sflag:$0x2] =	stream.indirect.gather [hbm4b:s5+s23], $0x80, s14, s23, $0xb8;
	[tilespmem:$0x1E800] =	vst v63  }
0x96: {  	s14 =	smov.u32 s9  }
0x97: {  	p2 =	sne.s32 s9, $0x4800;
	s9 =	sadd.s32 $0x400, s9;
	_ =	swait.ge [sflag:s26], $0x4000  }
0x98: {  	s14 =	sshra.s32 s14, $0x2;
	[sflag:s26] =	ssyncset.done $0x0  }
0x99: {  	s15 =	sadd.s32 $0x1400, s14;
	[sflag:s26] =	ssyncadd.s32 $0xFFFFC000  }
0x9a: {  	[spmem:s1] =	stream.indirect.scatter.add.f32 [tilespmem:s24], [sflag:$0x3], $0x80, s15, s23, $0xb8;
	[tilespmem:$0x1E800] =	vst v63  }
0x9b: {  	_ =	swait.ge [sflag:s21], $0x4000  }
0x9c: {  	[sflag:s21] =	ssyncset.done $0x0  }
0x9d: {  	s15 =	sadd.s32 $0x100, s14;
	[sflag:s21] =	ssyncadd.s32 $0xFFFFC000  }
0x9e: {  	[tilespmem:s24], [sflag:$0x1] =	stream.indirect.gather [hbm4b:s5+s23], $0x80, s15, s23, $0xb8;
	[tilespmem:$0x1E800] =	vst v63  }
0x9f: {  	_ =	swait.ge [sflag:s28], $0x4000  }
0xa0: {  	[sflag:s28] =	ssyncset.done $0x0  }
.Ltmp4:
0xa1: {  	s15 =	sadd.s32 $0x1480, s14;
	[sflag:s28] =	ssyncadd.s32 $0xFFFFC000;
	(pc) =	sbr.rel @p2 .LBB2_10-.Ltmp4, $4  }
0xa2: {  	[spmem:s1] =	stream.indirect.scatter.add.f32 [tilespmem:s25], [sflag:$0x3], $0x80, s15, s23, $0xb8;
	[tilespmem:$0x1E800] =	vst v63  }
0xa3: {  	_ =	swait.ge [sflag:s21], $0x4000  }
0xa4: {  	[sflag:s21] =	ssyncset.done $0x0  }
0xa5: {  	s14 =	sadd.s32 $0x180, s14;
	[sflag:s21] =	ssyncadd.s32 $0xFFFFC000  }
.Ltmp5:
0xa6: {  	_ = 	snop;
	(pc) =	sbr.rel .LBB2_11-.Ltmp5, $1  }
0xa7: {  	_ =	sdelay $0x3  }
.LBB2_2:
0xa8: {  	s9 =	simm.s32 @p1 $0x1FC3;
	s14 =	rddreg [dreg:$0x4]  }
0xa9: {  	[spmem:s7], [sflag:s9] =	dma.local @p1 [hbm:s14], $0x1900  }
0xaa: {  	s9 =	simm.s32 @p1 $0x3  }
0xab: {  	_ =	swait.ge @p1 [sflag:s9], $0x1900  }
0xac: {  	[sflag:s9] =	ssyncset.done @p1 $0x0  }
0xad: {  	[sflag:s9] =	ssyncadd.s32 @p1 $0xFFFFE700;
	s9 =	rddreg [dreg:$0x3]  }
0xae: {  	[spmem:s31], [sflag:s0] =	dma.local @!p1 [hbm:s9], $0x2800  }
0xaf: {  	s9 =	simm.s32 @!p1 $0x3  }
0xb0: {  	_ =	swait.ge @!p1 [sflag:s9], $0x2800  }
0xb1: {  	[sflag:s9] =	ssyncset.done @!p1 $0x0  }
0xb2: {  	[sflag:s9] =	ssyncadd.s32 @!p1 $0xFFFFD800  }
0xb3: {  	s14 =	simm.s32 $0x0;
	[bflag:$0x0] =	sbarrier.arrive $0xFFFF  }
0xb4: {  	[tilespmem:s14], [sflag:$0x3] =	stream.linear.gather [hbm4b:s10+s14], $0x1400, $0x38;
	[tilespmem:$0x1E800] =	vst v63  }
0xb5: {  	_ =	swait.ge [sflag:s21], $0x1400  }
0xb6: {  	[sflag:s21] =	ssyncset.done $0x0  }
0xb7: {  	[sflag:s21] =	ssyncadd.s32 $0xFFFFEC00  }
0xb8: {  	[tilespmem:s22], [sflag:$0x3] =	stream.linear.gather [hbm4b:s11+s14], $0x1400, $0x38;
	[tilespmem:$0x1E800] =	vst v63  }
0xb9: {  	_ =	swait.ge [sflag:s21], $0x1400  }
0xba: {  	[sflag:s21] =	ssyncset.done $0x0  }
0xbb: {  	[sflag:s21] =	ssyncadd.s32 $0xFFFFEC00  }
0xbc: {  	[tilespmem:s24], [sflag:$0x1] =	stream.indirect.gather [hbm4b:s4+s23], $0x80, s14, s23, $0xb8;
	[tilespmem:$0x1E800] =	vst v63  }
0xbd: {  	_ = 	snop  }
0xbe: {  	[tilespmem:s25], [sflag:$0x2] =	stream.indirect.gather [hbm4b:s4+s23], $0x80, s23, s23, $0xb8;
	[tilespmem:$0x1E800] =	vst v63  }
0xbf: {  	_ =	swait.ge [sflag:s26], $0x4000  }
0xc0: {  	[sflag:s26] =	ssyncset.done $0x0  }
0xc1: {  	s15 =	simm.s32 $0x1400;
	[sflag:s26] =	ssyncadd.s32 $0xFFFFC000  }
0xc2: {  	[spmem:s1] =	stream.indirect.scatter.add.f32 [tilespmem:s24], [sflag:$0x3], $0x80, s15, s23, $0xb8;
	[tilespmem:$0x1E800] =	vst v63  }
0xc3: {  	_ =	swait.ge [sflag:s21], $0x4000  }
0xc4: {  	[sflag:s21] =	ssyncset.done $0x0  }
0xc5: {  	s14 =	simm.s32 $0x100;
	[sflag:s21] =	ssyncadd.s32 $0xFFFFC000  }
0xc6: {  	[tilespmem:s24], [sflag:$0x1] =	stream.indirect.gather [hbm4b:s4+s23], $0x80, s14, s23, $0xb8;
	[tilespmem:$0x1E800] =	vst v63  }
0xc7: {  	_ =	swait.ge [sflag:s28], $0x4000  }
0xc8: {  	[sflag:s28] =	ssyncset.done $0x0  }
0xc9: {  	s15 =	simm.s32 $0x1480;
	[sflag:s28] =	ssyncadd.s32 $0xFFFFC000  }
0xca: {  	[spmem:s1] =	stream.indirect.scatter.add.f32 [tilespmem:s25], [sflag:$0x3], $0x80, s15, s23, $0xb8;
	[tilespmem:$0x1E800] =	vst v63  }
0xcb: {  	_ =	swait.ge [sflag:s21], $0x4000  }
0xcc: {  	[sflag:s21] =	ssyncset.done $0x0  }
0xcd: {  	s9 =	simm.s32 $0x400;
	s14 =	simm.s32 $0x180;
	[sflag:s21] =	ssyncadd.s32 $0xFFFFC000  }
.LBB2_3:
0xce: {  	[tilespmem:s25], [sflag:$0x2] =	stream.indirect.gather [hbm4b:s4+s23], $0x80, s14, s23, $0xb8;
	[tilespmem:$0x1E800] =	vst v63  }
0xcf: {  	s14 =	smov.u32 s9  }
0xd0: {  	p2 =	sne.s32 s9, $0x4800;
	s9 =	sadd.s32 $0x400, s9;
	_ =	swait.ge [sflag:s26], $0x4000  }
0xd1: {  	s14 =	sshra.s32 s14, $0x2;
	[sflag:s26] =	ssyncset.done $0x0  }
0xd2: {  	s15 =	sadd.s32 $0x1400, s14;
	[sflag:s26] =	ssyncadd.s32 $0xFFFFC000  }
0xd3: {  	[spmem:s1] =	stream.indirect.scatter.add.f32 [tilespmem:s24], [sflag:$0x3], $0x80, s15, s23, $0xb8;
	[tilespmem:$0x1E800] =	vst v63  }
0xd4: {  	_ =	swait.ge [sflag:s21], $0x4000  }
0xd5: {  	[sflag:s21] =	ssyncset.done $0x0  }
0xd6: {  	s15 =	sadd.s32 $0x100, s14;
	[sflag:s21] =	ssyncadd.s32 $0xFFFFC000  }
0xd7: {  	[tilespmem:s24], [sflag:$0x1] =	stream.indirect.gather [hbm4b:s4+s23], $0x80, s15, s23, $0xb8;
	[tilespmem:$0x1E800] =	vst v63  }
0xd8: {  	_ =	swait.ge [sflag:s28], $0x4000  }
0xd9: {  	[sflag:s28] =	ssyncset.done $0x0  }
.Ltmp6:
0xda: {  	s15 =	sadd.s32 $0x1480, s14;
	[sflag:s28] =	ssyncadd.s32 $0xFFFFC000;
	(pc) =	sbr.rel @p2 .LBB2_3-.Ltmp6, $4  }
0xdb: {  	[spmem:s1] =	stream.indirect.scatter.add.f32 [tilespmem:s25], [sflag:$0x3], $0x80, s15, s23, $0xb8;
	[tilespmem:$0x1E800] =	vst v63  }
0xdc: {  	_ =	swait.ge [sflag:s21], $0x4000  }
0xdd: {  	[sflag:s21] =	ssyncset.done $0x0  }
0xde: {  	s14 =	sadd.s32 $0x180, s14;
	[sflag:s21] =	ssyncadd.s32 $0xFFFFC000  }
0xdf: {  	[tilespmem:s25], [sflag:$0x2] =	stream.indirect.gather [hbm4b:s4+s23], $0x80, s14, s23, $0xb8;
	[tilespmem:$0x1E800] =	vst v63  }
0xe0: {  	_ =	swait.ge [sflag:s26], $0x4000  }
0xe1: {  	[sflag:s26] =	ssyncset.done $0x0  }
0xe2: {  	[sflag:s26] =	ssyncadd.s32 $0xFFFFC000  }
0xe3: {  	[spmem:s1] =	stream.indirect.scatter.add.f32 [tilespmem:s24], [sflag:$0x3], $0x80, s29, s23, $0xb8;
	[tilespmem:$0x1E800] =	vst v63  }
0xe4: {  	_ =	swait.ge [sflag:s21], $0x4000  }
0xe5: {  	[sflag:s21] =	ssyncset.done $0x0  }
0xe6: {  	[sflag:s21] =	ssyncadd.s32 $0xFFFFC000  }
0xe7: {  	_ =	swait.ge [sflag:s28], $0x4000  }
0xe8: {  	[sflag:s28] =	ssyncset.done $0x0  }
0xe9: {  	[sflag:s28] =	ssyncadd.s32 $0xFFFFC000  }
0xea: {  	[spmem:s1] =	stream.indirect.scatter.add.f32 [tilespmem:s25], [sflag:$0x3], $0x80, s30, s23, $0xb8;
	[tilespmem:$0x1E800] =	vst v63  }
0xeb: {  	_ =	swait.ge [sflag:s21], $0x4000  }
0xec: {  	[sflag:s21] =	ssyncset.done $0x0  }
0xed: {  	s9 =	simm.s32 $0x0;
	[sflag:s21] =	ssyncadd.s32 $0xFFFFC000  }
0xee: {  	[tilespmem:s9], [sflag:$0x3] =	stream.linear.gather [hbm4b:s12+s9], $0x1400, $0x38;
	[tilespmem:$0x1E800] =	vst v63  }
0xef: {  	_ =	swait.ge [sflag:s21], $0x1400  }
0xf0: {  	[sflag:s21] =	ssyncset.done $0x0  }
0xf1: {  	[sflag:s21] =	ssyncadd.s32 $0xFFFFEC00  }
0xf2: {  	[tilespmem:s22], [sflag:$0x3] =	stream.linear.gather [hbm4b:s13+s9], $0x1400, $0x38;
	[tilespmem:$0x1E800] =	vst v63  }
0xf3: {  	_ =	swait.ge [sflag:s21], $0x1400  }
0xf4: {  	[sflag:s21] =	ssyncset.done $0x0  }
0xf5: {  	[sflag:s21] =	ssyncadd.s32 $0xFFFFEC00  }
0xf6: {  	[tilespmem:s24], [sflag:$0x1] =	stream.indirect.gather [hbm4b:s4+s23], $0x80, s9, s23, $0xb8;
	[tilespmem:$0x1E800] =	vst v63  }
0xf7: {  	_ = 	snop  }
0xf8: {  	[tilespmem:s25], [sflag:$0x2] =	stream.indirect.gather [hbm4b:s4+s23], $0x80, s23, s23, $0xb8;
	[tilespmem:$0x1E800] =	vst v63  }
0xf9: {  	_ =	swait.ge [sflag:s26], $0x4000  }
0xfa: {  	[sflag:s26] =	ssyncset.done $0x0  }
0xfb: {  	s15 =	simm.s32 $0x1400;
	[sflag:s26] =	ssyncadd.s32 $0xFFFFC000  }
0xfc: {  	[spmem:s1] =	stream.indirect.scatter.add.f32 [tilespmem:s24], [sflag:$0x3], $0x80, s15, s23, $0xb8;
	[tilespmem:$0x1E800] =	vst v63  }
0xfd: {  	_ =	swait.ge [sflag:s21], $0x4000  }
0xfe: {  	[sflag:s21] =	ssyncset.done $0x0  }
0xff: {  	s14 =	simm.s32 $0x100;
	[sflag:s21] =	ssyncadd.s32 $0xFFFFC000  }
0x100: {  	[tilespmem:s24], [sflag:$0x1] =	stream.indirect.gather [hbm4b:s4+s23], $0x80, s14, s23, $0xb8;
	[tilespmem:$0x1E800] =	vst v63  }
0x101: {  	_ =	swait.ge [sflag:s28], $0x4000  }
0x102: {  	[sflag:s28] =	ssyncset.done $0x0  }
0x103: {  	s15 =	simm.s32 $0x1480;
	[sflag:s28] =	ssyncadd.s32 $0xFFFFC000  }
0x104: {  	[spmem:s1] =	stream.indirect.scatter.add.f32 [tilespmem:s25], [sflag:$0x3], $0x80, s15, s23, $0xb8;
	[tilespmem:$0x1E800] =	vst v63  }
0x105: {  	_ =	swait.ge [sflag:s21], $0x4000  }
0x106: {  	[sflag:s21] =	ssyncset.done $0x0  }
0x107: {  	s9 =	simm.s32 $0x400;
	s14 =	simm.s32 $0x180;
	[sflag:s21] =	ssyncadd.s32 $0xFFFFC000  }
.LBB2_5:
0x108: {  	[tilespmem:s25], [sflag:$0x2] =	stream.indirect.gather [hbm4b:s4+s23], $0x80, s14, s23, $0xb8;
	[tilespmem:$0x1E800] =	vst v63  }
0x109: {  	s14 =	smov.u32 s9  }
0x10a: {  	p2 =	sne.s32 s9, $0x4800;
	s9 =	sadd.s32 $0x400, s9;
	_ =	swait.ge [sflag:s26], $0x4000  }
0x10b: {  	s14 =	sshra.s32 s14, $0x2;
	[sflag:s26] =	ssyncset.done $0x0  }
0x10c: {  	s15 =	sadd.s32 $0x1400, s14;
	[sflag:s26] =	ssyncadd.s32 $0xFFFFC000  }
0x10d: {  	[spmem:s1] =	stream.indirect.scatter.add.f32 [tilespmem:s24], [sflag:$0x3], $0x80, s15, s23, $0xb8;
	[tilespmem:$0x1E800] =	vst v63  }
0x10e: {  	_ =	swait.ge [sflag:s21], $0x4000  }
0x10f: {  	[sflag:s21] =	ssyncset.done $0x0  }
0x110: {  	s15 =	sadd.s32 $0x100, s14;
	[sflag:s21] =	ssyncadd.s32 $0xFFFFC000  }
0x111: {  	[tilespmem:s24], [sflag:$0x1] =	stream.indirect.gather [hbm4b:s4+s23], $0x80, s15, s23, $0xb8;
	[tilespmem:$0x1E800] =	vst v63  }
0x112: {  	_ =	swait.ge [sflag:s28], $0x4000  }
0x113: {  	[sflag:s28] =	ssyncset.done $0x0  }
.Ltmp7:
0x114: {  	s15 =	sadd.s32 $0x1480, s14;
	[sflag:s28] =	ssyncadd.s32 $0xFFFFC000;
	(pc) =	sbr.rel @p2 .LBB2_5-.Ltmp7, $4  }
0x115: {  	[spmem:s1] =	stream.indirect.scatter.add.f32 [tilespmem:s25], [sflag:$0x3], $0x80, s15, s23, $0xb8;
	[tilespmem:$0x1E800] =	vst v63  }
0x116: {  	_ =	swait.ge [sflag:s21], $0x4000  }
0x117: {  	[sflag:s21] =	ssyncset.done $0x0  }
0x118: {  	s14 =	sadd.s32 $0x180, s14;
	[sflag:s21] =	ssyncadd.s32 $0xFFFFC000  }
0x119: {  	[tilespmem:s25], [sflag:$0x2] =	stream.indirect.gather [hbm4b:s4+s23], $0x80, s14, s23, $0xb8;
	[tilespmem:$0x1E800] =	vst v63  }
0x11a: {  	_ =	swait.ge [sflag:s26], $0x4000  }
0x11b: {  	[sflag:s26] =	ssyncset.done $0x0  }
0x11c: {  	[sflag:s26] =	ssyncadd.s32 $0xFFFFC000  }
0x11d: {  	[spmem:s1] =	stream.indirect.scatter.add.f32 [tilespmem:s24], [sflag:$0x3], $0x80, s29, s23, $0xb8;
	[tilespmem:$0x1E800] =	vst v63  }
0x11e: {  	_ =	swait.ge [sflag:s21], $0x4000  }
0x11f: {  	[sflag:s21] =	ssyncset.done $0x0  }
0x120: {  	[sflag:s21] =	ssyncadd.s32 $0xFFFFC000  }
0x121: {  	_ =	swait.ge [sflag:s28], $0x4000  }
0x122: {  	[sflag:s28] =	ssyncset.done $0x0  }
0x123: {  	[sflag:s28] =	ssyncadd.s32 $0xFFFFC000  }
0x124: {  	[spmem:s1] =	stream.indirect.scatter.add.f32 [tilespmem:s25], [sflag:$0x3], $0x80, s30, s23, $0xb8;
	[tilespmem:$0x1E800] =	vst v63  }
0x125: {  	_ =	swait.ge [sflag:s21], $0x4000  }
0x126: {  	[sflag:s21] =	ssyncset.done $0x0  }
0x127: {  	[sflag:s21] =	ssyncadd.s32 $0xFFFFC000  }
0x128: {  	[bflag:$0x0] =	sbarrier.arrive $0xFFFF  }
0x129: {  	s9 =	simm.s32 @p1 $0x1FC3;
	s14 =	rddreg [dreg:$0x6]  }
0x12a: {  	[hbm:s14], [sflag:s9] =	dma.local @p1 [spmem:s7], $0x1900  }
0x12b: {  	s7 =	simm.s32 @p1 $0x3  }
0x12c: {  	_ =	swait.ge @p1 [sflag:s7], $0x1900  }
0x12d: {  	[sflag:s7] =	ssyncset.done @p1 $0x0  }
0x12e: {  	[sflag:s7] =	ssyncadd.s32 @p1 $0xFFFFE700;
	s7 =	rddreg [dreg:$0x5]  }
0x12f: {  	[hbm:s7], [sflag:s0] =	dma.local @!p1 [spmem:s31], $0x2800  }
.Ltmp8:
0x130: {  	_ = 	snop;
	(pc) =	sbr.rel .LBB2_12-.Ltmp8, $4  }
0x131: {  	s0 =	simm.s32 @!p1 $0x3  }
0x132: {  	_ =	swait.ge @!p1 [sflag:s0], $0x2800  }
0x133: {  	[sflag:s0] =	ssyncset.done @!p1 $0x0  }
0x134: {  	[sflag:s0] =	ssyncadd.s32 @!p1 $0xFFFFD800  }
.LBB2_13:
0x135: {  	_ =	sfence.sel $0x180000  }
0x136: {  	[bflag:$0x0] =	sbarrier.arrive $0xFFFF  }
0x137: {  	_ =	strace $0x9000004A  }
0x138: {  	[bflag:$0x2] =	sbarrier.arrive $0xFFFF  }
0x139: {  	p0 =	sne.s32 s2, $0x0;
	s0 =	rddreg [dreg:$0x2]  }
0x13a: {  	s0 =	sadd.s32 @!p0 $0x100000, s0  }
0x13b: {  	[sflag:s0] =	ssyncadd.tile.s32 @!p0 $0x1;
	_ =	shalt  }
.Lfunc_end2:
_tile_overlayer_lowered:
.L_overlay_start_2:
0x13c: {  	(tag) =	ssettag $0x2  }
0x13d: {  	s0 =	rddreg [dreg:$0x0];
	s2 =	stileid.u32  }
0x13e: {  	s1 =	rddreg [dreg:$0x1];
	p0 =	sne.s32 s2, $0x0  }
0x13f: {  	s3 =	rddreg [dreg:$0x2];
	[bflag:$0x3] =	sbarrier.arrive $0xFFFF;
	s2 =	simm.s32 @!p0 $0x1C03  }
0x140: {  	[timem:s3], [sflag:s2] =	dma.local @!p0 [hbm:s0], s1  }
0x141: {  	s0 =	simm.s32 @!p0 $0x3  }
0x142: {  	_ =	swait.ge @!p0 [sflag:s0], s1  }
0x143: {  	s1 =	ssub.s32 @!p0 $0x0, s1;
	[sflag:s0] =	ssyncset.done @!p0 $0x0  }
0x144: {  	[sflag:s0] =	ssyncadd.s32 @!p0 s1  }
0x145: {  	[bflag:$0x3] =	sbarrier.arrive $0xFFFF  }
0x146: {  	_ =	shalt  }

// kernel: kernel.14.cloned.1.call-start
scs
__scs_entry_jumppad:
0x0: {  	(pc) =	sbr.rel $0x88, $3  }
0x1: {  	(tag) =	ssettag $0x0;
	lr =	simm.s32 $0x1  }
0x2: {  	[smem:$0x3F9B] =	sst lr;
	_ =	strace $0xD0000000  }
0x3: {  	_ = 	snop  }
0x4: {  	_ = 	snop  }
0x5: {  	_ = 	snop  }
0x6: {  	_ = 	snop  }
0x7: {  	_ = 	snop  }
__scs_overlays_trampoline_lowered:
0x8: {  	[smem:$0x3FAA] =	sst s0  }
0x9: {  	[smem:$0x3FAB] =	sst s1  }
0xa: {  	[smem:$0x3FAC] =	sst s2  }
0xb: {  	[smem:$0x3FAD] =	sst s3  }
0xc: {  	[smem:$0x3FAE] =	sst s4  }
0xd: {  	[smem:$0x3FAF] =	sst s5  }
0xe: {  	[smem:$0x3FB0] =	sst s6  }
0xf: {  	[smem:$0x3FB1] =	sst s7  }
0x10: {  	[smem:$0x3FB2] =	sst s8  }
0x11: {  	[smem:$0x3FB3] =	sst s9;
	s0 =	simm.s32 @!p0 $0x0  }
0x12: {  	s1 =	sld [smem:$0x3F99];
	s0 =	simm.s32 @p0 $0x1  }
0x13: {  	[smem:$0x3FB4] =	sst s0;
	s0 =	simm.s32 @!p1 $0x0  }
0x14: {  	s2 =	sld [smem:$0x3F98];
	s0 =	simm.s32 @p1 $0x1  }
0x15: {  	[smem:$0x3FB5] =	sst s0;
	s0 =	simm.s32 @!p2 $0x0  }
0x16: {  	s3 =	sld [smem:$0x3FDB];
	s0 =	simm.s32 @p2 $0x1  }
0x17: {  	s4 =	simm.s32 $0x1BF5;
	[smem:$0x3FB7] =	sst s0  }
0x18: {  	s0 =	sld [smem:$0x3F9A];
	_ =	swait.ge [sflag:s4], $0x0  }
0x19: {  	s7 =	sld [smem:$0x3F9B]  }
0x1a: {  	s8 =	sadd.s32 $0xFFFFE003, lr  }
0x1b: {  	s9 =	sadd.s32 $0xFFFFFEF7, lr;
	s5 =	simm.s32 $0xFFFFFFFF;
	p2 =	slt.u32 s8, $0xFFFFF086  }
0x1c: {  	p1 =	slt.u32 s9, $0xF7A;
	s5 =	simm.s32 @!p2 $0x0  }
0x1d: {  	s5 =	simm.s32 @p1 $0x1;
	p0 =	seq.s32 s7, s2  }
0x1e: {  	s7 =	smul.u32 @!p0 $0xF7A, s2;
	p2 =	seq.s32 @!p0 s5, $0x0  }
0x1f: {  	s9 =	smul.u32 $0xF7A, s1;
	s8 =	simm.s32 @!p0 $0x1BF5;
	p2 =	por !p2, p0  }
0x20: {  	[sflag:s8] =	ssyncset.s32 @!p0 $0xFFFFF086;
	s6 =	sadd.s32 @!p0 s3, s7;
	s7 =	simm.s32 @!p0 $0x108  }
0x21: {  	s3 =	sadd.s32 s3, s9;
	s6 =	sadd.s32 @!p0 $0x88, s6;
	s7 =	simm.s32 @p2 $0x1082  }
0x22: {  	[simem:s7], [sflag:s8] =	dma.local @!p0 [hbm:s6], $0xF7A  }
0x23: {  	s9 =	sor.u32 $0xD0000000, s2;
	s6 =	simm.s32 $0x108;
	_ =	swait.ge @!p0 [sflag:s8], $0x0  }
0x24: {  	s3 =	sadd.s32 $0x88, s3;
	s6 =	simm.s32 @!p1 $0x1082;
	[sflag:s4] =	ssyncset.s32 $0xFFFFF086  }
0x25: {  	[simem:s6], [sflag:s4] =	dma.local [hbm:s3], $0xF7A  }
0x26: {  	[smem:$0x3F9B] =	sst s1;
	(tag) =	ssettag s2;
	_ =	strace s9  }
0x27: {  	s1 =	sld [smem:$0x3FAB]  }
0x28: {  	s2 =	sld [smem:$0x3FAC]  }
0x29: {  	s4 =	sld [smem:$0x3FAE]  }
0x2a: {  	p0 =	seq.s32 s5, $0x0;
	s5 =	sld [smem:$0x3FAF]  }
0x2b: {  	s6 =	sld [smem:$0x3FB0]  }
0x2c: {  	s7 =	sld [smem:$0x3FB1]  }
0x2d: {  	s3 =	simm.s32 $0x108;
	s8 =	sld [smem:$0x3FB2]  }
0x2e: {  	s3 =	simm.s32 @!p0 $0x1082;
	s9 =	sld [smem:$0x3FB3]  }
0x2f: {  	lr =	sadd.s32 s0, s3;
	s0 =	sld [smem:$0x3FAA]  }
0x30: {  	s3 =	sld [smem:$0x3FAD]  }
0x31: {  	[smem:$0x3FB6] =	sst s10  }
0x32: {  	s10 =	sld [smem:$0x3FB4];
	_ =	sdelay $0x3  }
0x33: {  	p0 =	seq.s32 s10, $0x1;
	s10 =	sld [smem:$0x3FB6];
	_ =	sdelay $0x3  }
0x34: {  	[smem:$0x3FB6] =	sst s10  }
0x35: {  	s10 =	sld [smem:$0x3FB5];
	_ =	sdelay $0x3  }
0x36: {  	p1 =	seq.s32 s10, $0x1;
	s10 =	sld [smem:$0x3FB6];
	_ =	sdelay $0x3  }
0x37: {  	[smem:$0x3FB6] =	sst s10  }
0x38: {  	s10 =	sld [smem:$0x3FB7]  }
0x39: {  	_ = 	snop;
	(pc) =	sbr.ind lr, $3  }
0x3a: {  	_ = 	snop  }
0x3b: {  	_ = 	snop  }
0x3c: {  	p2 =	seq.s32 s10, $0x1;
	s10 =	sld [smem:$0x3FB6]  }
0x3d: {  	_ =	shalt  }
0x3e: {  	_ =	shalt  }
0x3f: {  	_ =	shalt  }
0x40: {  	_ =	shalt  }
0x41: {  	_ =	shalt  }
0x42: {  	_ =	shalt  }
0x43: {  	_ =	shalt  }
0x44: {  	_ =	shalt  }
0x45: {  	_ =	shalt  }
0x46: {  	_ =	shalt  }
0x47: {  	_ =	shalt  }
0x48: {  	_ =	shalt  }
0x49: {  	_ =	shalt  }
0x4a: {  	_ =	shalt  }
0x4b: {  	_ =	shalt  }
0x4c: {  	_ =	shalt  }
0x4d: {  	_ =	shalt  }
0x4e: {  	_ =	shalt  }
0x4f: {  	_ =	shalt  }
0x50: {  	_ =	shalt  }
0x51: {  	_ =	shalt  }
0x52: {  	_ =	shalt  }
0x53: {  	_ =	shalt  }
0x54: {  	_ =	shalt  }
0x55: {  	_ =	shalt  }
0x56: {  	_ =	shalt  }
0x57: {  	_ =	shalt  }
0x58: {  	_ =	shalt  }
0x59: {  	_ =	shalt  }
0x5a: {  	_ =	shalt  }
0x5b: {  	_ =	shalt  }
0x5c: {  	_ =	shalt  }
0x5d: {  	_ =	shalt  }
0x5e: {  	_ =	shalt  }
0x5f: {  	_ =	shalt  }
0x60: {  	_ =	shalt  }
0x61: {  	_ =	shalt  }
0x62: {  	_ =	shalt  }
0x63: {  	_ =	shalt  }
0x64: {  	_ =	shalt  }
0x65: {  	_ =	shalt  }
0x66: {  	_ =	shalt  }
0x67: {  	_ =	shalt  }
0x68: {  	_ =	shalt  }
0x69: {  	_ =	shalt  }
0x6a: {  	_ =	shalt  }
0x6b: {  	_ =	shalt  }
0x6c: {  	_ =	shalt  }
0x6d: {  	_ =	shalt  }
0x6e: {  	_ =	shalt  }
0x6f: {  	_ =	shalt  }
0x70: {  	_ =	shalt  }
0x71: {  	_ =	shalt  }
0x72: {  	_ =	shalt  }
0x73: {  	_ =	shalt  }
0x74: {  	_ =	shalt  }
0x75: {  	_ =	shalt  }
0x76: {  	_ =	shalt  }
0x77: {  	_ =	shalt  }
0x78: {  	_ =	shalt  }
0x79: {  	_ =	shalt  }
0x7a: {  	_ =	shalt  }
0x7b: {  	_ =	shalt  }
0x7c: {  	_ =	shalt  }
0x7d: {  	_ =	shalt  }
0x7e: {  	_ =	shalt  }
0x7f: {  	_ =	shalt  }
0x80: {  	_ =	shalt  }
0x81: {  	_ =	shalt  }
0x82: {  	_ =	shalt  }
0x83: {  	_ =	shalt  }
0x84: {  	_ =	shalt  }
0x85: {  	_ =	shalt  }
0x86: {  	_ =	shalt  }
0x87: {  	_ =	shalt  }
.Lfunc_end0:
.L_simem_size_0:
called_computation.2_lowered:
.L_overlay_start_0:
0x88: {  	s2 =	sld [smem:$0x3FD9]  }
0x89: {  	s3 =	sld [smem:$0x3FFE];
	_ =	sdelay $0x1  }
0x8a: {  	s1 =	srdreg.scid  }
0x8b: {  	s0 =	sand.u32 $0x1, s1  }
0x8c: {  	s16 =	sshll.u32 s0, $0xA;
	s2 =	sadd.s32 s3, s2  }
0x8d: {  	s2 =	sadd.s32 s2, s16  }
0x8e: {  	[smem:$0x3FC2] =	sst s2  }
0x8f: {  	_ = 	snop  }
0x90: {  	(tm) =	ssettm $0x1  }
0x91: {  	s17 =	sld [smem:$0x3FFB];
	_ =	sdelay $0x3  }
0x92: {  	_ =	strace s17  }
0x93: {  	s2 =	sld [smem:$0x3FFC];
	_ =	sdelay $0x3  }
0x94: {  	_ =	strace s2  }
0x95: {  	s2 =	sld [smem:$0x3FFD];
	_ =	sdelay $0x3  }
0x96: {  	_ =	strace s2  }
0x97: {  	_ =	strace $0x8FFFFFFF  }
0x98: {  	s18 =	sld [smem:$0x3FDB];
	_ =	sdelay $0x1  }
0x99: {  	s19 =	simm.s32 $_scs_section_size  }
0x9a: {  	s4 =	simm.s32 $_size__tile_overlayer_lowered;
	s5 =	simm.s32 $_tile_overlayer_lowered  }
0x9b: {  	s22 =	simm.s32 $0x1BFF;
	s21 =	sshll.u32 s5, $0x1;
	s2 =	sadd.s32 s19, s18  }
0x9c: {  	s6 =	simm.s32 $0x0;
	s20 =	sshll.u32 s4, $0x1;
	s4 =	sadd.s32 s21, s2  }
0x9d: {  	[timem:s6], [sflag:s22] =	dma.local [hbm:s4], s20  }
0x9e: {  	_ =	swait.ge [sflag:s22], s20  }
0x9f: {  	s3 =	ssub.s32 $0x0, s20;
	[sflag:s22] =	ssyncset.done $0x0  }
0xa0: {  	[sflag:s22] =	ssyncadd.s32 s3;
	_ =	sdelay $0x1  }
0xa1: {  	s23 =	simm.s32 $0x1B8B  }
0xa2: {  	_ =	swait.ge [sflag:s23], $0x1  }
0xa3: {  	[sflag:s23] =	ssyncset.done $0x0  }
0xa4: {  	s25 =	simm.s32 $0x1B8E;
	s24 =	sld [smem:$0x3FFE];
	[sflag:s23] =	ssyncadd.s32 $0xFFFFFFFF  }
0xa5: {  	s26 =	simm.s32 $execute0_lowered;
	[smem:$0x3FD2] =	sst s25  }
0xa6: {  	s4 =	sshll.u32 s26, $0x1;
	_ =	strace $0x8000004C;
	[dreg:$0x1] =	wrdreg $0xFFFFFFFF  }
0xa7: {  	s28 =	simm.s32 $_size_execute0_lowered;
	s2 =	sadd.s32 s2, s4;
	[dreg:$0x0] =	wrdreg $0x0  }
0xa8: {  	s4 =	sshll.u32 s28, $0x1;
	[dreg:$0x2] =	wrdreg s2  }
0xa9: {  	[dreg:$0x3] =	wrdreg s4  }
0xaa: {  	[dreg:$0x4] =	wrdreg $0xC0  }
0xab: {  	_ =	task [dreg:s6], $0x5FFFF  }
0xac: {  	[dreg:$0x1] =	wrdreg $0xFFFFFFFF  }
0xad: {  	[dreg:$0x0] =	wrdreg $0x60  }
0xae: {  	[dreg:$0x2] =	wrdreg s24  }
0xaf: {  	[dreg:$0x3] =	wrdreg $0x28000  }
0xb0: {  	[dreg:$0x4] =	wrdreg $0x9  }
0xb1: {  	_ =	task.clear_ibuf [dreg:s6], $0x5FFFF;
	_ =	strace $0x9000004C  }
0xb2: {  	s29 =	simm.s32 $0x9;
	_ =	strace $0x8000004E  }
0xb3: {  	_ =	swait.ge [sflag:s29], $0x1  }
0xb4: {  	[sflag:s29] =	ssyncadd.s32 $0xFFFFFFFF  }
0xb5: {  	_ =	strace $0x9000004E  }
0xb6: {  	_ =	sfence  }
0xb7: {  	s30 =	sld [smem:$0x0];
	_ =	sdelay $0x2  }
0xb8: {  	s31 =	sshll.u32 s1, $0xD;
	s1 =	sshrl.u32 s1, $0x2  }
0xb9: {  	s3 =	sand.u32 $0x4000, s31;
	s1 =	sadd.s32 s1, s30  }
0xba: {  	s0 =	sor.u32 s3, s0;
	s1 =	sshll.u32 s1, $0x11  }
0xbb: {  	s0 =	sor.u32 s1, s0  }
0xbc: {  	s0 =	sadd.s32 $0x8F2B, s0  }
0xbd: {  	[sflag:s0] =	ssyncadd.remote.s32 $0x1  }
0xbe: {  	_ =	sfence.sel $0xFFFF  }
0xbf: {  	[dreg:$0x0] =	wrdreg $0xFFFFFFFF;
	(pc) =	sbr.abs _section_cstart, $3  }
0xc0: {  	[dreg:$0x1] =	wrdreg $0xFFFFFFFF  }
0xc1: {  	_ =	task.clear_ibuf [dreg:s6], $0x2FFFF;
	_ =	strace $0x9FFFFFFF  }
0xc2: {  	(tm) =	ssettm $0x7FFFFFFF  }
0xc3: {  	_ =	shalt  }
tec
execute0_lowered:
.L_overlay_start_1:
0x0: {  	(tag) =	ssettag $0x1  }
0x1: {  	s0 =	rddreg [dreg:$0x0]  }
0x2: {  	s1 =	rddreg [dreg:$0x1]  }
0x3: {  	s3 =	simm.s32 $0x0;
	s2 =	stileid.u32;
	s6 =	srdreg.scid  }
0x4: {  	s21 =	simm.s32 $0x3;
	s22 =	simm.s32 $0x1400;
	s28 =	simm.s32 $0x2  }
0x5: {  	s29 =	simm.s32 $0x2700;
	s30 =	simm.s32 $0x2780;
	[smem:$0x7FF] =	sst s3  }
0x6: {  	s4 =	sadd.s32 $0xD600, s0;
	s7 =	smul.u32 $0x2800, s2;
	s5 =	sadd.s32 $0x34800, s0  }
0x7: {  	s6 =	sand.u32 $0x1, s6;
	s8 =	smul.u32 $0x50000, s2;
	s9 =	sadd.s32 $0x3600, s0  }
0x8: {  	s13 =	sadd.s32 $0x8600, s0;
	s24 =	smul.u32 $0x500, s2;
	s12 =	sadd.s32 $0x32E00, s0  }
0x9: {  	s31 =	sadd.s32 $0x81200, s0;
	s17 =	sadd.s32 $0x5A000, s0;
	s19 =	sadd.s32 $0xA8400, s0  }
0xa: {  	p1 =	seq.s32 s2, $0xF;
	_ =	strace $0x8000004D;
	[dreg:$0x4] =	wrdreg s12  }
0xb: {  	s10 =	ssub.s32 $0x2, s6;
	p0 =	seq.s32 s6, $0x1;
	[dreg:$0x6] =	wrdreg s31  }
0xc: {  	s14 =	sadd.s32 s7, s0;
	s11 =	sshrl.u32 s10, $0x1;
	s8 =	sshrl.u32 s8, $0x2  }
0xd: {  	s23 =	sadd.s32 s4, s7;
	s25 =	sshrl.u32 s7, $0x3;
	s16 =	sadd.s32 s5, s7  }
0xe: {  	s20 =	ssub.s32 s10, s11;
	s6 =	sadd.s32 s8, s1;
	[dreg:$0x3] =	wrdreg s23  }
.Ltmp0:
0xf: {  	s8 =	sadd.s32 $0x12C000, s1;
	s15 =	sadd.s32 $0x280, s25;
	(pc) =	sbr.rel .LBB2_1-.Ltmp0, $4  }
0x10: {  	s10 =	sadd.s32 s9, s24;
	s11 =	sadd.s32 s13, s24;
	s26 =	sadd.s32 $0x5BA00, s14  }
0x11: {  	s18 =	sadd.s32 $0x82C00, s14;
	s23 =	simm.s32 $0x80;
	s24 =	simm.s32 $0x16800  }
0x12: {  	s25 =	simm.s32 $0x1A800;
	s12 =	sadd.s32 s9, s15;
	s13 =	sadd.s32 s13, s15  }
0x13: {  	[dreg:$0x5] =	wrdreg s26;
	s20 =	smax.u32 s20, $0x1;
	s26 =	simm.s32 $0x1  }
.LBB2_11:
0x14: {  	[tilespmem:s25], [sflag:$0x2] =	stream.indirect.gather [hbm4b:s5+s23], $0x80, s14, s23, $0xb8;
	[tilespmem:$0x1E800] =	vst v63  }
0x15: {  	_ =	swait.ge [sflag:s26], $0x4000  }
0x16: {  	[sflag:s26] =	ssyncset.done $0x0  }
0x17: {  	[sflag:s26] =	ssyncadd.s32 $0xFFFFC000  }
0x18: {  	[spmem:s1] =	stream.indirect.scatter.add.f32 [tilespmem:s24], [sflag:$0x3], $0x80, s29, s23, $0xb8;
	[tilespmem:$0x1E800] =	vst v63  }
0x19: {  	_ =	swait.ge [sflag:s21], $0x4000  }
0x1a: {  	[sflag:s21] =	ssyncset.done $0x0  }
0x1b: {  	[sflag:s21] =	ssyncadd.s32 $0xFFFFC000  }
0x1c: {  	_ =	swait.ge [sflag:s28], $0x4000  }
0x1d: {  	[sflag:s28] =	ssyncset.done $0x0  }
0x1e: {  	[sflag:s28] =	ssyncadd.s32 $0xFFFFC000  }
0x1f: {  	[spmem:s1] =	stream.indirect.scatter.add.f32 [tilespmem:s25], [sflag:$0x3], $0x80, s30, s23, $0xb8;
	[tilespmem:$0x1E800] =	vst v63  }
0x20: {  	_ =	swait.ge [sflag:s21], $0x4000  }
0x21: {  	[sflag:s21] =	ssyncset.done $0x0  }
0x22: {  	[sflag:s21] =	ssyncadd.s32 $0xFFFFC000  }
0x23: {  	s9 =	simm.s32 @p1 $0x1FC3;
	[bflag:$0x0] =	sbarrier.arrive $0xFFFF  }
0x24: {  	[hbm:s19], [sflag:s9] =	dma.local @p1 [spmem:s7], $0x1900  }
0x25: {  	s7 =	simm.s32 @p1 $0x3  }
0x26: {  	_ =	swait.ge @p1 [sflag:s7], $0x1900  }
0x27: {  	[sflag:s7] =	ssyncset.done @p1 $0x0  }
0x28: {  	[sflag:s7] =	ssyncadd.s32 @p1 $0xFFFFE700  }
0x29: {  	[hbm:s18], [sflag:s0] =	dma.local @!p1 [spmem:s31], $0x2800  }
0x2a: {  	s0 =	simm.s32 @!p1 $0x3  }
0x2b: {  	_ =	swait.ge @!p1 [sflag:s0], $0x2800  }
0x2c: {  	[sflag:s0] =	ssyncset.done @!p1 $0x0  }
0x2d: {  	[sflag:s0] =	ssyncadd.s32 @!p1 $0xFFFFD800  }
.LBB2_12:
0x2e: {  	s3 =	sadd.s32 $0x1, s3  }
0x2f: {  	p2 =	sne.s32 s3, s20  }
.Ltmp1:
0x30: {  	_ = 	snop;
	(pc) =	sbr.rel @!p2 .LBB2_13-.Ltmp1, $1  }
0x31: {  	_ =	sdelay $0x3  }
.LBB2_1:
.Ltmp2:
0x32: {  	(pc) =	sbr.rel @!p0 .LBB2_2-.Ltmp2, $3  }
0x33: {  	_ =	sdelay $0x1  }
0x34: {  	s0 =	sshll.u32 @!p1 s2, $0x6  }
0x35: {  	s7 =	sshrl.u32 @p1 s8, $0x3;
	s31 =	sshrl.u32 @!p1 s6, $0x3;
	s0 =	sor.u32 @!p1 $0x1C03, s0  }
0x36: {  	s9 =	simm.s32 @p1 $0x1FC3  }
0x37: {  	[spmem:s7], [sflag:s9] =	dma.local @p1 [hbm:s17], $0x1900  }
0x38: {  	s9 =	simm.s32 @p1 $0x3  }
0x39: {  	_ =	swait.ge @p1 [sflag:s9], $0x1900  }
0x3a: {  	[sflag:s9] =	ssyncset.done @p1 $0x0  }
0x3b: {  	[sflag:s9] =	ssyncadd.s32 @p1 $0xFFFFE700;
	s9 =	simm.s32 @!p1 $0x3  }
0x3c: {  	[spmem:s31], [sflag:s0] =	dma.local @!p1 [hbm:s16], $0x2800  }
0x3d: {  	_ =	swait.ge @!p1 [sflag:s9], $0x2800  }
0x3e: {  	[sflag:s9] =	ssyncset.done @!p1 $0x0  }
0x3f: {  	[sflag:s9] =	ssyncadd.s32 @!p1 $0xFFFFD800  }
0x40: {  	s14 =	simm.s32 $0x0;
	[bflag:$0x0] =	sbarrier.arrive $0xFFFF  }
0x41: {  	[tilespmem:s14], [sflag:$0x3] =	stream.linear.gather [hbm4b:s10+s14], $0x1400, $0x38;
	[tilespmem:$0x1E800] =	vst v63  }
0x42: {  	_ =	swait.ge [sflag:s21], $0x1400  }
0x43: {  	[sflag:s21] =	ssyncset.done $0x0  }
0x44: {  	[sflag:s21] =	ssyncadd.s32 $0xFFFFEC00  }
0x45: {  	[tilespmem:s22], [sflag:$0x3] =	stream.linear.gather [hbm4b:s11+s14], $0x1400, $0x38;
	[tilespmem:$0x1E800] =	vst v63  }
0x46: {  	_ =	swait.ge [sflag:s21], $0x1400  }
0x47: {  	[sflag:s21] =	ssyncset.done $0x0  }
0x48: {  	[sflag:s21] =	ssyncadd.s32 $0xFFFFEC00  }
0x49: {  	[tilespmem:s24], [sflag:$0x1] =	stream.indirect.gather [hbm4b:s5+s23], $0x80, s14, s23, $0xb8;
	[tilespmem:$0x1E800] =	vst v63  }
0x4a: {  	_ = 	snop  }
0x4b: {  	[tilespmem:s25], [sflag:$0x2] =	stream.indirect.gather [hbm4b:s5+s23], $0x80, s23, s23, $0xb8;
	[tilespmem:$0x1E800] =	vst v63  }
0x4c: {  	_ =	swait.ge [sflag:s26], $0x4000  }
0x4d: {  	[sflag:s26] =	ssyncset.done $0x0  }
0x4e: {  	s15 =	simm.s32 $0x1400;
	[sflag:s26] =	ssyncadd.s32 $0xFFFFC000  }
0x4f: {  	[spmem:s1] =	stream.indirect.scatter.add.f32 [tilespmem:s24], [sflag:$0x3], $0x80, s15, s23, $0xb8;
	[tilespmem:$0x1E800] =	vst v63  }
0x50: {  	_ =	swait.ge [sflag:s21], $0x4000  }
0x51: {  	[sflag:s21] =	ssyncset.done $0x0  }
0x52: {  	s14 =	simm.s32 $0x100;
	[sflag:s21] =	ssyncadd.s32 $0xFFFFC000  }
0x53: {  	[tilespmem:s24], [sflag:$0x1] =	stream.indirect.gather [hbm4b:s5+s23], $0x80, s14, s23, $0xb8;
	[tilespmem:$0x1E800] =	vst v63  }
0x54: {  	_ =	swait.ge [sflag:s28], $0x4000  }
0x55: {  	[sflag:s28] =	ssyncset.done $0x0  }
0x56: {  	s15 =	simm.s32 $0x1480;
	[sflag:s28] =	ssyncadd.s32 $0xFFFFC000  }
0x57: {  	[spmem:s1] =	stream.indirect.scatter.add.f32 [tilespmem:s25], [sflag:$0x3], $0x80, s15, s23, $0xb8;
	[tilespmem:$0x1E800] =	vst v63  }
0x58: {  	_ =	swait.ge [sflag:s21], $0x4000  }
0x59: {  	[sflag:s21] =	ssyncset.done $0x0  }
0x5a: {  	s9 =	simm.s32 $0x400;
	s14 =	simm.s32 $0x180;
	[sflag:s21] =	ssyncadd.s32 $0xFFFFC000  }
.LBB2_8:
0x5b: {  	[tilespmem:s25], [sflag:$0x2] =	stream.indirect.gather [hbm4b:s5+s23], $0x80, s14, s23, $0xb8;
	[tilespmem:$0x1E800] =	vst v63  }
0x5c: {  	s14 =	smov.u32 s9  }
0x5d: {  	p2 =	sne.s32 s9, $0x4800;
	s9 =	sadd.s32 $0x400, s9;
	_ =	swait.ge [sflag:s26], $0x4000  }
0x5e: {  	s14 =	sshra.s32 s14, $0x2;
	[sflag:s26] =	ssyncset.done $0x0  }
0x5f: {  	s15 =	sadd.s32 $0x1400, s14;
	[sflag:s26] =	ssyncadd.s32 $0xFFFFC000  }
0x60: {  	[spmem:s1] =	stream.indirect.scatter.add.f32 [tilespmem:s24], [sflag:$0x3], $0x80, s15, s23, $0xb8;
	[tilespmem:$0x1E800] =	vst v63  }
0x61: {  	_ =	swait.ge [sflag:s21], $0x4000  }
0x62: {  	[sflag:s21] =	ssyncset.done $0x0  }
0x63: {  	s15 =	sadd.s32 $0x100, s14;
	[sflag:s21] =	ssyncadd.s32 $0xFFFFC000  }
0x64: {  	[tilespmem:s24], [sflag:$0x1] =	stream.indirect.gather [hbm4b:s5+s23], $0x80, s15, s23, $0xb8;
	[tilespmem:$0x1E800] =	vst v63  }
0x65: {  	_ =	swait.ge [sflag:s28], $0x4000  }
0x66: {  	[sflag:s28] =	ssyncset.done $0x0  }
.Ltmp3:
0x67: {  	s15 =	sadd.s32 $0x1480, s14;
	[sflag:s28] =	ssyncadd.s32 $0xFFFFC000;
	(pc) =	sbr.rel @p2 .LBB2_8-.Ltmp3, $4  }
0x68: {  	[spmem:s1] =	stream.indirect.scatter.add.f32 [tilespmem:s25], [sflag:$0x3], $0x80, s15, s23, $0xb8;
	[tilespmem:$0x1E800] =	vst v63  }
0x69: {  	_ =	swait.ge [sflag:s21], $0x4000  }
0x6a: {  	[sflag:s21] =	ssyncset.done $0x0  }
0x6b: {  	s14 =	sadd.s32 $0x180, s14;
	[sflag:s21] =	ssyncadd.s32 $0xFFFFC000  }
0x6c: {  	[tilespmem:s25], [sflag:$0x2] =	stream.indirect.gather [hbm4b:s5+s23], $0x80, s14, s23, $0xb8;
	[tilespmem:$0x1E800] =	vst v63  }
0x6d: {  	_ =	swait.ge [sflag:s26], $0x4000  }
0x6e: {  	[sflag:s26] =	ssyncset.done $0x0  }
0x6f: {  	[sflag:s26] =	ssyncadd.s32 $0xFFFFC000  }
0x70: {  	[spmem:s1] =	stream.indirect.scatter.add.f32 [tilespmem:s24], [sflag:$0x3], $0x80, s29, s23, $0xb8;
	[tilespmem:$0x1E800] =	vst v63  }
0x71: {  	_ =	swait.ge [sflag:s21], $0x4000  }
0x72: {  	[sflag:s21] =	ssyncset.done $0x0  }
0x73: {  	[sflag:s21] =	ssyncadd.s32 $0xFFFFC000  }
0x74: {  	_ =	swait.ge [sflag:s28], $0x4000  }
0x75: {  	[sflag:s28] =	ssyncset.done $0x0  }
0x76: {  	[sflag:s28] =	ssyncadd.s32 $0xFFFFC000  }
0x77: {  	[spmem:s1] =	stream.indirect.scatter.add.f32 [tilespmem:s25], [sflag:$0x3], $0x80, s30, s23, $0xb8;
	[tilespmem:$0x1E800] =	vst v63  }
0x78: {  	_ =	swait.ge [sflag:s21], $0x4000  }
0x79: {  	[sflag:s21] =	ssyncset.done $0x0  }
0x7a: {  	s9 =	simm.s32 $0x0;
	[sflag:s21] =	ssyncadd.s32 $0xFFFFC000  }
0x7b: {  	[tilespmem:s9], [sflag:$0x3] =	stream.linear.gather [hbm4b:s12+s9], $0x1400, $0x38;
	[tilespmem:$0x1E800] =	vst v63  }
0x7c: {  	_ =	swait.ge [sflag:s21], $0x1400  }
0x7d: {  	[sflag:s21] =	ssyncset.done $0x0  }
0x7e: {  	[sflag:s21] =	ssyncadd.s32 $0xFFFFEC00  }
0x7f: {  	[tilespmem:s22], [sflag:$0x3] =	stream.linear.gather [hbm4b:s13+s9], $0x1400, $0x38;
	[tilespmem:$0x1E800] =	vst v63  }
0x80: {  	_ =	swait.ge [sflag:s21], $0x1400  }
0x81: {  	[sflag:s21] =	ssyncset.done $0x0  }
0x82: {  	[sflag:s21] =	ssyncadd.s32 $0xFFFFEC00  }
0x83: {  	[tilespmem:s24], [sflag:$0x1] =	stream.indirect.gather [hbm4b:s5+s23], $0x80, s9, s23, $0xb8;
	[tilespmem:$0x1E800] =	vst v63  }
0x84: {  	_ = 	snop  }
0x85: {  	[tilespmem:s25], [sflag:$0x2] =	stream.indirect.gather [hbm4b:s5+s23], $0x80, s23, s23, $0xb8;
	[tilespmem:$0x1E800] =	vst v63  }
0x86: {  	_ =	swait.ge [sflag:s26], $0x4000  }
0x87: {  	[sflag:s26] =	ssyncset.done $0x0  }
0x88: {  	s15 =	simm.s32 $0x1400;
	[sflag:s26] =	ssyncadd.s32 $0xFFFFC000  }
0x89: {  	[spmem:s1] =	stream.indirect.scatter.add.f32 [tilespmem:s24], [sflag:$0x3], $0x80, s15, s23, $0xb8;
	[tilespmem:$0x1E800] =	vst v63  }
0x8a: {  	_ =	swait.ge [sflag:s21], $0x4000  }
0x8b: {  	[sflag:s21] =	ssyncset.done $0x0  }
0x8c: {  	s14 =	simm.s32 $0x100;
	[sflag:s21] =	ssyncadd.s32 $0xFFFFC000  }
0x8d: {  	[tilespmem:s24], [sflag:$0x1] =	stream.indirect.gather [hbm4b:s5+s23], $0x80, s14, s23, $0xb8;
	[tilespmem:$0x1E800] =	vst v63  }
0x8e: {  	_ =	swait.ge [sflag:s28], $0x4000  }
0x8f: {  	[sflag:s28] =	ssyncset.done $0x0  }
0x90: {  	s15 =	simm.s32 $0x1480;
	[sflag:s28] =	ssyncadd.s32 $0xFFFFC000  }
0x91: {  	[spmem:s1] =	stream.indirect.scatter.add.f32 [tilespmem:s25], [sflag:$0x3], $0x80, s15, s23, $0xb8;
	[tilespmem:$0x1E800] =	vst v63  }
0x92: {  	_ =	swait.ge [sflag:s21], $0x4000  }
0x93: {  	[sflag:s21] =	ssyncset.done $0x0  }
0x94: {  	s9 =	simm.s32 $0x400;
	s14 =	simm.s32 $0x180;
	[sflag:s21] =	ssyncadd.s32 $0xFFFFC000  }
.LBB2_10:
0x95: {  	[tilespmem:s25], [sflag:$0x2] =	stream.indirect.gather [hbm4b:s5+s23], $0x80, s14, s23, $0xb8;
	[tilespmem:$0x1E800] =	vst v63  }
0x96: {  	s14 =	smov.u32 s9  }
0x97: {  	p2 =	sne.s32 s9, $0x4800;
	s9 =	sadd.s32 $0x400, s9;
	_ =	swait.ge [sflag:s26], $0x4000  }
0x98: {  	s14 =	sshra.s32 s14, $0x2;
	[sflag:s26] =	ssyncset.done $0x0  }
0x99: {  	s15 =	sadd.s32 $0x1400, s14;
	[sflag:s26] =	ssyncadd.s32 $0xFFFFC000  }
0x9a: {  	[spmem:s1] =	stream.indirect.scatter.add.f32 [tilespmem:s24], [sflag:$0x3], $0x80, s15, s23, $0xb8;
	[tilespmem:$0x1E800] =	vst v63  }
0x9b: {  	_ =	swait.ge [sflag:s21], $0x4000  }
0x9c: {  	[sflag:s21] =	ssyncset.done $0x0  }
0x9d: {  	s15 =	sadd.s32 $0x100, s14;
	[sflag:s21] =	ssyncadd.s32 $0xFFFFC000  }
0x9e: {  	[tilespmem:s24], [sflag:$0x1] =	stream.indirect.gather [hbm4b:s5+s23], $0x80, s15, s23, $0xb8;
	[tilespmem:$0x1E800] =	vst v63  }
0x9f: {  	_ =	swait.ge [sflag:s28], $0x4000  }
0xa0: {  	[sflag:s28] =	ssyncset.done $0x0  }
.Ltmp4:
0xa1: {  	s15 =	sadd.s32 $0x1480, s14;
	[sflag:s28] =	ssyncadd.s32 $0xFFFFC000;
	(pc) =	sbr.rel @p2 .LBB2_10-.Ltmp4, $4  }
0xa2: {  	[spmem:s1] =	stream.indirect.scatter.add.f32 [tilespmem:s25], [sflag:$0x3], $0x80, s15, s23, $0xb8;
	[tilespmem:$0x1E800] =	vst v63  }
0xa3: {  	_ =	swait.ge [sflag:s21], $0x4000  }
0xa4: {  	[sflag:s21] =	ssyncset.done $0x0  }
0xa5: {  	s14 =	sadd.s32 $0x180, s14;
	[sflag:s21] =	ssyncadd.s32 $0xFFFFC000  }
.Ltmp5:
0xa6: {  	_ = 	snop;
	(pc) =	sbr.rel .LBB2_11-.Ltmp5, $1  }
0xa7: {  	_ =	sdelay $0x3  }
.LBB2_2:
0xa8: {  	s9 =	simm.s32 @p1 $0x1FC3;
	s14 =	rddreg [dreg:$0x4]  }
0xa9: {  	[spmem:s7], [sflag:s9] =	dma.local @p1 [hbm:s14], $0x1900  }
0xaa: {  	s9 =	simm.s32 @p1 $0x3  }
0xab: {  	_ =	swait.ge @p1 [sflag:s9], $0x1900  }
0xac: {  	[sflag:s9] =	ssyncset.done @p1 $0x0  }
0xad: {  	[sflag:s9] =	ssyncadd.s32 @p1 $0xFFFFE700;
	s9 =	rddreg [dreg:$0x3]  }
0xae: {  	[spmem:s31], [sflag:s0] =	dma.local @!p1 [hbm:s9], $0x2800  }
0xaf: {  	s9 =	simm.s32 @!p1 $0x3  }
0xb0: {  	_ =	swait.ge @!p1 [sflag:s9], $0x2800  }
0xb1: {  	[sflag:s9] =	ssyncset.done @!p1 $0x0  }
0xb2: {  	[sflag:s9] =	ssyncadd.s32 @!p1 $0xFFFFD800  }
0xb3: {  	s14 =	simm.s32 $0x0;
	[bflag:$0x0] =	sbarrier.arrive $0xFFFF  }
0xb4: {  	[tilespmem:s14], [sflag:$0x3] =	stream.linear.gather [hbm4b:s10+s14], $0x1400, $0x38;
	[tilespmem:$0x1E800] =	vst v63  }
0xb5: {  	_ =	swait.ge [sflag:s21], $0x1400  }
0xb6: {  	[sflag:s21] =	ssyncset.done $0x0  }
0xb7: {  	[sflag:s21] =	ssyncadd.s32 $0xFFFFEC00  }
0xb8: {  	[tilespmem:s22], [sflag:$0x3] =	stream.linear.gather [hbm4b:s11+s14], $0x1400, $0x38;
	[tilespmem:$0x1E800] =	vst v63  }
0xb9: {  	_ =	swait.ge [sflag:s21], $0x1400  }
0xba: {  	[sflag:s21] =	ssyncset.done $0x0  }
0xbb: {  	[sflag:s21] =	ssyncadd.s32 $0xFFFFEC00  }
0xbc: {  	[tilespmem:s24], [sflag:$0x1] =	stream.indirect.gather [hbm4b:s4+s23], $0x80, s14, s23, $0xb8;
	[tilespmem:$0x1E800] =	vst v63  }
0xbd: {  	_ = 	snop  }
0xbe: {  	[tilespmem:s25], [sflag:$0x2] =	stream.indirect.gather [hbm4b:s4+s23], $0x80, s23, s23, $0xb8;
	[tilespmem:$0x1E800] =	vst v63  }
0xbf: {  	_ =	swait.ge [sflag:s26], $0x4000  }
0xc0: {  	[sflag:s26] =	ssyncset.done $0x0  }
0xc1: {  	s15 =	simm.s32 $0x1400;
	[sflag:s26] =	ssyncadd.s32 $0xFFFFC000  }
0xc2: {  	[spmem:s1] =	stream.indirect.scatter.add.f32 [tilespmem:s24], [sflag:$0x3], $0x80, s15, s23, $0xb8;
	[tilespmem:$0x1E800] =	vst v63  }
0xc3: {  	_ =	swait.ge [sflag:s21], $0x4000  }
0xc4: {  	[sflag:s21] =	ssyncset.done $0x0  }
0xc5: {  	s14 =	simm.s32 $0x100;
	[sflag:s21] =	ssyncadd.s32 $0xFFFFC000  }
0xc6: {  	[tilespmem:s24], [sflag:$0x1] =	stream.indirect.gather [hbm4b:s4+s23], $0x80, s14, s23, $0xb8;
	[tilespmem:$0x1E800] =	vst v63  }
0xc7: {  	_ =	swait.ge [sflag:s28], $0x4000  }
0xc8: {  	[sflag:s28] =	ssyncset.done $0x0  }
0xc9: {  	s15 =	simm.s32 $0x1480;
	[sflag:s28] =	ssyncadd.s32 $0xFFFFC000  }
0xca: {  	[spmem:s1] =	stream.indirect.scatter.add.f32 [tilespmem:s25], [sflag:$0x3], $0x80, s15, s23, $0xb8;
	[tilespmem:$0x1E800] =	vst v63  }
0xcb: {  	_ =	swait.ge [sflag:s21], $0x4000  }
0xcc: {  	[sflag:s21] =	ssyncset.done $0x0  }
0xcd: {  	s9 =	simm.s32 $0x400;
	s14 =	simm.s32 $0x180;
	[sflag:s21] =	ssyncadd.s32 $0xFFFFC000  }
.LBB2_3:
0xce: {  	[tilespmem:s25], [sflag:$0x2] =	stream.indirect.gather [hbm4b:s4+s23], $0x80, s14, s23, $0xb8;
	[tilespmem:$0x1E800] =	vst v63  }
0xcf: {  	s14 =	smov.u32 s9  }
0xd0: {  	p2 =	sne.s32 s9, $0x4800;
	s9 =	sadd.s32 $0x400, s9;
	_ =	swait.ge [sflag:s26], $0x4000  }
0xd1: {  	s14 =	sshra.s32 s14, $0x2;
	[sflag:s26] =	ssyncset.done $0x0  }
0xd2: {  	s15 =	sadd.s32 $0x1400, s14;
	[sflag:s26] =	ssyncadd.s32 $0xFFFFC000  }
0xd3: {  	[spmem:s1] =	stream.indirect.scatter.add.f32 [tilespmem:s24], [sflag:$0x3], $0x80, s15, s23, $0xb8;
	[tilespmem:$0x1E800] =	vst v63  }
0xd4: {  	_ =	swait.ge [sflag:s21], $0x4000  }
0xd5: {  	[sflag:s21] =	ssyncset.done $0x0  }
0xd6: {  	s15 =	sadd.s32 $0x100, s14;
	[sflag:s21] =	ssyncadd.s32 $0xFFFFC000  }
0xd7: {  	[tilespmem:s24], [sflag:$0x1] =	stream.indirect.gather [hbm4b:s4+s23], $0x80, s15, s23, $0xb8;
	[tilespmem:$0x1E800] =	vst v63  }
0xd8: {  	_ =	swait.ge [sflag:s28], $0x4000  }
0xd9: {  	[sflag:s28] =	ssyncset.done $0x0  }
.Ltmp6:
0xda: {  	s15 =	sadd.s32 $0x1480, s14;
	[sflag:s28] =	ssyncadd.s32 $0xFFFFC000;
	(pc) =	sbr.rel @p2 .LBB2_3-.Ltmp6, $4  }
0xdb: {  	[spmem:s1] =	stream.indirect.scatter.add.f32 [tilespmem:s25], [sflag:$0x3], $0x80, s15, s23, $0xb8;
	[tilespmem:$0x1E800] =	vst v63  }
0xdc: {  	_ =	swait.ge [sflag:s21], $0x4000  }
0xdd: {  	[sflag:s21] =	ssyncset.done $0x0  }
0xde: {  	s14 =	sadd.s32 $0x180, s14;
	[sflag:s21] =	ssyncadd.s32 $0xFFFFC000  }
0xdf: {  	[tilespmem:s25], [sflag:$0x2] =	stream.indirect.gather [hbm4b:s4+s23], $0x80, s14, s23, $0xb8;
	[tilespmem:$0x1E800] =	vst v63  }
0xe0: {  	_ =	swait.ge [sflag:s26], $0x4000  }
0xe1: {  	[sflag:s26] =	ssyncset.done $0x0  }
0xe2: {  	[sflag:s26] =	ssyncadd.s32 $0xFFFFC000  }
0xe3: {  	[spmem:s1] =	stream.indirect.scatter.add.f32 [tilespmem:s24], [sflag:$0x3], $0x80, s29, s23, $0xb8;
	[tilespmem:$0x1E800] =	vst v63  }
0xe4: {  	_ =	swait.ge [sflag:s21], $0x4000  }
0xe5: {  	[sflag:s21] =	ssyncset.done $0x0  }
0xe6: {  	[sflag:s21] =	ssyncadd.s32 $0xFFFFC000  }
0xe7: {  	_ =	swait.ge [sflag:s28], $0x4000  }
0xe8: {  	[sflag:s28] =	ssyncset.done $0x0  }
0xe9: {  	[sflag:s28] =	ssyncadd.s32 $0xFFFFC000  }
0xea: {  	[spmem:s1] =	stream.indirect.scatter.add.f32 [tilespmem:s25], [sflag:$0x3], $0x80, s30, s23, $0xb8;
	[tilespmem:$0x1E800] =	vst v63  }
0xeb: {  	_ =	swait.ge [sflag:s21], $0x4000  }
0xec: {  	[sflag:s21] =	ssyncset.done $0x0  }
0xed: {  	s9 =	simm.s32 $0x0;
	[sflag:s21] =	ssyncadd.s32 $0xFFFFC000  }
0xee: {  	[tilespmem:s9], [sflag:$0x3] =	stream.linear.gather [hbm4b:s12+s9], $0x1400, $0x38;
	[tilespmem:$0x1E800] =	vst v63  }
0xef: {  	_ =	swait.ge [sflag:s21], $0x1400  }
0xf0: {  	[sflag:s21] =	ssyncset.done $0x0  }
0xf1: {  	[sflag:s21] =	ssyncadd.s32 $0xFFFFEC00  }
0xf2: {  	[tilespmem:s22], [sflag:$0x3] =	stream.linear.gather [hbm4b:s13+s9], $0x1400, $0x38;
	[tilespmem:$0x1E800] =	vst v63  }
0xf3: {  	_ =	swait.ge [sflag:s21], $0x1400  }
0xf4: {  	[sflag:s21] =	ssyncset.done $0x0  }
0xf5: {  	[sflag:s21] =	ssyncadd.s32 $0xFFFFEC00  }
0xf6: {  	[tilespmem:s24], [sflag:$0x1] =	stream.indirect.gather [hbm4b:s4+s23], $0x80, s9, s23, $0xb8;
	[tilespmem:$0x1E800] =	vst v63  }
0xf7: {  	_ = 	snop  }
0xf8: {  	[tilespmem:s25], [sflag:$0x2] =	stream.indirect.gather [hbm4b:s4+s23], $0x80, s23, s23, $0xb8;
	[tilespmem:$0x1E800] =	vst v63  }
0xf9: {  	_ =	swait.ge [sflag:s26], $0x4000  }
0xfa: {  	[sflag:s26] =	ssyncset.done $0x0  }
0xfb: {  	s15 =	simm.s32 $0x1400;
	[sflag:s26] =	ssyncadd.s32 $0xFFFFC000  }
0xfc: {  	[spmem:s1] =	stream.indirect.scatter.add.f32 [tilespmem:s24], [sflag:$0x3], $0x80, s15, s23, $0xb8;
	[tilespmem:$0x1E800] =	vst v63  }
0xfd: {  	_ =	swait.ge [sflag:s21], $0x4000  }
0xfe: {  	[sflag:s21] =	ssyncset.done $0x0  }
0xff: {  	s14 =	simm.s32 $0x100;
	[sflag:s21] =	ssyncadd.s32 $0xFFFFC000  }
0x100: {  	[tilespmem:s24], [sflag:$0x1] =	stream.indirect.gather [hbm4b:s4+s23], $0x80, s14, s23, $0xb8;
	[tilespmem:$0x1E800] =	vst v63  }
0x101: {  	_ =	swait.ge [sflag:s28], $0x4000  }
0x102: {  	[sflag:s28] =	ssyncset.done $0x0  }
0x103: {  	s15 =	simm.s32 $0x1480;
	[sflag:s28] =	ssyncadd.s32 $0xFFFFC000  }
0x104: {  	[spmem:s1] =	stream.indirect.scatter.add.f32 [tilespmem:s25], [sflag:$0x3], $0x80, s15, s23, $0xb8;
	[tilespmem:$0x1E800] =	vst v63  }
0x105: {  	_ =	swait.ge [sflag:s21], $0x4000  }
0x106: {  	[sflag:s21] =	ssyncset.done $0x0  }
0x107: {  	s9 =	simm.s32 $0x400;
	s14 =	simm.s32 $0x180;
	[sflag:s21] =	ssyncadd.s32 $0xFFFFC000  }
.LBB2_5:
0x108: {  	[tilespmem:s25], [sflag:$0x2] =	stream.indirect.gather [hbm4b:s4+s23], $0x80, s14, s23, $0xb8;
	[tilespmem:$0x1E800] =	vst v63  }
0x109: {  	s14 =	smov.u32 s9  }
0x10a: {  	p2 =	sne.s32 s9, $0x4800;
	s9 =	sadd.s32 $0x400, s9;
	_ =	swait.ge [sflag:s26], $0x4000  }
0x10b: {  	s14 =	sshra.s32 s14, $0x2;
	[sflag:s26] =	ssyncset.done $0x0  }
0x10c: {  	s15 =	sadd.s32 $0x1400, s14;
	[sflag:s26] =	ssyncadd.s32 $0xFFFFC000  }
0x10d: {  	[spmem:s1] =	stream.indirect.scatter.add.f32 [tilespmem:s24], [sflag:$0x3], $0x80, s15, s23, $0xb8;
	[tilespmem:$0x1E800] =	vst v63  }
0x10e: {  	_ =	swait.ge [sflag:s21], $0x4000  }
0x10f: {  	[sflag:s21] =	ssyncset.done $0x0  }
0x110: {  	s15 =	sadd.s32 $0x100, s14;
	[sflag:s21] =	ssyncadd.s32 $0xFFFFC000  }
0x111: {  	[tilespmem:s24], [sflag:$0x1] =	stream.indirect.gather [hbm4b:s4+s23], $0x80, s15, s23, $0xb8;
	[tilespmem:$0x1E800] =	vst v63  }
0x112: {  	_ =	swait.ge [sflag:s28], $0x4000  }
0x113: {  	[sflag:s28] =	ssyncset.done $0x0  }
.Ltmp7:
0x114: {  	s15 =	sadd.s32 $0x1480, s14;
	[sflag:s28] =	ssyncadd.s32 $0xFFFFC000;
	(pc) =	sbr.rel @p2 .LBB2_5-.Ltmp7, $4  }
0x115: {  	[spmem:s1] =	stream.indirect.scatter.add.f32 [tilespmem:s25], [sflag:$0x3], $0x80, s15, s23, $0xb8;
	[tilespmem:$0x1E800] =	vst v63  }
0x116: {  	_ =	swait.ge [sflag:s21], $0x4000  }
0x117: {  	[sflag:s21] =	ssyncset.done $0x0  }
0x118: {  	s14 =	sadd.s32 $0x180, s14;
	[sflag:s21] =	ssyncadd.s32 $0xFFFFC000  }
0x119: {  	[tilespmem:s25], [sflag:$0x2] =	stream.indirect.gather [hbm4b:s4+s23], $0x80, s14, s23, $0xb8;
	[tilespmem:$0x1E800] =	vst v63  }
0x11a: {  	_ =	swait.ge [sflag:s26], $0x4000  }
0x11b: {  	[sflag:s26] =	ssyncset.done $0x0  }
0x11c: {  	[sflag:s26] =	ssyncadd.s32 $0xFFFFC000  }
0x11d: {  	[spmem:s1] =	stream.indirect.scatter.add.f32 [tilespmem:s24], [sflag:$0x3], $0x80, s29, s23, $0xb8;
	[tilespmem:$0x1E800] =	vst v63  }
0x11e: {  	_ =	swait.ge [sflag:s21], $0x4000  }
0x11f: {  	[sflag:s21] =	ssyncset.done $0x0  }
0x120: {  	[sflag:s21] =	ssyncadd.s32 $0xFFFFC000  }
0x121: {  	_ =	swait.ge [sflag:s28], $0x4000  }
0x122: {  	[sflag:s28] =	ssyncset.done $0x0  }
0x123: {  	[sflag:s28] =	ssyncadd.s32 $0xFFFFC000  }
0x124: {  	[spmem:s1] =	stream.indirect.scatter.add.f32 [tilespmem:s25], [sflag:$0x3], $0x80, s30, s23, $0xb8;
	[tilespmem:$0x1E800] =	vst v63  }
0x125: {  	_ =	swait.ge [sflag:s21], $0x4000  }
0x126: {  	[sflag:s21] =	ssyncset.done $0x0  }
0x127: {  	[sflag:s21] =	ssyncadd.s32 $0xFFFFC000  }
0x128: {  	[bflag:$0x0] =	sbarrier.arrive $0xFFFF  }
0x129: {  	s9 =	simm.s32 @p1 $0x1FC3;
	s14 =	rddreg [dreg:$0x6]  }
0x12a: {  	[hbm:s14], [sflag:s9] =	dma.local @p1 [spmem:s7], $0x1900  }
0x12b: {  	s7 =	simm.s32 @p1 $0x3  }
0x12c: {  	_ =	swait.ge @p1 [sflag:s7], $0x1900  }
0x12d: {  	[sflag:s7] =	ssyncset.done @p1 $0x0  }
0x12e: {  	[sflag:s7] =	ssyncadd.s32 @p1 $0xFFFFE700;
	s7 =	rddreg [dreg:$0x5]  }
0x12f: {  	[hbm:s7], [sflag:s0] =	dma.local @!p1 [spmem:s31], $0x2800  }
.Ltmp8:
0x130: {  	_ = 	snop;
	(pc) =	sbr.rel .LBB2_12-.Ltmp8, $4  }
0x131: {  	s0 =	simm.s32 @!p1 $0x3  }
0x132: {  	_ =	swait.ge @!p1 [sflag:s0], $0x2800  }
0x133: {  	[sflag:s0] =	ssyncset.done @!p1 $0x0  }
0x134: {  	[sflag:s0] =	ssyncadd.s32 @!p1 $0xFFFFD800  }
.LBB2_13:
0x135: {  	_ =	sfence.sel $0x180000  }
0x136: {  	[bflag:$0x0] =	sbarrier.arrive $0xFFFF  }
0x137: {  	_ =	strace $0x9000004D  }
0x138: {  	[bflag:$0x2] =	sbarrier.arrive $0xFFFF  }
0x139: {  	p0 =	sne.s32 s2, $0x0;
	s0 =	rddreg [dreg:$0x2]  }
0x13a: {  	s0 =	sadd.s32 @!p0 $0x100000, s0  }
0x13b: {  	[sflag:s0] =	ssyncadd.tile.s32 @!p0 $0x1;
	_ =	shalt  }
.Lfunc_end2:
_tile_overlayer_lowered:
.L_overlay_start_2:
0x13c: {  	(tag) =	ssettag $0x2  }
0x13d: {  	s0 =	rddreg [dreg:$0x0];
	s2 =	stileid.u32  }
0x13e: {  	s1 =	rddreg [dreg:$0x1];
	p0 =	sne.s32 s2, $0x0  }
0x13f: {  	s3 =	rddreg [dreg:$0x2];
	[bflag:$0x3] =	sbarrier.arrive $0xFFFF;
	s2 =	simm.s32 @!p0 $0x1C03  }
0x140: {  	[timem:s3], [sflag:s2] =	dma.local @!p0 [hbm:s0], s1  }
0x141: {  	s0 =	simm.s32 @!p0 $0x3  }
0x142: {  	_ =	swait.ge @!p0 [sflag:s0], s1  }
0x143: {  	s1 =	ssub.s32 @!p0 $0x0, s1;
	[sflag:s0] =	ssyncset.done @!p0 $0x0  }
0x144: {  	[sflag:s0] =	ssyncadd.s32 @!p0 s1  }
0x145: {  	[bflag:$0x3] =	sbarrier.arrive $0xFFFF  }
0x146: {  	_ =	shalt  }

// kernel: kernel.8.cloned.1.call-start
scs
__scs_entry_jumppad:
0x0: {  	(pc) =	sbr.rel $0x88, $3  }
0x1: {  	(tag) =	ssettag $0x0;
	lr =	simm.s32 $0x1  }
0x2: {  	[smem:$0x3F9B] =	sst lr;
	_ =	strace $0xD0000000  }
0x3: {  	_ = 	snop  }
0x4: {  	_ = 	snop  }
0x5: {  	_ = 	snop  }
0x6: {  	_ = 	snop  }
0x7: {  	_ = 	snop  }
__scs_overlays_trampoline_lowered:
0x8: {  	[smem:$0x3FAA] =	sst s0  }
0x9: {  	[smem:$0x3FAB] =	sst s1  }
0xa: {  	[smem:$0x3FAC] =	sst s2  }
0xb: {  	[smem:$0x3FAD] =	sst s3  }
0xc: {  	[smem:$0x3FAE] =	sst s4  }
0xd: {  	[smem:$0x3FAF] =	sst s5  }
0xe: {  	[smem:$0x3FB0] =	sst s6  }
0xf: {  	[smem:$0x3FB1] =	sst s7  }
0x10: {  	[smem:$0x3FB2] =	sst s8  }
0x11: {  	[smem:$0x3FB3] =	sst s9;
	s0 =	simm.s32 @!p0 $0x0  }
0x12: {  	s1 =	sld [smem:$0x3F99];
	s0 =	simm.s32 @p0 $0x1  }
0x13: {  	[smem:$0x3FB4] =	sst s0;
	s0 =	simm.s32 @!p1 $0x0  }
0x14: {  	s2 =	sld [smem:$0x3F98];
	s0 =	simm.s32 @p1 $0x1  }
0x15: {  	[smem:$0x3FB5] =	sst s0;
	s0 =	simm.s32 @!p2 $0x0  }
0x16: {  	s3 =	sld [smem:$0x3FDB];
	s0 =	simm.s32 @p2 $0x1  }
0x17: {  	s4 =	simm.s32 $0x1BF5;
	[smem:$0x3FB7] =	sst s0  }
0x18: {  	s0 =	sld [smem:$0x3F9A];
	_ =	swait.ge [sflag:s4], $0x0  }
0x19: {  	s7 =	sld [smem:$0x3F9B]  }
0x1a: {  	s8 =	sadd.s32 $0xFFFFE003, lr  }
0x1b: {  	s9 =	sadd.s32 $0xFFFFFEF7, lr;
	s5 =	simm.s32 $0xFFFFFFFF;
	p2 =	slt.u32 s8, $0xFFFFF086  }
0x1c: {  	p1 =	slt.u32 s9, $0xF7A;
	s5 =	simm.s32 @!p2 $0x0  }
0x1d: {  	s5 =	simm.s32 @p1 $0x1;
	p0 =	seq.s32 s7, s2  }
0x1e: {  	s7 =	smul.u32 @!p0 $0xF7A, s2;
	p2 =	seq.s32 @!p0 s5, $0x0  }
0x1f: {  	s9 =	smul.u32 $0xF7A, s1;
	s8 =	simm.s32 @!p0 $0x1BF5;
	p2 =	por !p2, p0  }
0x20: {  	[sflag:s8] =	ssyncset.s32 @!p0 $0xFFFFF086;
	s6 =	sadd.s32 @!p0 s3, s7;
	s7 =	simm.s32 @!p0 $0x108  }
0x21: {  	s3 =	sadd.s32 s3, s9;
	s6 =	sadd.s32 @!p0 $0x88, s6;
	s7 =	simm.s32 @p2 $0x1082  }
0x22: {  	[simem:s7], [sflag:s8] =	dma.local @!p0 [hbm:s6], $0xF7A  }
0x23: {  	s9 =	sor.u32 $0xD0000000, s2;
	s6 =	simm.s32 $0x108;
	_ =	swait.ge @!p0 [sflag:s8], $0x0  }
0x24: {  	s3 =	sadd.s32 $0x88, s3;
	s6 =	simm.s32 @!p1 $0x1082;
	[sflag:s4] =	ssyncset.s32 $0xFFFFF086  }
0x25: {  	[simem:s6], [sflag:s4] =	dma.local [hbm:s3], $0xF7A  }
0x26: {  	[smem:$0x3F9B] =	sst s1;
	(tag) =	ssettag s2;
	_ =	strace s9  }
0x27: {  	s1 =	sld [smem:$0x3FAB]  }
0x28: {  	s2 =	sld [smem:$0x3FAC]  }
0x29: {  	s4 =	sld [smem:$0x3FAE]  }
0x2a: {  	p0 =	seq.s32 s5, $0x0;
	s5 =	sld [smem:$0x3FAF]  }
0x2b: {  	s6 =	sld [smem:$0x3FB0]  }
0x2c: {  	s7 =	sld [smem:$0x3FB1]  }
0x2d: {  	s3 =	simm.s32 $0x108;
	s8 =	sld [smem:$0x3FB2]  }
0x2e: {  	s3 =	simm.s32 @!p0 $0x1082;
	s9 =	sld [smem:$0x3FB3]  }
0x2f: {  	lr =	sadd.s32 s0, s3;
	s0 =	sld [smem:$0x3FAA]  }
0x30: {  	s3 =	sld [smem:$0x3FAD]  }
0x31: {  	[smem:$0x3FB6] =	sst s10  }
0x32: {  	s10 =	sld [smem:$0x3FB4];
	_ =	sdelay $0x3  }
0x33: {  	p0 =	seq.s32 s10, $0x1;
	s10 =	sld [smem:$0x3FB6];
	_ =	sdelay $0x3  }
0x34: {  	[smem:$0x3FB6] =	sst s10  }
0x35: {  	s10 =	sld [smem:$0x3FB5];
	_ =	sdelay $0x3  }
0x36: {  	p1 =	seq.s32 s10, $0x1;
	s10 =	sld [smem:$0x3FB6];
	_ =	sdelay $0x3  }
0x37: {  	[smem:$0x3FB6] =	sst s10  }
0x38: {  	s10 =	sld [smem:$0x3FB7]  }
0x39: {  	_ = 	snop;
	(pc) =	sbr.ind lr, $3  }
0x3a: {  	_ = 	snop  }
0x3b: {  	_ = 	snop  }
0x3c: {  	p2 =	seq.s32 s10, $0x1;
	s10 =	sld [smem:$0x3FB6]  }
0x3d: {  	_ =	shalt  }
0x3e: {  	_ =	shalt  }
0x3f: {  	_ =	shalt  }
0x40: {  	_ =	shalt  }
0x41: {  	_ =	shalt  }
0x42: {  	_ =	shalt  }
0x43: {  	_ =	shalt  }
0x44: {  	_ =	shalt  }
0x45: {  	_ =	shalt  }
0x46: {  	_ =	shalt  }
0x47: {  	_ =	shalt  }
0x48: {  	_ =	shalt  }
0x49: {  	_ =	shalt  }
0x4a: {  	_ =	shalt  }
0x4b: {  	_ =	shalt  }
0x4c: {  	_ =	shalt  }
0x4d: {  	_ =	shalt  }
0x4e: {  	_ =	shalt  }
0x4f: {  	_ =	shalt  }
0x50: {  	_ =	shalt  }
0x51: {  	_ =	shalt  }
0x52: {  	_ =	shalt  }
0x53: {  	_ =	shalt  }
0x54: {  	_ =	shalt  }
0x55: {  	_ =	shalt  }
0x56: {  	_ =	shalt  }
0x57: {  	_ =	shalt  }
0x58: {  	_ =	shalt  }
0x59: {  	_ =	shalt  }
0x5a: {  	_ =	shalt  }
0x5b: {  	_ =	shalt  }
0x5c: {  	_ =	shalt  }
0x5d: {  	_ =	shalt  }
0x5e: {  	_ =	shalt  }
0x5f: {  	_ =	shalt  }
0x60: {  	_ =	shalt  }
0x61: {  	_ =	shalt  }
0x62: {  	_ =	shalt  }
0x63: {  	_ =	shalt  }
0x64: {  	_ =	shalt  }
0x65: {  	_ =	shalt  }
0x66: {  	_ =	shalt  }
0x67: {  	_ =	shalt  }
0x68: {  	_ =	shalt  }
0x69: {  	_ =	shalt  }
0x6a: {  	_ =	shalt  }
0x6b: {  	_ =	shalt  }
0x6c: {  	_ =	shalt  }
0x6d: {  	_ =	shalt  }
0x6e: {  	_ =	shalt  }
0x6f: {  	_ =	shalt  }
0x70: {  	_ =	shalt  }
0x71: {  	_ =	shalt  }
0x72: {  	_ =	shalt  }
0x73: {  	_ =	shalt  }
0x74: {  	_ =	shalt  }
0x75: {  	_ =	shalt  }
0x76: {  	_ =	shalt  }
0x77: {  	_ =	shalt  }
0x78: {  	_ =	shalt  }
0x79: {  	_ =	shalt  }
0x7a: {  	_ =	shalt  }
0x7b: {  	_ =	shalt  }
0x7c: {  	_ =	shalt  }
0x7d: {  	_ =	shalt  }
0x7e: {  	_ =	shalt  }
0x7f: {  	_ =	shalt  }
0x80: {  	_ =	shalt  }
0x81: {  	_ =	shalt  }
0x82: {  	_ =	shalt  }
0x83: {  	_ =	shalt  }
0x84: {  	_ =	shalt  }
0x85: {  	_ =	shalt  }
0x86: {  	_ =	shalt  }
0x87: {  	_ =	shalt  }
.Lfunc_end0:
.L_simem_size_0:
called_computation_lowered:
.L_overlay_start_0:
0x88: {  	s2 =	sld [smem:$0x3FD9]  }
0x89: {  	s3 =	sld [smem:$0x3FFE];
	_ =	sdelay $0x1  }
0x8a: {  	s1 =	srdreg.scid  }
0x8b: {  	s0 =	sand.u32 $0x1, s1  }
0x8c: {  	s17 =	sshll.u32 s0, $0xA;
	s2 =	sadd.s32 s3, s2  }
0x8d: {  	s2 =	sadd.s32 s2, s17  }
0x8e: {  	[smem:$0x3FC2] =	sst s2  }
0x8f: {  	_ = 	snop  }
0x90: {  	s2 =	sld [smem:$0x3FD0];
	(tm) =	ssettm $0x1  }
0x91: {  	s18 =	sld [smem:$0x3FFB];
	_ =	sdelay $0x3  }
0x92: {  	_ =	strace s18  }
0x93: {  	s3 =	sld [smem:$0x3FFC];
	_ =	sdelay $0x3  }
0x94: {  	_ =	strace s3  }
0x95: {  	s3 =	sld [smem:$0x3FFD];
	_ =	sdelay $0x3  }
0x96: {  	_ =	strace s3  }
0x97: {  	_ =	strace $0x8FFFFFFF  }
0x98: {  	s19 =	sld [smem:$0x3FDB];
	_ =	sdelay $0x1  }
0x99: {  	s4 =	simm.s32 $_scs_section_size  }
0x9a: {  	s5 =	simm.s32 $_size__tile_overlayer_lowered;
	s6 =	simm.s32 $_tile_overlayer_lowered  }
0x9b: {  	s22 =	simm.s32 $0x1BFF;
	s21 =	sshll.u32 s6, $0x1;
	s3 =	sadd.s32 s4, s19  }
0x9c: {  	s7 =	simm.s32 $0x0;
	s20 =	sshll.u32 s5, $0x1;
	s5 =	sadd.s32 s21, s3  }
0x9d: {  	[timem:s7], [sflag:s22] =	dma.local [hbm:s5], s20  }
0x9e: {  	_ =	swait.ge [sflag:s22], s20  }
0x9f: {  	s4 =	ssub.s32 $0x0, s20;
	[sflag:s22] =	ssyncset.done $0x0  }
0xa0: {  	[sflag:s22] =	ssyncadd.s32 s4;
	_ =	sdelay $0x1  }
0xa1: {  	s23 =	simm.s32 $0x1B8B  }
0xa2: {  	_ =	swait.ge [sflag:s23], $0x1  }
0xa3: {  	[sflag:s23] =	ssyncset.done $0x0  }
0xa4: {  	s25 =	simm.s32 $0x1B8E;
	s24 =	sld [smem:$0x3FFE];
	[sflag:s23] =	ssyncadd.s32 $0xFFFFFFFF  }
0xa5: {  	s26 =	simm.s32 $execute0_lowered;
	[smem:$0x3FD2] =	sst s25  }
0xa6: {  	s5 =	sshll.u32 s26, $0x1;
	_ =	strace $0x80000046;
	[dreg:$0x1] =	wrdreg $0xFFFFFFFF  }
0xa7: {  	s28 =	simm.s32 $_size_execute0_lowered;
	s3 =	sadd.s32 s3, s5;
	[dreg:$0x0] =	wrdreg $0x0  }
0xa8: {  	s5 =	sshll.u32 s28, $0x1;
	[dreg:$0x2] =	wrdreg s3  }
0xa9: {  	[dreg:$0x3] =	wrdreg s5  }
0xaa: {  	[dreg:$0x4] =	wrdreg $0xC0  }
0xab: {  	_ =	task [dreg:s7], $0x5FFFF  }
0xac: {  	[dreg:$0x1] =	wrdreg $0xFFFFFFFF  }
0xad: {  	[dreg:$0x0] =	wrdreg $0x60  }
0xae: {  	[dreg:$0x2] =	wrdreg s24  }
0xaf: {  	[dreg:$0x3] =	wrdreg s2  }
0xb0: {  	[dreg:$0x4] =	wrdreg $0x17000  }
0xb1: {  	[dreg:$0x5] =	wrdreg $0x9  }
0xb2: {  	_ =	task.clear_ibuf [dreg:s7], $0x6FFFF;
	_ =	strace $0x90000046  }
0xb3: {  	s29 =	simm.s32 $0x9;
	_ =	strace $0x80000048  }
0xb4: {  	_ =	swait.ge [sflag:s29], $0x1  }
0xb5: {  	[sflag:s29] =	ssyncadd.s32 $0xFFFFFFFF  }
0xb6: {  	_ =	strace $0x90000048  }
0xb7: {  	_ =	sfence  }
0xb8: {  	s30 =	sld [smem:$0x0];
	_ =	sdelay $0x2  }
0xb9: {  	s31 =	sshll.u32 s1, $0xD;
	s1 =	sshrl.u32 s1, $0x2  }
0xba: {  	s3 =	sand.u32 $0x4000, s31;
	s1 =	sadd.s32 s1, s30  }
0xbb: {  	s0 =	sor.u32 s3, s0;
	s1 =	sshll.u32 s1, $0x11  }
0xbc: {  	s0 =	sor.u32 s1, s0  }
0xbd: {  	s0 =	sadd.s32 $0x8F2B, s0  }
0xbe: {  	[sflag:s0] =	ssyncadd.remote.s32 $0x1  }
0xbf: {  	_ =	sfence.sel $0xFFFF  }
0xc0: {  	[dreg:$0x0] =	wrdreg $0xFFFFFFFF;
	(pc) =	sbr.abs _section_cstart, $3  }
0xc1: {  	[dreg:$0x1] =	wrdreg $0xFFFFFFFF  }
0xc2: {  	_ =	task.clear_ibuf [dreg:s7], $0x2FFFF;
	_ =	strace $0x9FFFFFFF  }
0xc3: {  	(tm) =	ssettm $0x7FFFFFFF  }
tec
execute0_lowered:
.L_overlay_start_1:
0x0: {  	(tag) =	ssettag $0x1  }
0x1: {  	s4 =	rddreg [dreg:$0x0]  }
0x2: {  	s6 =	rddreg [dreg:$0x1]  }
0x3: {  	s0 =	srdreg.scid;
	s2 =	rddreg [dreg:$0x2]  }
0x4: {  	s3 =	simm.s32 $0x0;
	s11 =	simm.s32 $0x1400;
	s14 =	simm.s32 $0x20  }
0x5: {  	s15 =	simm.s32 $0x10;
	s5 =	sand.u32 $0x1, s0;
	s0 =	stileid.u32  }
0x6: {  	s16 =	simm.s32 $0x0;
	[smem:$0x7FF] =	sst s3;
	s8 =	smul.u32 $0xA00, s0  }
0x7: {  	s1 =	sshll.u32 s5, $0x4;
	s9 =	ssub.s32 $0x2, s5;
	s10 =	smul.u32 $0x500, s0  }
0x8: {  	s5 =	sshll.u32 s5, $0x7;
	s12 =	sshll.u32 s0, $0x6;
	s7 =	sor.u32 s0, s1  }
0x9: {  	s1 =	rddreg [dreg:$0x3];
	_ =	strace $0x80000047;
	s29 =	sshrl.u32 s9, $0x1  }
0xa: {  	s12 =	sor.u32 $0x1C01, s12;
	s7 =	smul.u32 $0x280, s7;
	s8 =	sshrl.u32 s8, $0x2  }
0xb: {  	s30 =	sor.u32 s5, s10;
	s10 =	simm.s32 $0x80;
	s5 =	sadd.s32 s8, s2  }
0xc: {  	s31 =	sshrl.u32 s30, $0x3;
	s8 =	simm.s32 $0x1;
	s4 =	sadd.s32 s7, s4  }
0xd: {  	s7 =	ssub.s32 s9, s29;
	s6 =	sadd.s32 s6, s31;
	s9 =	simm.s32 $0x1480  }
0xe: {  	v0 =	vimm.f32 $1.000000000e+00;
	v1 =	vimm.f32 $0.0e+00;
	s13 =	sshrl.u32 s5, $0x3;
	s4 =	sadd.s32 $0x8600, s4;
	s7 =	smax.u32 s7, $0x1  }
.LBB2_1:
0xf: {  	[tilespmem:$0x1400] =	vst v0  }
0x10: {  	[tilespmem:$0x1410] =	vst v0  }
0x11: {  	[tilespmem:$0x1420] =	vst v0  }
0x12: {  	[tilespmem:$0x1430] =	vst v0  }
0x13: {  	[tilespmem:$0x1440] =	vst v0  }
0x14: {  	[tilespmem:$0x1450] =	vst v0  }
0x15: {  	[tilespmem:$0x1460] =	vst v0  }
0x16: {  	[tilespmem:$0x1470] =	vst v0  }
0x17: {  	[tilespmem:$0x1480] =	vst v1  }
0x18: {  	[tilespmem:$0x1490] =	vst v1  }
0x19: {  	[tilespmem:$0x14A0] =	vst v1  }
0x1a: {  	[tilespmem:$0x14B0] =	vst v1  }
0x1b: {  	[tilespmem:$0x14C0] =	vst v1  }
0x1c: {  	[tilespmem:$0x14D0] =	vst v1  }
0x1d: {  	[tilespmem:$0x14E0] =	vst v1  }
0x1e: {  	[tilespmem:$0x14F0] =	vst v1  }
0x1f: {  	[tilespmem:$0x1500] =	vst v1  }
0x20: {  	[tilespmem:$0x1510] =	vst v1  }
0x21: {  	[tilespmem:$0x1520] =	vst v1  }
0x22: {  	[tilespmem:$0x1530] =	vst v1  }
0x23: {  	[tilespmem:$0x1540] =	vst v1  }
0x24: {  	[tilespmem:$0x1550] =	vst v1  }
0x25: {  	[tilespmem:$0x1560] =	vst v1  }
0x26: {  	[tilespmem:$0x1570] =	vst v1  }
0x27: {  	[tilespmem:$0x1580] =	vst v1  }
0x28: {  	[tilespmem:$0x1590] =	vst v1  }
0x29: {  	[tilespmem:$0x15A0] =	vst v1  }
0x2a: {  	[tilespmem:$0x15B0] =	vst v1  }
0x2b: {  	[tilespmem:$0x15C0] =	vst v1  }
0x2c: {  	[tilespmem:$0x15D0] =	vst v1  }
0x2d: {  	[tilespmem:$0x15E0] =	vst v1  }
0x2e: {  	[tilespmem:$0x15F0] =	vst v1  }
0x2f: {  	[tilespmem:$0x1600] =	vst v1  }
0x30: {  	[tilespmem:$0x1610] =	vst v1  }
0x31: {  	[tilespmem:$0x1620] =	vst v1  }
0x32: {  	[tilespmem:$0x1630] =	vst v1  }
0x33: {  	[tilespmem:$0x1640] =	vst v1  }
0x34: {  	[tilespmem:$0x1650] =	vst v1  }
0x35: {  	[tilespmem:$0x1660] =	vst v1  }
0x36: {  	[tilespmem:$0x1670] =	vst v1  }
0x37: {  	[tilespmem:$0x1680] =	vst v1  }
0x38: {  	[tilespmem:$0x1690] =	vst v1  }
0x39: {  	[tilespmem:$0x16A0] =	vst v1  }
0x3a: {  	[tilespmem:$0x16B0] =	vst v1  }
0x3b: {  	[tilespmem:$0x16C0] =	vst v1  }
0x3c: {  	[tilespmem:$0x16D0] =	vst v1  }
0x3d: {  	[tilespmem:$0x16E0] =	vst v1  }
0x3e: {  	[tilespmem:$0x16F0] =	vst v1  }
0x3f: {  	[tilespmem:s3], [sflag:$0x1] =	stream.linear.gather [hbm4b:s4+s3], $0x1400, $0x38;
	[tilespmem:$0x1980] =	vst v63  }
0x40: {  	_ =	swait.ge [sflag:s8], $0x1400  }
0x41: {  	[sflag:s8] =	ssyncset.done $0x0  }
0x42: {  	[sflag:s8] =	ssyncadd.s32 $0xFFFFEC00  }
0x43: {  	[spmem:s5] =	stream.linear.scatter [tilespmem:s9], [sflag:$0x1], $0x280, $0x38;
	[tilespmem:$0x1980] =	vst v63  }
0x44: {  	_ =	swait.ge [sflag:s8], $0x280  }
0x45: {  	[sflag:s8] =	ssyncset.done $0x0  }
0x46: {  	[sflag:s8] =	ssyncadd.s32 $0xFFFFFD80  }
0x47: {  	s17 =	simm.s32 $0x0;
	[bflag:$0x0] =	sbarrier.arrive $0xFFFF  }
0x48: {  	[spmem:s2] =	stream.indirect.scatter.add.f32 [tilespmem:s11], [sflag:$0x1], $0x1, s17, s10, $0xb8;
	[tilespmem:$0x1980] =	vst v63  }
0x49: {  	_ =	swait.ge [sflag:s8], $0x80  }
0x4a: {  	s17 =	simm.s32 $0x200;
	[sflag:s8] =	ssyncset.done $0x0  }
.LBB2_2:
0x4b: {  	s18 =	sshra.s32 s17, $0x2;
	[sflag:s8] =	ssyncadd.s32 $0xFFFFFF80;
	p0 =	sne.s32 s17, $0x4E00  }
0x4c: {  	[spmem:s2] =	stream.indirect.scatter.add.f32 [tilespmem:s11], [sflag:$0x1], $0x1, s18, s10, $0xb8;
	[tilespmem:$0x1980] =	vst v63  }
.Ltmp0:
0x4d: {  	_ = 	snop;
	(pc) =	sbr.rel @p0 .LBB2_2-.Ltmp0, $4  }
0x4e: {  	_ = 	snop  }
0x4f: {  	s17 =	sadd.s32 $0x200, s17  }
0x50: {  	_ =	swait.ge [sflag:s8], $0x80  }
0x51: {  	[sflag:s8] =	ssyncset.done $0x0  }
0x52: {  	s16 =	sadd.s32 $0x1, s16  }
0x53: {  	[sflag:s8] =	ssyncadd.s32 $0xFFFFFF80;
	p0 =	sne.s32 s16, s7  }
.Ltmp1:
0x54: {  	[bflag:$0x0] =	sbarrier.arrive $0xFFFF;
	(pc) =	sbr.rel @p0 .LBB2_1-.Ltmp1, $4  }
0x55: {  	[hbm:s6@s14], [sflag:s12] =	dma.strided [spmem:s13@s15], $0x50, s8, $0x10   }
0x56: {  	_ =	swait.ge [sflag:s8], $0x50  }
0x57: {  	[sflag:s8] =	ssyncset.done $0x0  }
0x58: {  	[sflag:s8] =	ssyncadd.s32 $0xFFFFFFB0  }
0x59: {  	_ =	sfence.sel $0x180000  }
0x5a: {  	[bflag:$0x0] =	sbarrier.arrive $0xFFFF  }
0x5b: {  	p0 =	sne.s32 s0, $0x0;
	_ =	strace $0x90000047  }
0x5c: {  	s0 =	sadd.s32 @!p0 $0x100000, s1;
	[bflag:$0x2] =	sbarrier.arrive $0xFFFF  }
0x5d: {  	[sflag:s0] =	ssyncadd.tile.s32 @!p0 $0x1;
	_ =	shalt  }
.Lfunc_end2:
_tile_overlayer_lowered:
.L_overlay_start_2:
0x5e: {  	(tag) =	ssettag $0x2  }
0x5f: {  	s0 =	rddreg [dreg:$0x0];
	s2 =	stileid.u32  }
0x60: {  	s1 =	rddreg [dreg:$0x1];
	p0 =	sne.s32 s2, $0x0  }
0x61: {  	s3 =	rddreg [dreg:$0x2];
	[bflag:$0x3] =	sbarrier.arrive $0xFFFF;
	s2 =	simm.s32 @!p0 $0x1C01  }
0x62: {  	[timem:s3], [sflag:s2] =	dma.local @!p0 [hbm:s0], s1  }
0x63: {  	s0 =	simm.s32 @!p0 $0x1  }
0x64: {  	_ =	swait.ge @!p0 [sflag:s0], s1  }
0x65: {  	s1 =	ssub.s32 @!p0 $0x0, s1;
	[sflag:s0] =	ssyncset.done @!p0 $0x0  }
0x66: {  	[sflag:s0] =	ssyncadd.s32 @!p0 s1  }
0x67: {  	[bflag:$0x3] =	sbarrier.arrive $0xFFFF  }
0x68: {  	_ =	shalt  }

</sc_bundles>
